<compile_context>
chip_gen: v7x
topology: tpu7x:2x2x1
jax: 0.10.2.dev20260603
libtpu: 0.0.44.dev20260713+nightly
codegen_flags: <defaults>
</compile_context>

<pallas_src>
import functools

import jax
import jax.numpy as jnp
from jax import lax
from jax.experimental import pallas as pl
from jax.experimental.pallas import tpu as pltpu
from jax.experimental.pallas import tpu_sc as plsc

N = 10000
E = 320000
D = 128
OUT = 128
EPS = 1e-07
N_HEADS = 6

NC = 2
NS = 16
CHUNK = 64
NROWS = E // CHUNK
ROWS_TILE = 320
ROWS_LAST = NROWS - ROWS_TILE * (NS - 1)
NSPLIT = 640
NLAST = N - NSPLIT * (NS - 1)
STAGE = 40
RING = 4


def _square_body(x_ref, out_ref):
    xb = x_ref[...]
    out_ref[...] = xb * xb


def _square(x):
    blk = 2000
    return pl.pallas_call(
        _square_body,
        grid=(N // blk,),
        in_specs=[pl.BlockSpec((blk, D), lambda i: (i, 0))],
        out_specs=pl.BlockSpec((blk, D), lambda i: (i, 0)),
        out_shape=jax.ShapeDtypeStruct((N, D), jnp.float32),
    )(x)


def _seg_body(x_hbm, xsq_hbm, row_hbm, col_hbm, s1_hbm, s2_hbm,
              deg_hbm, row_v, col_v, gb0, gb1, gb2, gb3, zb, ones_v, acc, dacc,
              gsems, ssems, dsem, isem):
    cid = lax.axis_index("c")
    sid = lax.axis_index("s")
    last = sid == NS - 1
    gbufs = (gb0, gb1, gb2, gb3)

    zero16 = jnp.zeros((16,), jnp.float32)
    one16 = jnp.full((16,), 1.0, jnp.float32)

    def _zg(t, _):
        r = t // (D // 16)
        k = (t % (D // 16)) * 16
        gb0[r, pl.ds(k, 16)] = zero16
        gb1[r, pl.ds(k, 16)] = one16
        return 0
    lax.fori_loop(0, CHUNK * (D // 16), _zg, 0)

    stg = sid * 2 * CHUNK
    pltpu.sync_copy(gb0.at[pl.ds(0, CHUNK), pl.ds(0, 8)], dacc.at[pl.ds(stg, CHUNK)])
    pltpu.sync_copy(gb1.at[pl.ds(0, CHUNK), pl.ds(0, 8)],
                    dacc.at[pl.ds(stg + CHUNK, CHUNK)])
    pltpu.sync_copy(dacc.at[pl.ds(stg, CHUNK)], zb)
    pltpu.sync_copy(dacc.at[pl.ds(stg + CHUNK, CHUNK)], ones_v)

    nbase = sid * NSPLIT
    nz = jnp.where(last, NLAST // CHUNK, NSPLIT // CHUNK)

    def _zacc(t, _):
        pltpu.sync_copy(gb0, acc.at[pl.ds(nbase + t * CHUNK, CHUNK)])
        pltpu.sync_copy(zb, dacc.at[pl.ds(nbase + t * CHUNK, CHUNK)])
        return 0
    lax.fori_loop(0, nz, _zacc, 0)

    @pl.when(last)
    def _():
        tb = nbase + (NLAST // CHUNK) * CHUNK
        pltpu.sync_copy(gb0.at[pl.ds(0, NLAST % CHUNK)], acc.at[pl.ds(tb, NLAST % CHUNK)])
        pltpu.sync_copy(zb.at[pl.ds(0, NLAST % CHUNK)], dacc.at[pl.ds(tb, NLAST % CHUNK)])

    plsc.subcore_barrier()

    nstages = jnp.where(last, ROWS_LAST // STAGE, ROWS_TILE // STAGE)
    ips = STAGE // RING

    def _load_idx(st, p, sync):
        rb = sid * ROWS_TILE + st * STAGE
        if sync:
            pltpu.sync_copy(col_hbm.at[pl.ds(rb, STAGE)], col_v.at[p])
            pltpu.sync_copy(row_hbm.at[pl.ds(rb, STAGE)], row_v.at[p])
        else:
            pltpu.async_copy(col_hbm.at[pl.ds(rb, STAGE)], col_v.at[p], isem)
            pltpu.async_copy(row_hbm.at[pl.ds(rb, STAGE)], row_v.at[p], isem)

    def _main(src_hbm, with_deg):
        _load_idx(0, 0, True)
        _load_idx(1, 1, False)

        def _ring(kk, _):
            st = kk // ips
            p = st % 2
            jb = (kk % ips) * RING
            boundary = (kk % ips == 0) & (st > 0)

            @pl.when(boundary)
            def _():
                pltpu.make_async_copy(row_hbm.at[pl.ds(0, STAGE)], row_v.at[p],
                                      isem).wait()
                pltpu.make_async_copy(row_hbm.at[pl.ds(0, STAGE)], col_v.at[p],
                                      isem).wait()

            for b in range(RING):
                @pl.when(kk > 0)
                def _(b=b):
                    pltpu.make_async_copy(gbufs[b], acc.at[row_v.at[p, jb + b]],
                                          ssems.at[b]).wait()
                pltpu.async_copy(src_hbm.at[col_v.at[p, jb + b]], gbufs[b],
                                 gsems.at[b])

            @pl.when(boundary)
            def _():
                if with_deg:
                    def _dr(t, _):
                        pltpu.make_async_copy(ones_v, dacc.at[pl.ds(0, CHUNK)],
                                              dsem).wait()
                        return 0
                    lax.fori_loop(0, STAGE, _dr, 0)

                @pl.when(st + 1 < nstages)
                def _():
                    _load_idx(st + 1, 1 - p, False)

            for b in range(RING):
                pltpu.make_async_copy(src_hbm.at[col_v.at[p, jb + b]], gbufs[b],
                                      gsems.at[b]).wait()
                pltpu.async_copy(gbufs[b], acc.at[row_v.at[p, jb + b]],
                                 ssems.at[b], add=True)
                if with_deg:
                    pltpu.async_copy(ones_v, dacc.at[row_v.at[p, jb + b]], dsem,
                                     add=True)
            return 0
        lax.fori_loop(0, nstages * ips, _ring, 0)

        plast = (nstages - 1) % 2
        for b in range(RING):
            pltpu.make_async_copy(gbufs[b],
                                  acc.at[row_v.at[plast, STAGE - RING + b]],
                                  ssems.at[b]).wait()
        if with_deg:
            def _dr(t, _):
                pltpu.make_async_copy(ones_v, dacc.at[pl.ds(0, CHUNK)], dsem).wait()
                return 0
            lax.fori_loop(0, STAGE, _dr, 0)

    @pl.when(cid == 0)
    def _():
        _main(x_hbm, False)

    @pl.when(cid == 1)
    def _():
        _main(xsq_hbm, True)

    plsc.subcore_barrier()

    @pl.when((cid == 0) & jnp.logical_not(last))
    def _():
        pltpu.sync_copy(acc.at[pl.ds(nbase, NSPLIT)], s1_hbm.at[pl.ds(nbase, NSPLIT)])

    @pl.when((cid == 0) & last)
    def _():
        pltpu.sync_copy(acc.at[pl.ds(nbase, NLAST)], s1_hbm.at[pl.ds(nbase, NLAST)])

    @pl.when((cid == 1) & jnp.logical_not(last))
    def _():
        pltpu.sync_copy(acc.at[pl.ds(nbase, NSPLIT)], s2_hbm.at[pl.ds(nbase, NSPLIT)])
        pltpu.sync_copy(dacc.at[pl.ds(nbase, NSPLIT)], deg_hbm.at[pl.ds(nbase, NSPLIT)])

    @pl.when((cid == 1) & last)
    def _():
        pltpu.sync_copy(acc.at[pl.ds(nbase, NLAST)], s2_hbm.at[pl.ds(nbase, NLAST)])
        pltpu.sync_copy(dacc.at[pl.ds(nbase, NLAST)], deg_hbm.at[pl.ds(nbase, NLAST)])


_seg_kernel = functools.partial(
    pl.kernel,
    out_type=(jax.ShapeDtypeStruct((N, D), jnp.float32),
              jax.ShapeDtypeStruct((N, D), jnp.float32),
              jax.ShapeDtypeStruct((N, 8), jnp.float32)),
    mesh=plsc.VectorSubcoreMesh(core_axis_name="c", subcore_axis_name="s",
                                num_cores=NC, num_subcores=NS),
    compiler_params=pltpu.CompilerParams(use_tc_tiling_on_sc=False),
    scratch_types=[
        pltpu.VMEM((2, STAGE, CHUNK), jnp.int32),
        pltpu.VMEM((2, STAGE, CHUNK), jnp.int32),
        pltpu.VMEM((CHUNK, D), jnp.float32),
        pltpu.VMEM((CHUNK, D), jnp.float32),
        pltpu.VMEM((CHUNK, D), jnp.float32),
        pltpu.VMEM((CHUNK, D), jnp.float32),
        pltpu.VMEM((CHUNK, 8), jnp.float32),
        pltpu.VMEM((CHUNK, 8), jnp.float32),
        pltpu.VMEM_SHARED((N, D), jnp.float32),
        pltpu.VMEM_SHARED((N, 8), jnp.float32),
        pltpu.SemaphoreType.DMA((RING,)),
        pltpu.SemaphoreType.DMA((RING,)),
        pltpu.SemaphoreType.DMA,
        pltpu.SemaphoreType.DMA,
    ],
)(_seg_body)


def _epi_body(avg_ref, s1_ref, s2_ref, deg_ref, x_ref,
              wpre_ref, wlin_ref, bias_ref, out_ref):
    avg = avg_ref[0, 0]
    s1 = s1_ref[...]
    s2 = s2_ref[...]
    x = x_ref[...]
    std = jnp.sqrt(jnp.maximum(s2 - s1 * s1, 0.0) + EPS)
    logd = jnp.log(deg_ref[:, 0:1] + 1.0)
    amp = logd / avg
    att = avg / (logd + EPS)

    def dot_t(a, w):
        return lax.dot_general(a.astype(jnp.bfloat16), w.astype(jnp.bfloat16),
                               (((1,), (1,)), ((), ())),
                               preferred_element_type=jnp.float32)

    h_id = dot_t(s1, wpre_ref[0]) + dot_t(std, wpre_ref[3]) + dot_t(x, wlin_ref[...])
    h_amp = dot_t(s1, wpre_ref[1]) + dot_t(std, wpre_ref[4])
    h_att = dot_t(s1, wpre_ref[2]) + dot_t(std, wpre_ref[5])
    out_ref[...] = h_id + amp * h_amp + att * h_att + bias_ref[...]


def _epilogue(avg, s1, s2, deg, x, w_pre, w_lin, bias):
    blk = 2000
    return pl.pallas_call(
        _epi_body,
        grid=(N // blk,),
        in_specs=[
            pl.BlockSpec(memory_space=pltpu.SMEM),
            pl.BlockSpec((blk, D), lambda i: (i, 0)),
            pl.BlockSpec((blk, D), lambda i: (i, 0)),
            pl.BlockSpec((blk, 8), lambda i: (i, 0)),
            pl.BlockSpec((blk, D), lambda i: (i, 0)),
            pl.BlockSpec((N_HEADS, OUT, D), lambda i: (0, 0, 0)),
            pl.BlockSpec((OUT, D), lambda i: (0, 0)),
            pl.BlockSpec((1, OUT), lambda i: (0, 0)),
        ],
        out_specs=pl.BlockSpec((blk, OUT), lambda i: (i, 0)),
        out_shape=jax.ShapeDtypeStruct((N, OUT), jnp.float32),
    )(avg, s1, s2, deg, x, w_pre, w_lin, bias)


def kernel(x, edge_index, avg_deg_log, W_pre, W_lin, bias):
    row2 = edge_index[0].reshape(NROWS, CHUNK)
    col2 = edge_index[1].reshape(NROWS, CHUNK)

    xsq = _square(x)
    s1, s2, deg = _seg_kernel(x, xsq, row2, col2)

    avg = jnp.reshape(avg_deg_log, (1, 1))
    return _epilogue(avg, s1, s2, deg, x, W_pre, W_lin, bias.reshape(1, OUT))

# --- scband reference (transcript-rebuilt; emitter-appended) ---
"""Pipeline reference for scband-pnaconv-34050500722694 (READ-ONLY COPY).

The authoritative reference and input builder live on the scoring server;
editing this copy changes nothing except your own understanding.
"""

import jax, jax.numpy as jnp
import numpy as np

N = 10000
E = 320000
D = 128
OUT = 128
EPS = 1e-07
AGGREGATORS = ['mean', 'std']
SCALERS = ['identity', 'amplification', 'attenuation']
N_HEADS = len(AGGREGATORS) * len(SCALERS)


def _glorot(key, shape):
    fan_in, fan_out = shape[-1], shape[-2]
    limit = np.sqrt(6.0 / (fan_in + fan_out))
    return jax.random.uniform(key, shape, jnp.float32, -limit, limit)


def setup_inputs(seed: int = 0):
    key = jax.random.key(seed)
    k1, k2, k3, k4 = jax.random.split(key, 4)
    x = jax.random.normal(k1, (N, D), jnp.float32)
    edge_index = jax.random.randint(k2, (2, E), 0, N, jnp.int32)
    # avg_deg['log'] = mean over nodes of log(deg + 1), as in PNA
    deg = jax.ops.segment_sum(jnp.ones((E,), jnp.float32), edge_index[0], num_segments=N)
    avg_deg_log = jnp.mean(jnp.log(deg + 1.0)).astype(jnp.float32)
    # 6 pre_lins (one per (aggregator, scaler) pair), each Linear(in=D, out=OUT, bias=False)
    W_pre = _glorot(k3, (N_HEADS, OUT, D))
    W_lin = _glorot(k4, (OUT, D))
    bias = jnp.zeros((OUT,), jnp.float32)
    return {'x': x, 'edge_index': edge_index, 'avg_deg_log': avg_deg_log,
            'W_pre': W_pre, 'W_lin': W_lin, 'bias': bias}


def reference(x, edge_index, avg_deg_log, W_pre, W_lin, bias):
    row = edge_index[0]  # dst node (CSR row of adj_t)
    col = edge_index[1]  # src node
    deg = jax.ops.segment_sum(jnp.ones((E,), x.dtype), row, num_segments=N).reshape(-1, 1)
    # adj_t @ x  and  adj_t @ x**2  (binary adjacency -> scatter-add of gathered src feats)
    msg = jnp.take(x, col, axis=0)
    s1 = jax.ops.segment_sum(msg, row, num_segments=N)
    s2 = jax.ops.segment_sum(msg * msg, row, num_segments=N)
    x_g = {}
    x_g['mean'] = s1
    x_g['std'] = jnp.sqrt(jnp.maximum(s2 - s1 * s1, 0.0) + EPS)
    outs = []
    i = 0
    for aggr in AGGREGATORS:
        for scaler in SCALERS:
            h = x_g[aggr] @ W_pre[i].T
            if scaler == 'amplification':
                h = h * (jnp.log(deg + 1.0) / avg_deg_log)
            elif scaler == 'attenuation':
                h = h * (avg_deg_log / (jnp.log(deg + 1.0) + EPS))
            outs.append(h[:, None, :])
            i += 1
    out = jnp.concatenate(outs, axis=1)
    out = jnp.sum(out, axis=1)  # concat=False
    out = out + x @ W_lin.T
    out = out + bias
    return out

if __name__ == "__main__":
    import jax
    _d = setup_inputs()
    print(jax.jit(kernel)(*tuple(_d.values())))

</pallas_src>

<mosaic_0001>
#map = affine_map<(d0, d1) -> (0, 0)>
module attributes {stable_mosaic.version = 14 : i64} {
  func.func @_seg_body(%arg0: i32, %arg1: i32, %arg2: memref<10000x128xf32, #tpu.memory_space<hbm>>, %arg3: memref<10000x128xf32, #tpu.memory_space<hbm>>, %arg4: memref<5000x64xi32, #tpu.memory_space<hbm>>, %arg5: memref<5000x64xi32, #tpu.memory_space<hbm>>, %arg6: memref<10000x128xf32, #tpu.memory_space<hbm>>, %arg7: memref<10000x128xf32, #tpu.memory_space<hbm>>, %arg8: memref<10000x8xf32, #tpu.memory_space<hbm>>, %arg9: memref<2x40x64xi32, #tpu.memory_space<vmem>>, %arg10: memref<2x40x64xi32, #tpu.memory_space<vmem>>, %arg11: memref<64x128xf32, #tpu.memory_space<vmem>>, %arg12: memref<64x128xf32, #tpu.memory_space<vmem>>, %arg13: memref<64x128xf32, #tpu.memory_space<vmem>>, %arg14: memref<64x128xf32, #tpu.memory_space<vmem>>, %arg15: memref<64x8xf32, #tpu.memory_space<vmem>>, %arg16: memref<64x8xf32, #tpu.memory_space<vmem>>, %arg17: memref<10000x128xf32, #tpu.memory_space<vmem_shared>>, %arg18: memref<10000x8xf32, #tpu.memory_space<vmem_shared>>, %arg19: memref<4x!tpu.dma_semaphore, #tpu.memory_space<semaphore_mem>>, %arg20: memref<4x!tpu.dma_semaphore, #tpu.memory_space<semaphore_mem>>, %arg21: memref<!tpu.dma_semaphore, #tpu.memory_space<semaphore_mem>>, %arg22: memref<!tpu.dma_semaphore, #tpu.memory_space<semaphore_mem>>) attributes {dimension_semantics = [#tpu.dimension_semantics<core_parallel>, #tpu.dimension_semantics<subcore_parallel>], iteration_bounds = array<i64: 2, 16>, scalar_prefetch = 0 : i64, scratch_operands = 14 : i64, tpu.core_type = #tpu.core_type<sc_vector_subcore>, window_params = [{transform_indices = #map}, {transform_indices = #map}, {transform_indices = #map}, {transform_indices = #map}, {transform_indices = #map}, {transform_indices = #map}, {transform_indices = #map}]} {
    %eq3A = arith.constant 15 : i32
    %eq3A_0 = arith.cmpi eq, %arg1, %eq3A : i32
    %broadcast_in_dim3A = arith.constant 0.000000e+00 : f32
    %broadcast_in_dim3A_1 = vector.broadcast %broadcast_in_dim3A : f32 to vector<16xf32>
    %broadcast_in_dim3A_2 = arith.constant 1.000000e+00 : f32
    %broadcast_in_dim3A_3 = vector.broadcast %broadcast_in_dim3A_2 : f32 to vector<16xf32>
    %scan3A = arith.constant 0 : i32
    %scan3A_4 = arith.constant 0 : i32
    %scan3A_5 = arith.constant 512 : i32
    %scan3A_6 = arith.addi %scan3A_4, %scan3A_5 : i32
    %scan3A_7 = arith.constant 1 : i32
    %scan3A_8 = scf.for %scan3A_71 = %scan3A_4 to %scan3A_6 step %scan3A_7 iter_args(%scan3A_72 = %scan3A) -> (i32)  : i32 {
      %jit3A_73 = arith.constant 8 : i32
      %div3A = arith.divsi %scan3A_71, %jit3A_73 : i32
      %sign3A = arith.constant 0 : i32
      %sign3A_74 = arith.cmpi sgt, %scan3A_71, %sign3A : i32
      %sign3A_75 = arith.extui %sign3A_74 : i1 to i32
      %sign3A_76 = arith.constant 0 : i32
      %sign3A_77 = arith.cmpi slt, %scan3A_71, %sign3A_76 : i32
      %sign3A_78 = arith.extui %sign3A_77 : i1 to i32
      %sign3A_79 = arith.subi %sign3A_75, %sign3A_78 : i32
      %sign3A_80 = arith.constant 0 : i32
      %sign3A_81 = arith.cmpi sgt, %jit3A_73, %sign3A_80 : i32
      %sign3A_82 = arith.extui %sign3A_81 : i1 to i32
      %sign3A_83 = arith.constant 0 : i32
      %sign3A_84 = arith.cmpi slt, %jit3A_73, %sign3A_83 : i32
      %sign3A_85 = arith.extui %sign3A_84 : i1 to i32
      %sign3A_86 = arith.subi %sign3A_82, %sign3A_85 : i32
      %ne3A = arith.cmpi ne, %sign3A_79, %sign3A_86 : i32
      %rem3A = arith.remsi %scan3A_71, %jit3A_73 : i32
      %ne3A_87 = arith.constant 0 : i32
      %ne3A_88 = arith.cmpi ne, %rem3A, %ne3A_87 : i32
      %and3A_89 = arith.andi %ne3A, %ne3A_88 : i1
      %sub3A = arith.constant 1 : i32
      %sub3A_90 = arith.subi %div3A, %sub3A : i32
      %select_n3A_91 = arith.select %and3A_89, %sub3A_90, %div3A : i32
      %jit3A_92 = arith.constant 8 : i32
      %eq3A_93 = arith.constant 0 : i32
      %eq3A_94 = arith.cmpi eq, %jit3A_92, %eq3A_93 : i32
      %jit3A_95 = arith.constant 1 : i32
      %select_n3A_96 = arith.select %eq3A_94, %jit3A_95, %jit3A_92 : i32
      %rem3A_97 = arith.remsi %scan3A_71, %select_n3A_96 : i32
      %ne3A_98 = arith.constant 0 : i32
      %ne3A_99 = arith.cmpi ne, %rem3A_97, %ne3A_98 : i32
      %lt3A = arith.constant 0 : i32
      %lt3A_100 = arith.cmpi slt, %rem3A_97, %lt3A : i32
      %lt3A_101 = arith.constant 0 : i32
      %lt3A_102 = arith.cmpi slt, %select_n3A_96, %lt3A_101 : i32
      %ne3A_103 = arith.xori %lt3A_100, %lt3A_102 : i1
      %and3A_104 = arith.andi %ne3A_103, %ne3A_99 : i1
      %add3A_105 = arith.addi %rem3A_97, %select_n3A_96 : i32
      %select_n3A_106 = arith.select %and3A_104, %add3A_105, %rem3A_97 : i32
      %mul3A_107 = arith.constant 16 : i32
      %mul3A_108 = arith.muli %select_n3A_106, %mul3A_107 : i32
      %swap3A = arith.index_cast %select_n3A_91 : i32 to index
      %swap3A_109 = arith.index_cast %mul3A_108 : i32 to index
      %swap3A_110 = tpu.vector_load %arg11[%swap3A, %swap3A_109] {strides = array<i32>} : memref<64x128xf32, #tpu.memory_space<vmem>>, vector<1x16xf32>,
      %swap3A_111 = vector.shape_cast %swap3A_110 : vector<1x16xf32> to vector<16xf32>
      %swap3A_112 = vector.shape_cast %broadcast_in_dim3A_1 : vector<16xf32> to vector<1x16xf32>
      tpu.vector_store %arg11[%swap3A, %swap3A_109], %swap3A_112 {strides = array<i32>} : memref<64x128xf32, #tpu.memory_space<vmem>>, vector<1x16xf32>,
      %swap3A_113 = arith.index_cast %select_n3A_91 : i32 to index
      %swap3A_114 = arith.index_cast %mul3A_108 : i32 to index
      %swap3A_115 = tpu.vector_load %arg12[%swap3A_113, %swap3A_114] {strides = array<i32>} : memref<64x128xf32, #tpu.memory_space<vmem>>, vector<1x16xf32>,
      %swap3A_116 = vector.shape_cast %swap3A_115 : vector<1x16xf32> to vector<16xf32>
      %swap3A_117 = vector.shape_cast %broadcast_in_dim3A_3 : vector<16xf32> to vector<1x16xf32>
      tpu.vector_store %arg12[%swap3A_113, %swap3A_114], %swap3A_117 {strides = array<i32>} : memref<64x128xf32, #tpu.memory_space<vmem>>, vector<1x16xf32>,
      %scan3A_118 = arith.constant 0 : i32
      scf.yield %scan3A_118 : i32
    }
    %scan3A_9 = arith.constant 512 : i32
    %mul3A = arith.constant 2 : i32
    %mul3A_10 = arith.muli %arg1, %mul3A : i32
    %mul3A_11 = arith.constant 64 : i32
    %mul3A_12 = arith.muli %mul3A_10, %mul3A_11 : i32
    "tpu.region"() ({
      %run_scoped3A = tpu.sem_alloc : memref<!tpu.dma_semaphore, #tpu.memory_space<semaphore_mem>>
      %dma_start3A = arith.constant 0 : i32
      %dma_start3A_71 = arith.constant 0 : i32
      %dma_start3A_72 = tpu.memref_slice %arg11[%dma_start3A, %dma_start3A_71] : memref<64x128xf32, #tpu.memory_space<vmem>> -> memref<64x8xf32, #tpu.memory_space<vmem>>
      %dma_start3A_73 = arith.constant 0 : i32
      %dma_start3A_74 = tpu.memref_slice %arg18[%mul3A_12, %dma_start3A_73] : memref<10000x8xf32, #tpu.memory_space<vmem_shared>> -> memref<64x8xf32, #tpu.memory_space<vmem_shared>>
      %dma_start3A_75 = arith.constant 0 : i32
      %dma_start3A_76 = tpu.memref_slice %arg18[%mul3A_12, %dma_start3A_75] : memref<10000x8xf32, #tpu.memory_space<vmem_shared>> -> memref<64x8xf32, #tpu.memory_space<vmem_shared>>
      %dma_start3A_77 = arith.constant 0 : i32
      %dma_start3A_78 = arith.constant 0 : i32
      %dma_start3A_79 = tpu.memref_slice %arg11[%dma_start3A_77, %dma_start3A_78] : memref<64x128xf32, #tpu.memory_space<vmem>> -> memref<64x8xf32, #tpu.memory_space<vmem>>
      tpu.enqueue_dma source(%dma_start3A_79 : memref<64x8xf32, #tpu.memory_space<vmem>>) target(%dma_start3A_76 : memref<64x8xf32, #tpu.memory_space<vmem_shared>>) target_semaphore(%run_scoped3A : memref<!tpu.dma_semaphore, #tpu.memory_space<semaphore_mem>>)
      %dma_wait3A = arith.constant 0 : i32
      %dma_wait3A_80 = arith.constant 0 : i32
      %dma_wait3A_81 = tpu.memref_slice %arg11[%dma_wait3A, %dma_wait3A_80] : memref<64x128xf32, #tpu.memory_space<vmem>> -> memref<64x8xf32, #tpu.memory_space<vmem>>
      %dma_wait3A_82 = arith.constant 0 : i32
      %dma_wait3A_83 = tpu.memref_slice %arg18[%mul3A_12, %dma_wait3A_82] : memref<10000x8xf32, #tpu.memory_space<vmem_shared>> -> memref<64x8xf32, #tpu.memory_space<vmem_shared>>
      %dma_wait3A_84 = arith.constant 0 : i32
      %dma_wait3A_85 = tpu.memref_slice %arg18[%mul3A_12, %dma_wait3A_84] : memref<10000x8xf32, #tpu.memory_space<vmem_shared>> -> memref<64x8xf32, #tpu.memory_space<vmem_shared>>
      %dma_wait3A_86 = arith.constant 0 : i32
      %dma_wait3A_87 = arith.constant 0 : i32
      %dma_wait3A_88 = tpu.memref_slice %arg11[%dma_wait3A_86, %dma_wait3A_87] : memref<64x128xf32, #tpu.memory_space<vmem>> -> memref<64x8xf32, #tpu.memory_space<vmem>>
      tpu.wait_dma2 semaphore(%run_scoped3A : memref<!tpu.dma_semaphore, #tpu.memory_space<semaphore_mem>>) src(%dma_wait3A_88 : memref<64x8xf32, #tpu.memory_space<vmem>>) dst(%dma_wait3A_85 : memref<64x8xf32, #tpu.memory_space<vmem_shared>>)
      tpu.yield
    }) : () -> ()
    %add3A = arith.constant 64 : i32
    %add3A_13 = arith.addi %mul3A_12, %add3A : i32
    "tpu.region"() ({
      %run_scoped3A = tpu.sem_alloc : memref<!tpu.dma_semaphore, #tpu.memory_space<semaphore_mem>>
      %dma_start3A = arith.constant 0 : i32
      %dma_start3A_71 = arith.constant 0 : i32
      %dma_start3A_72 = tpu.memref_slice %arg12[%dma_start3A, %dma_start3A_71] : memref<64x128xf32, #tpu.memory_space<vmem>> -> memref<64x8xf32, #tpu.memory_space<vmem>>
      %dma_start3A_73 = arith.constant 0 : i32
      %dma_start3A_74 = tpu.memref_slice %arg18[%add3A_13, %dma_start3A_73] : memref<10000x8xf32, #tpu.memory_space<vmem_shared>> -> memref<64x8xf32, #tpu.memory_space<vmem_shared>>
      %dma_start3A_75 = arith.constant 0 : i32
      %dma_start3A_76 = tpu.memref_slice %arg18[%add3A_13, %dma_start3A_75] : memref<10000x8xf32, #tpu.memory_space<vmem_shared>> -> memref<64x8xf32, #tpu.memory_space<vmem_shared>>
      %dma_start3A_77 = arith.constant 0 : i32
      %dma_start3A_78 = arith.constant 0 : i32
      %dma_start3A_79 = tpu.memref_slice %arg12[%dma_start3A_77, %dma_start3A_78] : memref<64x128xf32, #tpu.memory_space<vmem>> -> memref<64x8xf32, #tpu.memory_space<vmem>>
      tpu.enqueue_dma source(%dma_start3A_79 : memref<64x8xf32, #tpu.memory_space<vmem>>) target(%dma_start3A_76 : memref<64x8xf32, #tpu.memory_space<vmem_shared>>) target_semaphore(%run_scoped3A : memref<!tpu.dma_semaphore, #tpu.memory_space<semaphore_mem>>)
      %dma_wait3A = arith.constant 0 : i32
      %dma_wait3A_80 = arith.constant 0 : i32
      %dma_wait3A_81 = tpu.memref_slice %arg12[%dma_wait3A, %dma_wait3A_80] : memref<64x128xf32, #tpu.memory_space<vmem>> -> memref<64x8xf32, #tpu.memory_space<vmem>>
      %dma_wait3A_82 = arith.constant 0 : i32
      %dma_wait3A_83 = tpu.memref_slice %arg18[%add3A_13, %dma_wait3A_82] : memref<10000x8xf32, #tpu.memory_space<vmem_shared>> -> memref<64x8xf32, #tpu.memory_space<vmem_shared>>
      %dma_wait3A_84 = arith.constant 0 : i32
      %dma_wait3A_85 = tpu.memref_slice %arg18[%add3A_13, %dma_wait3A_84] : memref<10000x8xf32, #tpu.memory_space<vmem_shared>> -> memref<64x8xf32, #tpu.memory_space<vmem_shared>>
      %dma_wait3A_86 = arith.constant 0 : i32
      %dma_wait3A_87 = arith.constant 0 : i32
      %dma_wait3A_88 = tpu.memref_slice %arg12[%dma_wait3A_86, %dma_wait3A_87] : memref<64x128xf32, #tpu.memory_space<vmem>> -> memref<64x8xf32, #tpu.memory_space<vmem>>
      tpu.wait_dma2 semaphore(%run_scoped3A : memref<!tpu.dma_semaphore, #tpu.memory_space<semaphore_mem>>) src(%dma_wait3A_88 : memref<64x8xf32, #tpu.memory_space<vmem>>) dst(%dma_wait3A_85 : memref<64x8xf32, #tpu.memory_space<vmem_shared>>)
      tpu.yield
    }) : () -> ()
    "tpu.region"() ({
      %run_scoped3A = tpu.sem_alloc : memref<!tpu.dma_semaphore, #tpu.memory_space<semaphore_mem>>
      %dma_start3A = arith.constant 0 : i32
      %dma_start3A_71 = tpu.memref_slice %arg18[%mul3A_12, %dma_start3A] : memref<10000x8xf32, #tpu.memory_space<vmem_shared>> -> memref<64x8xf32, #tpu.memory_space<vmem_shared>>
      %dma_start3A_72 = arith.constant 0 : i32
      %dma_start3A_73 = tpu.memref_slice %arg18[%mul3A_12, %dma_start3A_72] : memref<10000x8xf32, #tpu.memory_space<vmem_shared>> -> memref<64x8xf32, #tpu.memory_space<vmem_shared>>
      tpu.enqueue_dma source(%dma_start3A_73 : memref<64x8xf32, #tpu.memory_space<vmem_shared>>) target(%arg15 : memref<64x8xf32, #tpu.memory_space<vmem>>) target_semaphore(%run_scoped3A : memref<!tpu.dma_semaphore, #tpu.memory_space<semaphore_mem>>)
      %dma_wait3A = arith.constant 0 : i32
      %dma_wait3A_74 = tpu.memref_slice %arg18[%mul3A_12, %dma_wait3A] : memref<10000x8xf32, #tpu.memory_space<vmem_shared>> -> memref<64x8xf32, #tpu.memory_space<vmem_shared>>
      %dma_wait3A_75 = arith.constant 0 : i32
      %dma_wait3A_76 = tpu.memref_slice %arg18[%mul3A_12, %dma_wait3A_75] : memref<10000x8xf32, #tpu.memory_space<vmem_shared>> -> memref<64x8xf32, #tpu.memory_space<vmem_shared>>
      tpu.wait_dma2 semaphore(%run_scoped3A : memref<!tpu.dma_semaphore, #tpu.memory_space<semaphore_mem>>) src(%dma_wait3A_76 : memref<64x8xf32, #tpu.memory_space<vmem_shared>>) dst(%arg15 : memref<64x8xf32, #tpu.memory_space<vmem>>)
      tpu.yield
    }) : () -> ()
    %add3A_14 = arith.constant 64 : i32
    %add3A_15 = arith.addi %mul3A_12, %add3A_14 : i32
    "tpu.region"() ({
      %run_scoped3A = tpu.sem_alloc : memref<!tpu.dma_semaphore, #tpu.memory_space<semaphore_mem>>
      %dma_start3A = arith.constant 0 : i32
      %dma_start3A_71 = tpu.memref_slice %arg18[%add3A_15, %dma_start3A] : memref<10000x8xf32, #tpu.memory_space<vmem_shared>> -> memref<64x8xf32, #tpu.memory_space<vmem_shared>>
      %dma_start3A_72 = arith.constant 0 : i32
      %dma_start3A_73 = tpu.memref_slice %arg18[%add3A_15, %dma_start3A_72] : memref<10000x8xf32, #tpu.memory_space<vmem_shared>> -> memref<64x8xf32, #tpu.memory_space<vmem_shared>>
      tpu.enqueue_dma source(%dma_start3A_73 : memref<64x8xf32, #tpu.memory_space<vmem_shared>>) target(%arg16 : memref<64x8xf32, #tpu.memory_space<vmem>>) target_semaphore(%run_scoped3A : memref<!tpu.dma_semaphore, #tpu.memory_space<semaphore_mem>>)
      %dma_wait3A = arith.constant 0 : i32
      %dma_wait3A_74 = tpu.memref_slice %arg18[%add3A_15, %dma_wait3A] : memref<10000x8xf32, #tpu.memory_space<vmem_shared>> -> memref<64x8xf32, #tpu.memory_space<vmem_shared>>
      %dma_wait3A_75 = arith.constant 0 : i32
      %dma_wait3A_76 = tpu.memref_slice %arg18[%add3A_15, %dma_wait3A_75] : memref<10000x8xf32, #tpu.memory_space<vmem_shared>> -> memref<64x8xf32, #tpu.memory_space<vmem_shared>>
      tpu.wait_dma2 semaphore(%run_scoped3A : memref<!tpu.dma_semaphore, #tpu.memory_space<semaphore_mem>>) src(%dma_wait3A_76 : memref<64x8xf32, #tpu.memory_space<vmem_shared>>) dst(%arg16 : memref<64x8xf32, #tpu.memory_space<vmem>>)
      tpu.yield
    }) : () -> ()
    %mul3A_16 = arith.constant 640 : i32
    %mul3A_17 = arith.muli %arg1, %mul3A_16 : i32
    %jit3A = arith.constant 6 : i32
    %jit3A_18 = arith.constant 10 : i32
    %select_n3A = arith.select %eq3A_0, %jit3A, %jit3A_18 : i32
    %while3A = arith.constant 0 : i32
    %while3A_19 = arith.constant 0 : i32
    %while3A_20 = arith.subi %select_n3A, %while3A : i32
    %while3A_21 = arith.addi %while3A, %while3A_20 : i32
    %while3A_22 = arith.constant 1 : i32
    %while3A_23 = arith.divsi %while3A_20, %while3A_22 : i32
    %while3A_24 = arith.muli %while3A_23, %while3A_22 : i32
    %while3A_25 = arith.addi %while3A, %while3A_24 : i32
    %while3A_26 = arith.constant 1 : i32
    %while3A_27 = scf.for %while3A_71 = %while3A to %while3A_25 step %while3A_26 iter_args(%while3A_72 = %while3A_19) -> (i32)  : i32 {
      %mul3A_73 = arith.constant 64 : i32
      %mul3A_74 = arith.muli %while3A_71, %mul3A_73 : i32
      %add3A_75 = arith.addi %mul3A_17, %mul3A_74 : i32
      "tpu.region"() ({
        %run_scoped3A = tpu.sem_alloc : memref<!tpu.dma_semaphore, #tpu.memory_space<semaphore_mem>>
        %dma_start3A = arith.constant 0 : i32
        %dma_start3A_80 = tpu.memref_slice %arg17[%add3A_75, %dma_start3A] : memref<10000x128xf32, #tpu.memory_space<vmem_shared>> -> memref<64x128xf32, #tpu.memory_space<vmem_shared>>
        %dma_start3A_81 = arith.constant 0 : i32
        %dma_start3A_82 = tpu.memref_slice %arg17[%add3A_75, %dma_start3A_81] : memref<10000x128xf32, #tpu.memory_space<vmem_shared>> -> memref<64x128xf32, #tpu.memory_space<vmem_shared>>
        tpu.enqueue_dma source(%arg11 : memref<64x128xf32, #tpu.memory_space<vmem>>) target(%dma_start3A_82 : memref<64x128xf32, #tpu.memory_space<vmem_shared>>) target_semaphore(%run_scoped3A : memref<!tpu.dma_semaphore, #tpu.memory_space<semaphore_mem>>)
        %dma_wait3A = arith.constant 0 : i32
        %dma_wait3A_83 = tpu.memref_slice %arg17[%add3A_75, %dma_wait3A] : memref<10000x128xf32, #tpu.memory_space<vmem_shared>> -> memref<64x128xf32, #tpu.memory_space<vmem_shared>>
        %dma_wait3A_84 = arith.constant 0 : i32
        %dma_wait3A_85 = tpu.memref_slice %arg17[%add3A_75, %dma_wait3A_84] : memref<10000x128xf32, #tpu.memory_space<vmem_shared>> -> memref<64x128xf32, #tpu.memory_space<vmem_shared>>
        tpu.wait_dma2 semaphore(%run_scoped3A : memref<!tpu.dma_semaphore, #tpu.memory_space<semaphore_mem>>) src(%arg11 : memref<64x128xf32, #tpu.memory_space<vmem>>) dst(%dma_wait3A_85 : memref<64x128xf32, #tpu.memory_space<vmem_shared>>)
        tpu.yield
      }) : () -> ()
      %mul3A_76 = arith.constant 64 : i32
      %mul3A_77 = arith.muli %while3A_71, %mul3A_76 : i32
      %add3A_78 = arith.addi %mul3A_17, %mul3A_77 : i32
      "tpu.region"() ({
        %run_scoped3A = tpu.sem_alloc : memref<!tpu.dma_semaphore, #tpu.memory_space<semaphore_mem>>
        %dma_start3A = arith.constant 0 : i32
        %dma_start3A_80 = tpu.memref_slice %arg18[%add3A_78, %dma_start3A] : memref<10000x8xf32, #tpu.memory_space<vmem_shared>> -> memref<64x8xf32, #tpu.memory_space<vmem_shared>>
        %dma_start3A_81 = arith.constant 0 : i32
        %dma_start3A_82 = tpu.memref_slice %arg18[%add3A_78, %dma_start3A_81] : memref<10000x8xf32, #tpu.memory_space<vmem_shared>> -> memref<64x8xf32, #tpu.memory_space<vmem_shared>>
        tpu.enqueue_dma source(%arg15 : memref<64x8xf32, #tpu.memory_space<vmem>>) target(%dma_start3A_82 : memref<64x8xf32, #tpu.memory_space<vmem_shared>>) target_semaphore(%run_scoped3A : memref<!tpu.dma_semaphore, #tpu.memory_space<semaphore_mem>>)
        %dma_wait3A = arith.constant 0 : i32
        %dma_wait3A_83 = tpu.memref_slice %arg18[%add3A_78, %dma_wait3A] : memref<10000x8xf32, #tpu.memory_space<vmem_shared>> -> memref<64x8xf32, #tpu.memory_space<vmem_shared>>
        %dma_wait3A_84 = arith.constant 0 : i32
        %dma_wait3A_85 = tpu.memref_slice %arg18[%add3A_78, %dma_wait3A_84] : memref<10000x8xf32, #tpu.memory_space<vmem_shared>> -> memref<64x8xf32, #tpu.memory_space<vmem_shared>>
        tpu.wait_dma2 semaphore(%run_scoped3A : memref<!tpu.dma_semaphore, #tpu.memory_space<semaphore_mem>>) src(%arg15 : memref<64x8xf32, #tpu.memory_space<vmem>>) dst(%dma_wait3A_85 : memref<64x8xf32, #tpu.memory_space<vmem_shared>>)
        tpu.yield
      }) : () -> ()
      %while3A_79 = arith.constant 0 : i32
      scf.yield %while3A_79 : i32
    }
    %while3A_28 = arith.constant 1 : i32
    %while3A_29 = scf.for %while3A_71 = %while3A_25 to %while3A_21 step %while3A_28 iter_args(%while3A_72 = %while3A_27) -> (i32)  : i32 {
      %mul3A_73 = arith.constant 64 : i32
      %mul3A_74 = arith.muli %while3A_71, %mul3A_73 : i32
      %add3A_75 = arith.addi %mul3A_17, %mul3A_74 : i32
      "tpu.region"() ({
        %run_scoped3A = tpu.sem_alloc : memref<!tpu.dma_semaphore, #tpu.memory_space<semaphore_mem>>
        %dma_start3A = arith.constant 0 : i32
        %dma_start3A_80 = tpu.memref_slice %arg17[%add3A_75, %dma_start3A] : memref<10000x128xf32, #tpu.memory_space<vmem_shared>> -> memref<64x128xf32, #tpu.memory_space<vmem_shared>>
        %dma_start3A_81 = arith.constant 0 : i32
        %dma_start3A_82 = tpu.memref_slice %arg17[%add3A_75, %dma_start3A_81] : memref<10000x128xf32, #tpu.memory_space<vmem_shared>> -> memref<64x128xf32, #tpu.memory_space<vmem_shared>>
        tpu.enqueue_dma source(%arg11 : memref<64x128xf32, #tpu.memory_space<vmem>>) target(%dma_start3A_82 : memref<64x128xf32, #tpu.memory_space<vmem_shared>>) target_semaphore(%run_scoped3A : memref<!tpu.dma_semaphore, #tpu.memory_space<semaphore_mem>>)
        %dma_wait3A = arith.constant 0 : i32
        %dma_wait3A_83 = tpu.memref_slice %arg17[%add3A_75, %dma_wait3A] : memref<10000x128xf32, #tpu.memory_space<vmem_shared>> -> memref<64x128xf32, #tpu.memory_space<vmem_shared>>
        %dma_wait3A_84 = arith.constant 0 : i32
        %dma_wait3A_85 = tpu.memref_slice %arg17[%add3A_75, %dma_wait3A_84] : memref<10000x128xf32, #tpu.memory_space<vmem_shared>> -> memref<64x128xf32, #tpu.memory_space<vmem_shared>>
        tpu.wait_dma2 semaphore(%run_scoped3A : memref<!tpu.dma_semaphore, #tpu.memory_space<semaphore_mem>>) src(%arg11 : memref<64x128xf32, #tpu.memory_space<vmem>>) dst(%dma_wait3A_85 : memref<64x128xf32, #tpu.memory_space<vmem_shared>>)
        tpu.yield
      }) : () -> ()
      %mul3A_76 = arith.constant 64 : i32
      %mul3A_77 = arith.muli %while3A_71, %mul3A_76 : i32
      %add3A_78 = arith.addi %mul3A_17, %mul3A_77 : i32
      "tpu.region"() ({
        %run_scoped3A = tpu.sem_alloc : memref<!tpu.dma_semaphore, #tpu.memory_space<semaphore_mem>>
        %dma_start3A = arith.constant 0 : i32
        %dma_start3A_80 = tpu.memref_slice %arg18[%add3A_78, %dma_start3A] : memref<10000x8xf32, #tpu.memory_space<vmem_shared>> -> memref<64x8xf32, #tpu.memory_space<vmem_shared>>
        %dma_start3A_81 = arith.constant 0 : i32
        %dma_start3A_82 = tpu.memref_slice %arg18[%add3A_78, %dma_start3A_81] : memref<10000x8xf32, #tpu.memory_space<vmem_shared>> -> memref<64x8xf32, #tpu.memory_space<vmem_shared>>
        tpu.enqueue_dma source(%arg15 : memref<64x8xf32, #tpu.memory_space<vmem>>) target(%dma_start3A_82 : memref<64x8xf32, #tpu.memory_space<vmem_shared>>) target_semaphore(%run_scoped3A : memref<!tpu.dma_semaphore, #tpu.memory_space<semaphore_mem>>)
        %dma_wait3A = arith.constant 0 : i32
        %dma_wait3A_83 = tpu.memref_slice %arg18[%add3A_78, %dma_wait3A] : memref<10000x8xf32, #tpu.memory_space<vmem_shared>> -> memref<64x8xf32, #tpu.memory_space<vmem_shared>>
        %dma_wait3A_84 = arith.constant 0 : i32
        %dma_wait3A_85 = tpu.memref_slice %arg18[%add3A_78, %dma_wait3A_84] : memref<10000x8xf32, #tpu.memory_space<vmem_shared>> -> memref<64x8xf32, #tpu.memory_space<vmem_shared>>
        tpu.wait_dma2 semaphore(%run_scoped3A : memref<!tpu.dma_semaphore, #tpu.memory_space<semaphore_mem>>) src(%arg15 : memref<64x8xf32, #tpu.memory_space<vmem>>) dst(%dma_wait3A_85 : memref<64x8xf32, #tpu.memory_space<vmem_shared>>)
        tpu.yield
      }) : () -> ()
      %while3A_79 = arith.constant 0 : i32
      scf.yield %while3A_79 : i32
    }
    %convert_element_type3A = arith.extui %eq3A_0 : i1 to i32
    %cond3A = arith.constant 0 : i32
    %cond3A_30 = arith.cmpi ne, %convert_element_type3A, %cond3A : i32
    scf.if %cond3A_30 {
      %add3A_71 = arith.constant 384 : i32
      %add3A_72 = arith.addi %mul3A_17, %add3A_71 : i32
      "tpu.region"() ({
        %run_scoped3A = tpu.sem_alloc : memref<!tpu.dma_semaphore, #tpu.memory_space<semaphore_mem>>
        %dma_start3A = arith.constant 0 : i32
        %dma_start3A_73 = arith.constant 0 : i32
        %dma_start3A_74 = tpu.memref_slice %arg11[%dma_start3A, %dma_start3A_73] : memref<64x128xf32, #tpu.memory_space<vmem>> -> memref<16x128xf32, #tpu.memory_space<vmem>>
        %dma_start3A_75 = arith.constant 0 : i32
        %dma_start3A_76 = tpu.memref_slice %arg17[%add3A_72, %dma_start3A_75] : memref<10000x128xf32, #tpu.memory_space<vmem_shared>> -> memref<16x128xf32, #tpu.memory_space<vmem_shared>>
        %dma_start3A_77 = arith.constant 0 : i32
        %dma_start3A_78 = tpu.memref_slice %arg17[%add3A_72, %dma_start3A_77] : memref<10000x128xf32, #tpu.memory_space<vmem_shared>> -> memref<16x128xf32, #tpu.memory_space<vmem_shared>>
        %dma_start3A_79 = arith.constant 0 : i32
        %dma_start3A_80 = arith.constant 0 : i32
        %dma_start3A_81 = tpu.memref_slice %arg11[%dma_start3A_79, %dma_start3A_80] : memref<64x128xf32, #tpu.memory_space<vmem>> -> memref<16x128xf32, #tpu.memory_space<vmem>>
        tpu.enqueue_dma source(%dma_start3A_81 : memref<16x128xf32, #tpu.memory_space<vmem>>) target(%dma_start3A_78 : memref<16x128xf32, #tpu.memory_space<vmem_shared>>) target_semaphore(%run_scoped3A : memref<!tpu.dma_semaphore, #tpu.memory_space<semaphore_mem>>)
        %dma_wait3A = arith.constant 0 : i32
        %dma_wait3A_82 = arith.constant 0 : i32
        %dma_wait3A_83 = tpu.memref_slice %arg11[%dma_wait3A, %dma_wait3A_82] : memref<64x128xf32, #tpu.memory_space<vmem>> -> memref<16x128xf32, #tpu.memory_space<vmem>>
        %dma_wait3A_84 = arith.constant 0 : i32
        %dma_wait3A_85 = tpu.memref_slice %arg17[%add3A_72, %dma_wait3A_84] : memref<10000x128xf32, #tpu.memory_space<vmem_shared>> -> memref<16x128xf32, #tpu.memory_space<vmem_shared>>
        %dma_wait3A_86 = arith.constant 0 : i32
        %dma_wait3A_87 = tpu.memref_slice %arg17[%add3A_72, %dma_wait3A_86] : memref<10000x128xf32, #tpu.memory_space<vmem_shared>> -> memref<16x128xf32, #tpu.memory_space<vmem_shared>>
        %dma_wait3A_88 = arith.constant 0 : i32
        %dma_wait3A_89 = arith.constant 0 : i32
        %dma_wait3A_90 = tpu.memref_slice %arg11[%dma_wait3A_88, %dma_wait3A_89] : memref<64x128xf32, #tpu.memory_space<vmem>> -> memref<16x128xf32, #tpu.memory_space<vmem>>
        tpu.wait_dma2 semaphore(%run_scoped3A : memref<!tpu.dma_semaphore, #tpu.memory_space<semaphore_mem>>) src(%dma_wait3A_90 : memref<16x128xf32, #tpu.memory_space<vmem>>) dst(%dma_wait3A_87 : memref<16x128xf32, #tpu.memory_space<vmem_shared>>)
        tpu.yield
      }) : () -> ()
      "tpu.region"() ({
        %run_scoped3A = tpu.sem_alloc : memref<!tpu.dma_semaphore, #tpu.memory_space<semaphore_mem>>
        %dma_start3A = arith.constant 0 : i32
        %dma_start3A_73 = arith.constant 0 : i32
        %dma_start3A_74 = tpu.memref_slice %arg15[%dma_start3A, %dma_start3A_73] : memref<64x8xf32, #tpu.memory_space<vmem>> -> memref<16x8xf32, #tpu.memory_space<vmem>>
        %dma_start3A_75 = arith.constant 0 : i32
        %dma_start3A_76 = tpu.memref_slice %arg18[%add3A_72, %dma_start3A_75] : memref<10000x8xf32, #tpu.memory_space<vmem_shared>> -> memref<16x8xf32, #tpu.memory_space<vmem_shared>>
        %dma_start3A_77 = arith.constant 0 : i32
        %dma_start3A_78 = tpu.memref_slice %arg18[%add3A_72, %dma_start3A_77] : memref<10000x8xf32, #tpu.memory_space<vmem_shared>> -> memref<16x8xf32, #tpu.memory_space<vmem_shared>>
        %dma_start3A_79 = arith.constant 0 : i32
        %dma_start3A_80 = arith.constant 0 : i32
        %dma_start3A_81 = tpu.memref_slice %arg15[%dma_start3A_79, %dma_start3A_80] : memref<64x8xf32, #tpu.memory_space<vmem>> -> memref<16x8xf32, #tpu.memory_space<vmem>>
        tpu.enqueue_dma source(%dma_start3A_81 : memref<16x8xf32, #tpu.memory_space<vmem>>) target(%dma_start3A_78 : memref<16x8xf32, #tpu.memory_space<vmem_shared>>) target_semaphore(%run_scoped3A : memref<!tpu.dma_semaphore, #tpu.memory_space<semaphore_mem>>)
        %dma_wait3A = arith.constant 0 : i32
        %dma_wait3A_82 = arith.constant 0 : i32
        %dma_wait3A_83 = tpu.memref_slice %arg15[%dma_wait3A, %dma_wait3A_82] : memref<64x8xf32, #tpu.memory_space<vmem>> -> memref<16x8xf32, #tpu.memory_space<vmem>>
        %dma_wait3A_84 = arith.constant 0 : i32
        %dma_wait3A_85 = tpu.memref_slice %arg18[%add3A_72, %dma_wait3A_84] : memref<10000x8xf32, #tpu.memory_space<vmem_shared>> -> memref<16x8xf32, #tpu.memory_space<vmem_shared>>
        %dma_wait3A_86 = arith.constant 0 : i32
        %dma_wait3A_87 = tpu.memref_slice %arg18[%add3A_72, %dma_wait3A_86] : memref<10000x8xf32, #tpu.memory_space<vmem_shared>> -> memref<16x8xf32, #tpu.memory_space<vmem_shared>>
        %dma_wait3A_88 = arith.constant 0 : i32
        %dma_wait3A_89 = arith.constant 0 : i32
        %dma_wait3A_90 = tpu.memref_slice %arg15[%dma_wait3A_88, %dma_wait3A_89] : memref<64x8xf32, #tpu.memory_space<vmem>> -> memref<16x8xf32, #tpu.memory_space<vmem>>
        tpu.wait_dma2 semaphore(%run_scoped3A : memref<!tpu.dma_semaphore, #tpu.memory_space<semaphore_mem>>) src(%dma_wait3A_90 : memref<16x8xf32, #tpu.memory_space<vmem>>) dst(%dma_wait3A_87 : memref<16x8xf32, #tpu.memory_space<vmem_shared>>)
        tpu.yield
      }) : () -> ()
    } else {
    }
    %barrier3A = arith.constant 0 : index
    tpu.barrier barrier_id(%barrier3A)
    %jit3A_31 = arith.constant 5 : i32
    %jit3A_32 = arith.constant 8 : i32
    %select_n3A_33 = arith.select %eq3A_0, %jit3A_31, %jit3A_32 : i32
    %eq3A_34 = arith.constant 0 : i32
    %eq3A_35 = arith.cmpi eq, %arg0, %eq3A_34 : i32
    %convert_element_type3A_36 = arith.extui %eq3A_35 : i1 to i32
    %cond3A_37 = arith.constant 0 : i32
    %cond3A_38 = arith.cmpi ne, %convert_element_type3A_36, %cond3A_37 : i32
    scf.if %cond3A_38 {
      %mul3A_71 = arith.constant 320 : i32
      %mul3A_72 = arith.muli %arg1, %mul3A_71 : i32
      %add3A_73 = arith.constant 0 : i32
      %add3A_74 = arith.addi %mul3A_72, %add3A_73 : i32
      %run_scoped3A = arith.constant 0 : i32
      "tpu.region"() ({
        %run_scoped3A_172 = tpu.sem_alloc : memref<!tpu.dma_semaphore, #tpu.memory_space<semaphore_mem>>
        %dma_start3A_173 = arith.constant 0 : i32
        %dma_start3A_174 = arith.constant 0 : i32
        %dma_start3A_175 = tpu.memref_slice %arg10[%run_scoped3A, %dma_start3A_173, %dma_start3A_174] : memref<2x40x64xi32, #tpu.memory_space<vmem>> -> memref<1x40x64xi32, #tpu.memory_space<vmem>>
        %dma_start3A_176 = tpu.memref_squeeze %dma_start3A_175 : memref<1x40x64xi32, #tpu.memory_space<vmem>> -> memref<40x64xi32, #tpu.memory_space<vmem>>
        %dma_start3A_177 = arith.constant 0 : i32
        %dma_start3A_178 = tpu.memref_slice %arg5[%add3A_74, %dma_start3A_177] : memref<5000x64xi32, #tpu.memory_space<hbm>> -> memref<40x64xi32, #tpu.memory_space<hbm>>
        %dma_start3A_179 = arith.constant 0 : i32
        %dma_start3A_180 = arith.constant 0 : i32
        %dma_start3A_181 = tpu.memref_slice %arg10[%run_scoped3A, %dma_start3A_179, %dma_start3A_180] : memref<2x40x64xi32, #tpu.memory_space<vmem>> -> memref<1x40x64xi32, #tpu.memory_space<vmem>>
        %dma_start3A_182 = tpu.memref_squeeze %dma_start3A_181 : memref<1x40x64xi32, #tpu.memory_space<vmem>> -> memref<40x64xi32, #tpu.memory_space<vmem>>
        %dma_start3A_183 = arith.constant 0 : i32
        %dma_start3A_184 = tpu.memref_slice %arg5[%add3A_74, %dma_start3A_183] : memref<5000x64xi32, #tpu.memory_space<hbm>> -> memref<40x64xi32, #tpu.memory_space<hbm>>
        tpu.enqueue_dma source(%dma_start3A_184 : memref<40x64xi32, #tpu.memory_space<hbm>>) target(%dma_start3A_182 : memref<40x64xi32, #tpu.memory_space<vmem>>) target_semaphore(%run_scoped3A_172 : memref<!tpu.dma_semaphore, #tpu.memory_space<semaphore_mem>>)
        %dma_wait3A_185 = arith.constant 0 : i32
        %dma_wait3A_186 = arith.constant 0 : i32
        %dma_wait3A_187 = tpu.memref_slice %arg10[%run_scoped3A, %dma_wait3A_185, %dma_wait3A_186] : memref<2x40x64xi32, #tpu.memory_space<vmem>> -> memref<1x40x64xi32, #tpu.memory_space<vmem>>
        %dma_wait3A_188 = tpu.memref_squeeze %dma_wait3A_187 : memref<1x40x64xi32, #tpu.memory_space<vmem>> -> memref<40x64xi32, #tpu.memory_space<vmem>>
        %dma_wait3A_189 = arith.constant 0 : i32
        %dma_wait3A_190 = tpu.memref_slice %arg5[%add3A_74, %dma_wait3A_189] : memref<5000x64xi32, #tpu.memory_space<hbm>> -> memref<40x64xi32, #tpu.memory_space<hbm>>
        %dma_wait3A_191 = arith.constant 0 : i32
        %dma_wait3A_192 = arith.constant 0 : i32
        %dma_wait3A_193 = tpu.memref_slice %arg10[%run_scoped3A, %dma_wait3A_191, %dma_wait3A_192] : memref<2x40x64xi32, #tpu.memory_space<vmem>> -> memref<1x40x64xi32, #tpu.memory_space<vmem>>
        %dma_wait3A_194 = tpu.memref_squeeze %dma_wait3A_193 : memref<1x40x64xi32, #tpu.memory_space<vmem>> -> memref<40x64xi32, #tpu.memory_space<vmem>>
        %dma_wait3A_195 = arith.constant 0 : i32
        %dma_wait3A_196 = tpu.memref_slice %arg5[%add3A_74, %dma_wait3A_195] : memref<5000x64xi32, #tpu.memory_space<hbm>> -> memref<40x64xi32, #tpu.memory_space<hbm>>
        tpu.wait_dma2 semaphore(%run_scoped3A_172 : memref<!tpu.dma_semaphore, #tpu.memory_space<semaphore_mem>>) src(%dma_wait3A_196 : memref<40x64xi32, #tpu.memory_space<hbm>>) dst(%dma_wait3A_194 : memref<40x64xi32, #tpu.memory_space<vmem>>)
        tpu.yield
      }) : () -> ()
      %run_scoped3A_75 = arith.constant 0 : i32
      "tpu.region"() ({
        %run_scoped3A_172 = tpu.sem_alloc : memref<!tpu.dma_semaphore, #tpu.memory_space<semaphore_mem>>
        %dma_start3A_173 = arith.constant 0 : i32
        %dma_start3A_174 = arith.constant 0 : i32
        %dma_start3A_175 = tpu.memref_slice %arg9[%run_scoped3A_75, %dma_start3A_173, %dma_start3A_174] : memref<2x40x64xi32, #tpu.memory_space<vmem>> -> memref<1x40x64xi32, #tpu.memory_space<vmem>>
        %dma_start3A_176 = tpu.memref_squeeze %dma_start3A_175 : memref<1x40x64xi32, #tpu.memory_space<vmem>> -> memref<40x64xi32, #tpu.memory_space<vmem>>
        %dma_start3A_177 = arith.constant 0 : i32
        %dma_start3A_178 = tpu.memref_slice %arg4[%add3A_74, %dma_start3A_177] : memref<5000x64xi32, #tpu.memory_space<hbm>> -> memref<40x64xi32, #tpu.memory_space<hbm>>
        %dma_start3A_179 = arith.constant 0 : i32
        %dma_start3A_180 = arith.constant 0 : i32
        %dma_start3A_181 = tpu.memref_slice %arg9[%run_scoped3A_75, %dma_start3A_179, %dma_start3A_180] : memref<2x40x64xi32, #tpu.memory_space<vmem>> -> memref<1x40x64xi32, #tpu.memory_space<vmem>>
        %dma_start3A_182 = tpu.memref_squeeze %dma_start3A_181 : memref<1x40x64xi32, #tpu.memory_space<vmem>> -> memref<40x64xi32, #tpu.memory_space<vmem>>
        %dma_start3A_183 = arith.constant 0 : i32
        %dma_start3A_184 = tpu.memref_slice %arg4[%add3A_74, %dma_start3A_183] : memref<5000x64xi32, #tpu.memory_space<hbm>> -> memref<40x64xi32, #tpu.memory_space<hbm>>
        tpu.enqueue_dma source(%dma_start3A_184 : memref<40x64xi32, #tpu.memory_space<hbm>>) target(%dma_start3A_182 : memref<40x64xi32, #tpu.memory_space<vmem>>) target_semaphore(%run_scoped3A_172 : memref<!tpu.dma_semaphore, #tpu.memory_space<semaphore_mem>>)
        %dma_wait3A_185 = arith.constant 0 : i32
        %dma_wait3A_186 = arith.constant 0 : i32
        %dma_wait3A_187 = tpu.memref_slice %arg9[%run_scoped3A_75, %dma_wait3A_185, %dma_wait3A_186] : memref<2x40x64xi32, #tpu.memory_space<vmem>> -> memref<1x40x64xi32, #tpu.memory_space<vmem>>
        %dma_wait3A_188 = tpu.memref_squeeze %dma_wait3A_187 : memref<1x40x64xi32, #tpu.memory_space<vmem>> -> memref<40x64xi32, #tpu.memory_space<vmem>>
        %dma_wait3A_189 = arith.constant 0 : i32
        %dma_wait3A_190 = tpu.memref_slice %arg4[%add3A_74, %dma_wait3A_189] : memref<5000x64xi32, #tpu.memory_space<hbm>> -> memref<40x64xi32, #tpu.memory_space<hbm>>
        %dma_wait3A_191 = arith.constant 0 : i32
        %dma_wait3A_192 = arith.constant 0 : i32
        %dma_wait3A_193 = tpu.memref_slice %arg9[%run_scoped3A_75, %dma_wait3A_191, %dma_wait3A_192] : memref<2x40x64xi32, #tpu.memory_space<vmem>> -> memref<1x40x64xi32, #tpu.memory_space<vmem>>
        %dma_wait3A_194 = tpu.memref_squeeze %dma_wait3A_193 : memref<1x40x64xi32, #tpu.memory_space<vmem>> -> memref<40x64xi32, #tpu.memory_space<vmem>>
        %dma_wait3A_195 = arith.constant 0 : i32
        %dma_wait3A_196 = tpu.memref_slice %arg4[%add3A_74, %dma_wait3A_195] : memref<5000x64xi32, #tpu.memory_space<hbm>> -> memref<40x64xi32, #tpu.memory_space<hbm>>
        tpu.wait_dma2 semaphore(%run_scoped3A_172 : memref<!tpu.dma_semaphore, #tpu.memory_space<semaphore_mem>>) src(%dma_wait3A_196 : memref<40x64xi32, #tpu.memory_space<hbm>>) dst(%dma_wait3A_194 : memref<40x64xi32, #tpu.memory_space<vmem>>)
        tpu.yield
      }) : () -> ()
      %mul3A_76 = arith.constant 320 : i32
      %mul3A_77 = arith.muli %arg1, %mul3A_76 : i32
      %add3A_78 = arith.constant 40 : i32
      %add3A_79 = arith.addi %mul3A_77, %add3A_78 : i32
      %dma_start3A = arith.constant 1 : i32
      %dma_start3A_80 = arith.constant 0 : i32
      %dma_start3A_81 = arith.constant 0 : i32
      %dma_start3A_82 = tpu.memref_slice %arg10[%dma_start3A, %dma_start3A_80, %dma_start3A_81] : memref<2x40x64xi32, #tpu.memory_space<vmem>> -> memref<1x40x64xi32, #tpu.memory_space<vmem>>
      %dma_start3A_83 = tpu.memref_squeeze %dma_start3A_82 : memref<1x40x64xi32, #tpu.memory_space<vmem>> -> memref<40x64xi32, #tpu.memory_space<vmem>>
      %dma_start3A_84 = arith.constant 0 : i32
      %dma_start3A_85 = tpu.memref_slice %arg5[%add3A_79, %dma_start3A_84] : memref<5000x64xi32, #tpu.memory_space<hbm>> -> memref<40x64xi32, #tpu.memory_space<hbm>>
      %dma_start3A_86 = arith.constant 0 : i32
      %dma_start3A_87 = arith.constant 0 : i32
      %dma_start3A_88 = tpu.memref_slice %arg10[%dma_start3A, %dma_start3A_86, %dma_start3A_87] : memref<2x40x64xi32, #tpu.memory_space<vmem>> -> memref<1x40x64xi32, #tpu.memory_space<vmem>>
      %dma_start3A_89 = tpu.memref_squeeze %dma_start3A_88 : memref<1x40x64xi32, #tpu.memory_space<vmem>> -> memref<40x64xi32, #tpu.memory_space<vmem>>
      %dma_start3A_90 = arith.constant 0 : i32
      %dma_start3A_91 = tpu.memref_slice %arg5[%add3A_79, %dma_start3A_90] : memref<5000x64xi32, #tpu.memory_space<hbm>> -> memref<40x64xi32, #tpu.memory_space<hbm>>
      tpu.enqueue_dma source(%dma_start3A_91 : memref<40x64xi32, #tpu.memory_space<hbm>>) target(%dma_start3A_89 : memref<40x64xi32, #tpu.memory_space<vmem>>) target_semaphore(%arg22 : memref<!tpu.dma_semaphore, #tpu.memory_space<semaphore_mem>>)
      %dma_start3A_92 = arith.constant 1 : i32
      %dma_start3A_93 = arith.constant 0 : i32
      %dma_start3A_94 = arith.constant 0 : i32
      %dma_start3A_95 = tpu.memref_slice %arg9[%dma_start3A_92, %dma_start3A_93, %dma_start3A_94] : memref<2x40x64xi32, #tpu.memory_space<vmem>> -> memref<1x40x64xi32, #tpu.memory_space<vmem>>
      %dma_start3A_96 = tpu.memref_squeeze %dma_start3A_95 : memref<1x40x64xi32, #tpu.memory_space<vmem>> -> memref<40x64xi32, #tpu.memory_space<vmem>>
      %dma_start3A_97 = arith.constant 0 : i32
      %dma_start3A_98 = tpu.memref_slice %arg4[%add3A_79, %dma_start3A_97] : memref<5000x64xi32, #tpu.memory_space<hbm>> -> memref<40x64xi32, #tpu.memory_space<hbm>>
      %dma_start3A_99 = arith.constant 0 : i32
      %dma_start3A_100 = arith.constant 0 : i32
      %dma_start3A_101 = tpu.memref_slice %arg9[%dma_start3A_92, %dma_start3A_99, %dma_start3A_100] : memref<2x40x64xi32, #tpu.memory_space<vmem>> -> memref<1x40x64xi32, #tpu.memory_space<vmem>>
      %dma_start3A_102 = tpu.memref_squeeze %dma_start3A_101 : memref<1x40x64xi32, #tpu.memory_space<vmem>> -> memref<40x64xi32, #tpu.memory_space<vmem>>
      %dma_start3A_103 = arith.constant 0 : i32
      %dma_start3A_104 = tpu.memref_slice %arg4[%add3A_79, %dma_start3A_103] : memref<5000x64xi32, #tpu.memory_space<hbm>> -> memref<40x64xi32, #tpu.memory_space<hbm>>
      tpu.enqueue_dma source(%dma_start3A_104 : memref<40x64xi32, #tpu.memory_space<hbm>>) target(%dma_start3A_102 : memref<40x64xi32, #tpu.memory_space<vmem>>) target_semaphore(%arg22 : memref<!tpu.dma_semaphore, #tpu.memory_space<semaphore_mem>>)
      %mul3A_105 = arith.constant 10 : i32
      %mul3A_106 = arith.muli %select_n3A_33, %mul3A_105 : i32
      %while3A_107 = arith.constant 0 : i32
      %while3A_108 = arith.constant 0 : i32
      %while3A_109 = arith.subi %mul3A_106, %while3A_107 : i32
      %while3A_110 = arith.addi %while3A_107, %while3A_109 : i32
      %while3A_111 = arith.constant 1 : i32
      %while3A_112 = arith.divsi %while3A_109, %while3A_111 : i32
      %while3A_113 = arith.muli %while3A_112, %while3A_111 : i32
      %while3A_114 = arith.addi %while3A_107, %while3A_113 : i32
      %while3A_115 = arith.constant 1 : i32
      %while3A_116 = scf.for %while3A_172 = %while3A_107 to %while3A_114 step %while3A_115 iter_args(%while3A_173 = %while3A_108) -> (i32)  : i32 {
        %jit3A_174 = arith.constant 10 : i32
        %div3A = arith.divsi %while3A_172, %jit3A_174 : i32
        %sign3A = arith.constant 0 : i32
        %sign3A_175 = arith.cmpi sgt, %while3A_172, %sign3A : i32
        %sign3A_176 = arith.extui %sign3A_175 : i1 to i32
        %sign3A_177 = arith.constant 0 : i32
        %sign3A_178 = arith.cmpi slt, %while3A_172, %sign3A_177 : i32
        %sign3A_179 = arith.extui %sign3A_178 : i1 to i32
        %sign3A_180 = arith.subi %sign3A_176, %sign3A_179 : i32
        %sign3A_181 = arith.constant 0 : i32
        %sign3A_182 = arith.cmpi sgt, %jit3A_174, %sign3A_181 : i32
        %sign3A_183 = arith.extui %sign3A_182 : i1 to i32
        %sign3A_184 = arith.constant 0 : i32
        %sign3A_185 = arith.cmpi slt, %jit3A_174, %sign3A_184 : i32
        %sign3A_186 = arith.extui %sign3A_185 : i1 to i32
        %sign3A_187 = arith.subi %sign3A_183, %sign3A_186 : i32
        %ne3A_188 = arith.cmpi ne, %sign3A_180, %sign3A_187 : i32
        %rem3A_189 = arith.remsi %while3A_172, %jit3A_174 : i32
        %ne3A_190 = arith.constant 0 : i32
        %ne3A_191 = arith.cmpi ne, %rem3A_189, %ne3A_190 : i32
        %and3A_192 = arith.andi %ne3A_188, %ne3A_191 : i1
        %sub3A_193 = arith.constant 1 : i32
        %sub3A_194 = arith.subi %div3A, %sub3A_193 : i32
        %select_n3A_195 = arith.select %and3A_192, %sub3A_194, %div3A : i32
        %jit3A_196 = arith.constant 2 : i32
        %eq3A_197 = arith.constant 0 : i32
        %eq3A_198 = arith.cmpi eq, %jit3A_196, %eq3A_197 : i32
        %jit3A_199 = arith.constant 1 : i32
        %select_n3A_200 = arith.select %eq3A_198, %jit3A_199, %jit3A_196 : i32
        %rem3A_201 = arith.remsi %select_n3A_195, %select_n3A_200 : i32
        %ne3A_202 = arith.constant 0 : i32
        %ne3A_203 = arith.cmpi ne, %rem3A_201, %ne3A_202 : i32
        %lt3A_204 = arith.constant 0 : i32
        %lt3A_205 = arith.cmpi slt, %rem3A_201, %lt3A_204 : i32
        %lt3A_206 = arith.constant 0 : i32
        %lt3A_207 = arith.cmpi slt, %select_n3A_200, %lt3A_206 : i32
        %ne3A_208 = arith.xori %lt3A_205, %lt3A_207 : i1
        %and3A_209 = arith.andi %ne3A_208, %ne3A_203 : i1
        %add3A_210 = arith.addi %rem3A_201, %select_n3A_200 : i32
        %select_n3A_211 = arith.select %and3A_209, %add3A_210, %rem3A_201 : i32
        %jit3A_212 = arith.constant 10 : i32
        %eq3A_213 = arith.constant 0 : i32
        %eq3A_214 = arith.cmpi eq, %jit3A_212, %eq3A_213 : i32
        %jit3A_215 = arith.constant 1 : i32
        %select_n3A_216 = arith.select %eq3A_214, %jit3A_215, %jit3A_212 : i32
        %rem3A_217 = arith.remsi %while3A_172, %select_n3A_216 : i32
        %ne3A_218 = arith.constant 0 : i32
        %ne3A_219 = arith.cmpi ne, %rem3A_217, %ne3A_218 : i32
        %lt3A_220 = arith.constant 0 : i32
        %lt3A_221 = arith.cmpi slt, %rem3A_217, %lt3A_220 : i32
        %lt3A_222 = arith.constant 0 : i32
        %lt3A_223 = arith.cmpi slt, %select_n3A_216, %lt3A_222 : i32
        %ne3A_224 = arith.xori %lt3A_221, %lt3A_223 : i1
        %and3A_225 = arith.andi %ne3A_224, %ne3A_219 : i1
        %add3A_226 = arith.addi %rem3A_217, %select_n3A_216 : i32
        %select_n3A_227 = arith.select %and3A_225, %add3A_226, %rem3A_217 : i32
        %mul3A_228 = arith.constant 4 : i32
        %mul3A_229 = arith.muli %select_n3A_227, %mul3A_228 : i32
        %jit3A_230 = arith.constant 10 : i32
        %eq3A_231 = arith.constant 0 : i32
        %eq3A_232 = arith.cmpi eq, %jit3A_230, %eq3A_231 : i32
        %jit3A_233 = arith.constant 1 : i32
        %select_n3A_234 = arith.select %eq3A_232, %jit3A_233, %jit3A_230 : i32
        %rem3A_235 = arith.remsi %while3A_172, %select_n3A_234 : i32
        %ne3A_236 = arith.constant 0 : i32
        %ne3A_237 = arith.cmpi ne, %rem3A_235, %ne3A_236 : i32
        %lt3A_238 = arith.constant 0 : i32
        %lt3A_239 = arith.cmpi slt, %rem3A_235, %lt3A_238 : i32
        %lt3A_240 = arith.constant 0 : i32
        %lt3A_241 = arith.cmpi slt, %select_n3A_234, %lt3A_240 : i32
        %ne3A_242 = arith.xori %lt3A_239, %lt3A_241 : i1
        %and3A_243 = arith.andi %ne3A_242, %ne3A_237 : i1
        %add3A_244 = arith.addi %rem3A_235, %select_n3A_234 : i32
        %select_n3A_245 = arith.select %and3A_243, %add3A_244, %rem3A_235 : i32
        %eq3A_246 = arith.constant 0 : i32
        %eq3A_247 = arith.cmpi eq, %select_n3A_245, %eq3A_246 : i32
        %gt3A = arith.constant 0 : i32
        %gt3A_248 = arith.cmpi sgt, %select_n3A_195, %gt3A : i32
        %and3A_249 = arith.andi %eq3A_247, %gt3A_248 : i1
        %convert_element_type3A_250 = arith.extui %and3A_249 : i1 to i32
        %cond3A_251 = arith.constant 0 : i32
        %cond3A_252 = arith.cmpi ne, %convert_element_type3A_250, %cond3A_251 : i32
        scf.if %cond3A_252 {
          %dma_wait3A_409 = arith.constant 0 : i32
          %dma_wait3A_410 = arith.constant 0 : i32
          %dma_wait3A_411 = tpu.memref_slice %arg9[%select_n3A_211, %dma_wait3A_409, %dma_wait3A_410] : memref<2x40x64xi32, #tpu.memory_space<vmem>> -> memref<1x40x64xi32, #tpu.memory_space<vmem>>
          %dma_wait3A_412 = tpu.memref_squeeze %dma_wait3A_411 : memref<1x40x64xi32, #tpu.memory_space<vmem>> -> memref<40x64xi32, #tpu.memory_space<vmem>>
          %dma_wait3A_413 = arith.constant 0 : i32
          %dma_wait3A_414 = arith.constant 0 : i32
          %dma_wait3A_415 = tpu.memref_slice %arg4[%dma_wait3A_413, %dma_wait3A_414] : memref<5000x64xi32, #tpu.memory_space<hbm>> -> memref<40x64xi32, #tpu.memory_space<hbm>>
          %dma_wait3A_416 = arith.constant 0 : i32
          %dma_wait3A_417 = arith.constant 0 : i32
          %dma_wait3A_418 = tpu.memref_slice %arg9[%select_n3A_211, %dma_wait3A_416, %dma_wait3A_417] : memref<2x40x64xi32, #tpu.memory_space<vmem>> -> memref<1x40x64xi32, #tpu.memory_space<vmem>>
          %dma_wait3A_419 = tpu.memref_squeeze %dma_wait3A_418 : memref<1x40x64xi32, #tpu.memory_space<vmem>> -> memref<40x64xi32, #tpu.memory_space<vmem>>
          %dma_wait3A_420 = arith.constant 0 : i32
          %dma_wait3A_421 = arith.constant 0 : i32
          %dma_wait3A_422 = tpu.memref_slice %arg4[%dma_wait3A_420, %dma_wait3A_421] : memref<5000x64xi32, #tpu.memory_space<hbm>> -> memref<40x64xi32, #tpu.memory_space<hbm>>
          tpu.wait_dma2 semaphore(%arg22 : memref<!tpu.dma_semaphore, #tpu.memory_space<semaphore_mem>>) src(%dma_wait3A_422 : memref<40x64xi32, #tpu.memory_space<hbm>>) dst(%dma_wait3A_419 : memref<40x64xi32, #tpu.memory_space<vmem>>)
          %dma_wait3A_423 = arith.constant 0 : i32
          %dma_wait3A_424 = arith.constant 0 : i32
          %dma_wait3A_425 = tpu.memref_slice %arg10[%select_n3A_211, %dma_wait3A_423, %dma_wait3A_424] : memref<2x40x64xi32, #tpu.memory_space<vmem>> -> memref<1x40x64xi32, #tpu.memory_space<vmem>>
          %dma_wait3A_426 = tpu.memref_squeeze %dma_wait3A_425 : memref<1x40x64xi32, #tpu.memory_space<vmem>> -> memref<40x64xi32, #tpu.memory_space<vmem>>
          %dma_wait3A_427 = arith.constant 0 : i32
          %dma_wait3A_428 = arith.constant 0 : i32
          %dma_wait3A_429 = tpu.memref_slice %arg4[%dma_wait3A_427, %dma_wait3A_428] : memref<5000x64xi32, #tpu.memory_space<hbm>> -> memref<40x64xi32, #tpu.memory_space<hbm>>
          %dma_wait3A_430 = arith.constant 0 : i32
          %dma_wait3A_431 = arith.constant 0 : i32
          %dma_wait3A_432 = tpu.memref_slice %arg10[%select_n3A_211, %dma_wait3A_430, %dma_wait3A_431] : memref<2x40x64xi32, #tpu.memory_space<vmem>> -> memref<1x40x64xi32, #tpu.memory_space<vmem>>
          %dma_wait3A_433 = tpu.memref_squeeze %dma_wait3A_432 : memref<1x40x64xi32, #tpu.memory_space<vmem>> -> memref<40x64xi32, #tpu.memory_space<vmem>>
          %dma_wait3A_434 = arith.constant 0 : i32
          %dma_wait3A_435 = arith.constant 0 : i32
          %dma_wait3A_436 = tpu.memref_slice %arg4[%dma_wait3A_434, %dma_wait3A_435] : memref<5000x64xi32, #tpu.memory_space<hbm>> -> memref<40x64xi32, #tpu.memory_space<hbm>>
          tpu.wait_dma2 semaphore(%arg22 : memref<!tpu.dma_semaphore, #tpu.memory_space<semaphore_mem>>) src(%dma_wait3A_436 : memref<40x64xi32, #tpu.memory_space<hbm>>) dst(%dma_wait3A_433 : memref<40x64xi32, #tpu.memory_space<vmem>>)
        } else {
        }
        %gt3A_253 = arith.constant 0 : i32
        %gt3A_254 = arith.cmpi sgt, %while3A_172, %gt3A_253 : i32
        %convert_element_type3A_255 = arith.extui %gt3A_254 : i1 to i32
        %cond3A_256 = arith.constant 0 : i32
        %cond3A_257 = arith.cmpi ne, %convert_element_type3A_255, %cond3A_256 : i32
        scf.if %cond3A_257 {
          %add3A_409 = arith.constant 0 : i32
          %add3A_410 = arith.addi %mul3A_229, %add3A_409 : i32
          %dma_wait3A_411 = arith.constant 0 : i32
          %dma_wait3A_412 = arith.constant 0 : i32
          %dma_wait3A_413 = tpu.memref_slice %arg9[%select_n3A_211, %add3A_410, %dma_wait3A_412] : memref<2x40x64xi32, #tpu.memory_space<vmem>> -> memref<1x1x64xi32, #tpu.memory_space<vmem>>
          %dma_wait3A_414 = tpu.memref_squeeze %dma_wait3A_413 : memref<1x1x64xi32, #tpu.memory_space<vmem>> -> memref<64xi32, #tpu.memory_space<vmem>>
          %dma_wait3A_415 = arith.constant 0 : i32
          %dma_wait3A_416 = arith.constant 0 : i32
          %dma_wait3A_417 = tpu.memref_slice %arg17[%dma_wait3A_415, %dma_wait3A_416] : memref<10000x128xf32, #tpu.memory_space<vmem_shared>> -> memref<10000x128xf32, #tpu.memory_space<vmem_shared>>
          %dma_wait3A_418 = tpu.memref_slice %arg20[%dma_wait3A_411] : memref<4x!tpu.dma_semaphore, #tpu.memory_space<semaphore_mem>> -> memref<1x!tpu.dma_semaphore, #tpu.memory_space<semaphore_mem>>
          %dma_wait3A_419 = tpu.memref_squeeze %dma_wait3A_418 : memref<1x!tpu.dma_semaphore, #tpu.memory_space<semaphore_mem>> -> memref<!tpu.dma_semaphore, #tpu.memory_space<semaphore_mem>>
          tpu.wait_indirect_dma semaphore(%dma_wait3A_419 : memref<!tpu.dma_semaphore, #tpu.memory_space<semaphore_mem>>) src(%arg11 : memref<64x128xf32, #tpu.memory_space<vmem>>) dst(%dma_wait3A_417 : memref<10000x128xf32, #tpu.memory_space<vmem_shared>>)
        } else {
        }
        %add3A_258 = arith.constant 0 : i32
        %add3A_259 = arith.addi %mul3A_229, %add3A_258 : i32
        %dma_start3A_260 = arith.constant 0 : i32
        %dma_start3A_261 = arith.constant 0 : i32
        %dma_start3A_262 = tpu.memref_slice %arg10[%select_n3A_211, %add3A_259, %dma_start3A_261] : memref<2x40x64xi32, #tpu.memory_space<vmem>> -> memref<1x1x64xi32, #tpu.memory_space<vmem>>
        %dma_start3A_263 = tpu.memref_squeeze %dma_start3A_262 : memref<1x1x64xi32, #tpu.memory_space<vmem>> -> memref<64xi32, #tpu.memory_space<vmem>>
        %dma_start3A_264 = arith.constant 0 : i32
        %dma_start3A_265 = arith.constant 0 : i32
        %dma_start3A_266 = tpu.memref_slice %arg2[%dma_start3A_264, %dma_start3A_265] : memref<10000x128xf32, #tpu.memory_space<hbm>> -> memref<10000x128xf32, #tpu.memory_space<hbm>>
        %dma_start3A_267 = tpu.memref_slice %arg19[%dma_start3A_260] : memref<4x!tpu.dma_semaphore, #tpu.memory_space<semaphore_mem>> -> memref<1x!tpu.dma_semaphore, #tpu.memory_space<semaphore_mem>>
        %dma_start3A_268 = tpu.memref_squeeze %dma_start3A_267 : memref<1x!tpu.dma_semaphore, #tpu.memory_space<semaphore_mem>> -> memref<!tpu.dma_semaphore, #tpu.memory_space<semaphore_mem>>
        tpu.enqueue_indirect_dma source(%dma_start3A_266 : memref<10000x128xf32, #tpu.memory_space<hbm>>) target(%arg11 : memref<64x128xf32, #tpu.memory_space<vmem>>) offsets(%dma_start3A_263 : memref<64xi32, #tpu.memory_space<vmem>>) semaphore(%dma_start3A_268 : memref<!tpu.dma_semaphore, #tpu.memory_space<semaphore_mem>>)
        %gt3A_269 = arith.constant 0 : i32
        %gt3A_270 = arith.cmpi sgt, %while3A_172, %gt3A_269 : i32
        %convert_element_type3A_271 = arith.extui %gt3A_270 : i1 to i32
        %cond3A_272 = arith.constant 0 : i32
        %cond3A_273 = arith.cmpi ne, %convert_element_type3A_271, %cond3A_272 : i32
        scf.if %cond3A_273 {
          %add3A_409 = arith.constant 1 : i32
          %add3A_410 = arith.addi %mul3A_229, %add3A_409 : i32
          %dma_wait3A_411 = arith.constant 1 : i32
          %dma_wait3A_412 = arith.constant 0 : i32
          %dma_wait3A_413 = tpu.memref_slice %arg9[%select_n3A_211, %add3A_410, %dma_wait3A_412] : memref<2x40x64xi32, #tpu.memory_space<vmem>> -> memref<1x1x64xi32, #tpu.memory_space<vmem>>
          %dma_wait3A_414 = tpu.memref_squeeze %dma_wait3A_413 : memref<1x1x64xi32, #tpu.memory_space<vmem>> -> memref<64xi32, #tpu.memory_space<vmem>>
          %dma_wait3A_415 = arith.constant 0 : i32
          %dma_wait3A_416 = arith.constant 0 : i32
          %dma_wait3A_417 = tpu.memref_slice %arg17[%dma_wait3A_415, %dma_wait3A_416] : memref<10000x128xf32, #tpu.memory_space<vmem_shared>> -> memref<10000x128xf32, #tpu.memory_space<vmem_shared>>
          %dma_wait3A_418 = tpu.memref_slice %arg20[%dma_wait3A_411] : memref<4x!tpu.dma_semaphore, #tpu.memory_space<semaphore_mem>> -> memref<1x!tpu.dma_semaphore, #tpu.memory_space<semaphore_mem>>
          %dma_wait3A_419 = tpu.memref_squeeze %dma_wait3A_418 : memref<1x!tpu.dma_semaphore, #tpu.memory_space<semaphore_mem>> -> memref<!tpu.dma_semaphore, #tpu.memory_space<semaphore_mem>>
          tpu.wait_indirect_dma semaphore(%dma_wait3A_419 : memref<!tpu.dma_semaphore, #tpu.memory_space<semaphore_mem>>) src(%arg12 : memref<64x128xf32, #tpu.memory_space<vmem>>) dst(%dma_wait3A_417 : memref<10000x128xf32, #tpu.memory_space<vmem_shared>>)
        } else {
        }
        %add3A_274 = arith.constant 1 : i32
        %add3A_275 = arith.addi %mul3A_229, %add3A_274 : i32
        %dma_start3A_276 = arith.constant 1 : i32
        %dma_start3A_277 = arith.constant 0 : i32
        %dma_start3A_278 = tpu.memref_slice %arg10[%select_n3A_211, %add3A_275, %dma_start3A_277] : memref<2x40x64xi32, #tpu.memory_space<vmem>> -> memref<1x1x64xi32, #tpu.memory_space<vmem>>
        %dma_start3A_279 = tpu.memref_squeeze %dma_start3A_278 : memref<1x1x64xi32, #tpu.memory_space<vmem>> -> memref<64xi32, #tpu.memory_space<vmem>>
        %dma_start3A_280 = arith.constant 0 : i32
        %dma_start3A_281 = arith.constant 0 : i32
        %dma_start3A_282 = tpu.memref_slice %arg2[%dma_start3A_280, %dma_start3A_281] : memref<10000x128xf32, #tpu.memory_space<hbm>> -> memref<10000x128xf32, #tpu.memory_space<hbm>>
        %dma_start3A_283 = tpu.memref_slice %arg19[%dma_start3A_276] : memref<4x!tpu.dma_semaphore, #tpu.memory_space<semaphore_mem>> -> memref<1x!tpu.dma_semaphore, #tpu.memory_space<semaphore_mem>>
        %dma_start3A_284 = tpu.memref_squeeze %dma_start3A_283 : memref<1x!tpu.dma_semaphore, #tpu.memory_space<semaphore_mem>> -> memref<!tpu.dma_semaphore, #tpu.memory_space<semaphore_mem>>
        tpu.enqueue_indirect_dma source(%dma_start3A_282 : memref<10000x128xf32, #tpu.memory_space<hbm>>) target(%arg12 : memref<64x128xf32, #tpu.memory_space<vmem>>) offsets(%dma_start3A_279 : memref<64xi32, #tpu.memory_space<vmem>>) semaphore(%dma_start3A_284 : memref<!tpu.dma_semaphore, #tpu.memory_space<semaphore_mem>>)
        %gt3A_285 = arith.constant 0 : i32
        %gt3A_286 = arith.cmpi sgt, %while3A_172, %gt3A_285 : i32
        %convert_element_type3A_287 = arith.extui %gt3A_286 : i1 to i32
        %cond3A_288 = arith.constant 0 : i32
        %cond3A_289 = arith.cmpi ne, %convert_element_type3A_287, %cond3A_288 : i32
        scf.if %cond3A_289 {
          %add3A_409 = arith.constant 2 : i32
          %add3A_410 = arith.addi %mul3A_229, %add3A_409 : i32
          %dma_wait3A_411 = arith.constant 2 : i32
          %dma_wait3A_412 = arith.constant 0 : i32
          %dma_wait3A_413 = tpu.memref_slice %arg9[%select_n3A_211, %add3A_410, %dma_wait3A_412] : memref<2x40x64xi32, #tpu.memory_space<vmem>> -> memref<1x1x64xi32, #tpu.memory_space<vmem>>
          %dma_wait3A_414 = tpu.memref_squeeze %dma_wait3A_413 : memref<1x1x64xi32, #tpu.memory_space<vmem>> -> memref<64xi32, #tpu.memory_space<vmem>>
          %dma_wait3A_415 = arith.constant 0 : i32
          %dma_wait3A_416 = arith.constant 0 : i32
          %dma_wait3A_417 = tpu.memref_slice %arg17[%dma_wait3A_415, %dma_wait3A_416] : memref<10000x128xf32, #tpu.memory_space<vmem_shared>> -> memref<10000x128xf32, #tpu.memory_space<vmem_shared>>
          %dma_wait3A_418 = tpu.memref_slice %arg20[%dma_wait3A_411] : memref<4x!tpu.dma_semaphore, #tpu.memory_space<semaphore_mem>> -> memref<1x!tpu.dma_semaphore, #tpu.memory_space<semaphore_mem>>
          %dma_wait3A_419 = tpu.memref_squeeze %dma_wait3A_418 : memref<1x!tpu.dma_semaphore, #tpu.memory_space<semaphore_mem>> -> memref<!tpu.dma_semaphore, #tpu.memory_space<semaphore_mem>>
          tpu.wait_indirect_dma semaphore(%dma_wait3A_419 : memref<!tpu.dma_semaphore, #tpu.memory_space<semaphore_mem>>) src(%arg13 : memref<64x128xf32, #tpu.memory_space<vmem>>) dst(%dma_wait3A_417 : memref<10000x128xf32, #tpu.memory_space<vmem_shared>>)
        } else {
        }
        %add3A_290 = arith.constant 2 : i32
        %add3A_291 = arith.addi %mul3A_229, %add3A_290 : i32
        %dma_start3A_292 = arith.constant 2 : i32
        %dma_start3A_293 = arith.constant 0 : i32
        %dma_start3A_294 = tpu.memref_slice %arg10[%select_n3A_211, %add3A_291, %dma_start3A_293] : memref<2x40x64xi32, #tpu.memory_space<vmem>> -> memref<1x1x64xi32, #tpu.memory_space<vmem>>
        %dma_start3A_295 = tpu.memref_squeeze %dma_start3A_294 : memref<1x1x64xi32, #tpu.memory_space<vmem>> -> memref<64xi32, #tpu.memory_space<vmem>>
        %dma_start3A_296 = arith.constant 0 : i32
        %dma_start3A_297 = arith.constant 0 : i32
        %dma_start3A_298 = tpu.memref_slice %arg2[%dma_start3A_296, %dma_start3A_297] : memref<10000x128xf32, #tpu.memory_space<hbm>> -> memref<10000x128xf32, #tpu.memory_space<hbm>>
        %dma_start3A_299 = tpu.memref_slice %arg19[%dma_start3A_292] : memref<4x!tpu.dma_semaphore, #tpu.memory_space<semaphore_mem>> -> memref<1x!tpu.dma_semaphore, #tpu.memory_space<semaphore_mem>>
        %dma_start3A_300 = tpu.memref_squeeze %dma_start3A_299 : memref<1x!tpu.dma_semaphore, #tpu.memory_space<semaphore_mem>> -> memref<!tpu.dma_semaphore, #tpu.memory_space<semaphore_mem>>
        tpu.enqueue_indirect_dma source(%dma_start3A_298 : memref<10000x128xf32, #tpu.memory_space<hbm>>) target(%arg13 : memref<64x128xf32, #tpu.memory_space<vmem>>) offsets(%dma_start3A_295 : memref<64xi32, #tpu.memory_space<vmem>>) semaphore(%dma_start3A_300 : memref<!tpu.dma_semaphore, #tpu.memory_space<semaphore_mem>>)
        %gt3A_301 = arith.constant 0 : i32
        %gt3A_302 = arith.cmpi sgt, %while3A_172, %gt3A_301 : i32
        %convert_element_type3A_303 = arith.extui %gt3A_302 : i1 to i32
        %cond3A_304 = arith.constant 0 : i32
        %cond3A_305 = arith.cmpi ne, %convert_element_type3A_303, %cond3A_304 : i32
        scf.if %cond3A_305 {
          %add3A_409 = arith.constant 3 : i32
          %add3A_410 = arith.addi %mul3A_229, %add3A_409 : i32
          %dma_wait3A_411 = arith.constant 3 : i32
          %dma_wait3A_412 = arith.constant 0 : i32
          %dma_wait3A_413 = tpu.memref_slice %arg9[%select_n3A_211, %add3A_410, %dma_wait3A_412] : memref<2x40x64xi32, #tpu.memory_space<vmem>> -> memref<1x1x64xi32, #tpu.memory_space<vmem>>
          %dma_wait3A_414 = tpu.memref_squeeze %dma_wait3A_413 : memref<1x1x64xi32, #tpu.memory_space<vmem>> -> memref<64xi32, #tpu.memory_space<vmem>>
          %dma_wait3A_415 = arith.constant 0 : i32
          %dma_wait3A_416 = arith.constant 0 : i32
          %dma_wait3A_417 = tpu.memref_slice %arg17[%dma_wait3A_415, %dma_wait3A_416] : memref<10000x128xf32, #tpu.memory_space<vmem_shared>> -> memref<10000x128xf32, #tpu.memory_space<vmem_shared>>
          %dma_wait3A_418 = tpu.memref_slice %arg20[%dma_wait3A_411] : memref<4x!tpu.dma_semaphore, #tpu.memory_space<semaphore_mem>> -> memref<1x!tpu.dma_semaphore, #tpu.memory_space<semaphore_mem>>
          %dma_wait3A_419 = tpu.memref_squeeze %dma_wait3A_418 : memref<1x!tpu.dma_semaphore, #tpu.memory_space<semaphore_mem>> -> memref<!tpu.dma_semaphore, #tpu.memory_space<semaphore_mem>>
          tpu.wait_indirect_dma semaphore(%dma_wait3A_419 : memref<!tpu.dma_semaphore, #tpu.memory_space<semaphore_mem>>) src(%arg14 : memref<64x128xf32, #tpu.memory_space<vmem>>) dst(%dma_wait3A_417 : memref<10000x128xf32, #tpu.memory_space<vmem_shared>>)
        } else {
        }
        %add3A_306 = arith.constant 3 : i32
        %add3A_307 = arith.addi %mul3A_229, %add3A_306 : i32
        %dma_start3A_308 = arith.constant 3 : i32
        %dma_start3A_309 = arith.constant 0 : i32
        %dma_start3A_310 = tpu.memref_slice %arg10[%select_n3A_211, %add3A_307, %dma_start3A_309] : memref<2x40x64xi32, #tpu.memory_space<vmem>> -> memref<1x1x64xi32, #tpu.memory_space<vmem>>
        %dma_start3A_311 = tpu.memref_squeeze %dma_start3A_310 : memref<1x1x64xi32, #tpu.memory_space<vmem>> -> memref<64xi32, #tpu.memory_space<vmem>>
        %dma_start3A_312 = arith.constant 0 : i32
        %dma_start3A_313 = arith.constant 0 : i32
        %dma_start3A_314 = tpu.memref_slice %arg2[%dma_start3A_312, %dma_start3A_313] : memref<10000x128xf32, #tpu.memory_space<hbm>> -> memref<10000x128xf32, #tpu.memory_space<hbm>>
        %dma_start3A_315 = tpu.memref_slice %arg19[%dma_start3A_308] : memref<4x!tpu.dma_semaphore, #tpu.memory_space<semaphore_mem>> -> memref<1x!tpu.dma_semaphore, #tpu.memory_space<semaphore_mem>>
        %dma_start3A_316 = tpu.memref_squeeze %dma_start3A_315 : memref<1x!tpu.dma_semaphore, #tpu.memory_space<semaphore_mem>> -> memref<!tpu.dma_semaphore, #tpu.memory_space<semaphore_mem>>
        tpu.enqueue_indirect_dma source(%dma_start3A_314 : memref<10000x128xf32, #tpu.memory_space<hbm>>) target(%arg14 : memref<64x128xf32, #tpu.memory_space<vmem>>) offsets(%dma_start3A_311 : memref<64xi32, #tpu.memory_space<vmem>>) semaphore(%dma_start3A_316 : memref<!tpu.dma_semaphore, #tpu.memory_space<semaphore_mem>>)
        %convert_element_type3A_317 = arith.extui %and3A_249 : i1 to i32
        %cond3A_318 = arith.constant 0 : i32
        %cond3A_319 = arith.cmpi ne, %convert_element_type3A_317, %cond3A_318 : i32
        scf.if %cond3A_319 {
          %add3A_409 = arith.constant 1 : i32
          %add3A_410 = arith.addi %select_n3A_195, %add3A_409 : i32
          %lt3A_411 = arith.cmpi slt, %add3A_410, %select_n3A_33 : i32
          %convert_element_type3A_412 = arith.extui %lt3A_411 : i1 to i32
          %cond3A_413 = arith.constant 0 : i32
          %cond3A_414 = arith.cmpi ne, %convert_element_type3A_412, %cond3A_413 : i32
          scf.if %cond3A_414 {
            %add3A_415 = arith.constant 1 : i32
            %add3A_416 = arith.addi %select_n3A_195, %add3A_415 : i32
            %sub3A_417 = arith.constant 1 : i32
            %sub3A_418 = arith.subi %sub3A_417, %select_n3A_211 : i32
            %mul3A_419 = arith.constant 320 : i32
            %mul3A_420 = arith.muli %arg1, %mul3A_419 : i32
            %mul3A_421 = arith.constant 40 : i32
            %mul3A_422 = arith.muli %add3A_416, %mul3A_421 : i32
            %add3A_423 = arith.addi %mul3A_420, %mul3A_422 : i32
            %dma_start3A_424 = arith.constant 0 : i32
            %dma_start3A_425 = arith.constant 0 : i32
            %dma_start3A_426 = tpu.memref_slice %arg10[%sub3A_418, %dma_start3A_424, %dma_start3A_425] : memref<2x40x64xi32, #tpu.memory_space<vmem>> -> memref<1x40x64xi32, #tpu.memory_space<vmem>>
            %dma_start3A_427 = tpu.memref_squeeze %dma_start3A_426 : memref<1x40x64xi32, #tpu.memory_space<vmem>> -> memref<40x64xi32, #tpu.memory_space<vmem>>
            %dma_start3A_428 = arith.constant 0 : i32
            %dma_start3A_429 = tpu.memref_slice %arg5[%add3A_423, %dma_start3A_428] : memref<5000x64xi32, #tpu.memory_space<hbm>> -> memref<40x64xi32, #tpu.memory_space<hbm>>
            %dma_start3A_430 = arith.constant 0 : i32
            %dma_start3A_431 = arith.constant 0 : i32
            %dma_start3A_432 = tpu.memref_slice %arg10[%sub3A_418, %dma_start3A_430, %dma_start3A_431] : memref<2x40x64xi32, #tpu.memory_space<vmem>> -> memref<1x40x64xi32, #tpu.memory_space<vmem>>
            %dma_start3A_433 = tpu.memref_squeeze %dma_start3A_432 : memref<1x40x64xi32, #tpu.memory_space<vmem>> -> memref<40x64xi32, #tpu.memory_space<vmem>>
            %dma_start3A_434 = arith.constant 0 : i32
            %dma_start3A_435 = tpu.memref_slice %arg5[%add3A_423, %dma_start3A_434] : memref<5000x64xi32, #tpu.memory_space<hbm>> -> memref<40x64xi32, #tpu.memory_space<hbm>>
            tpu.enqueue_dma source(%dma_start3A_435 : memref<40x64xi32, #tpu.memory_space<hbm>>) target(%dma_start3A_433 : memref<40x64xi32, #tpu.memory_space<vmem>>) target_semaphore(%arg22 : memref<!tpu.dma_semaphore, #tpu.memory_space<semaphore_mem>>)
            %dma_start3A_436 = arith.constant 0 : i32
            %dma_start3A_437 = arith.constant 0 : i32
            %dma_start3A_438 = tpu.memref_slice %arg9[%sub3A_418, %dma_start3A_436, %dma_start3A_437] : memref<2x40x64xi32, #tpu.memory_space<vmem>> -> memref<1x40x64xi32, #tpu.memory_space<vmem>>
            %dma_start3A_439 = tpu.memref_squeeze %dma_start3A_438 : memref<1x40x64xi32, #tpu.memory_space<vmem>> -> memref<40x64xi32, #tpu.memory_space<vmem>>
            %dma_start3A_440 = arith.constant 0 : i32
            %dma_start3A_441 = tpu.memref_slice %arg4[%add3A_423, %dma_start3A_440] : memref<5000x64xi32, #tpu.memory_space<hbm>> -> memref<40x64xi32, #tpu.memory_space<hbm>>
            %dma_start3A_442 = arith.constant 0 : i32
            %dma_start3A_443 = arith.constant 0 : i32
            %dma_start3A_444 = tpu.memref_slice %arg9[%sub3A_418, %dma_start3A_442, %dma_start3A_443] : memref<2x40x64xi32, #tpu.memory_space<vmem>> -> memref<1x40x64xi32, #tpu.memory_space<vmem>>
            %dma_start3A_445 = tpu.memref_squeeze %dma_start3A_444 : memref<1x40x64xi32, #tpu.memory_space<vmem>> -> memref<40x64xi32, #tpu.memory_space<vmem>>
            %dma_start3A_446 = arith.constant 0 : i32
            %dma_start3A_447 = tpu.memref_slice %arg4[%add3A_423, %dma_start3A_446] : memref<5000x64xi32, #tpu.memory_space<hbm>> -> memref<40x64xi32, #tpu.memory_space<hbm>>
            tpu.enqueue_dma source(%dma_start3A_447 : memref<40x64xi32, #tpu.memory_space<hbm>>) target(%dma_start3A_445 : memref<40x64xi32, #tpu.memory_space<vmem>>) target_semaphore(%arg22 : memref<!tpu.dma_semaphore, #tpu.memory_space<semaphore_mem>>)
          } else {
          }
        } else {
        }
        %add3A_320 = arith.constant 0 : i32
        %add3A_321 = arith.addi %mul3A_229, %add3A_320 : i32
        %dma_wait3A_322 = arith.constant 0 : i32
        %dma_wait3A_323 = arith.constant 0 : i32
        %dma_wait3A_324 = tpu.memref_slice %arg10[%select_n3A_211, %add3A_321, %dma_wait3A_323] : memref<2x40x64xi32, #tpu.memory_space<vmem>> -> memref<1x1x64xi32, #tpu.memory_space<vmem>>
        %dma_wait3A_325 = tpu.memref_squeeze %dma_wait3A_324 : memref<1x1x64xi32, #tpu.memory_space<vmem>> -> memref<64xi32, #tpu.memory_space<vmem>>
        %dma_wait3A_326 = arith.constant 0 : i32
        %dma_wait3A_327 = arith.constant 0 : i32
        %dma_wait3A_328 = tpu.memref_slice %arg2[%dma_wait3A_326, %dma_wait3A_327] : memref<10000x128xf32, #tpu.memory_space<hbm>> -> memref<10000x128xf32, #tpu.memory_space<hbm>>
        %dma_wait3A_329 = tpu.memref_slice %arg19[%dma_wait3A_322] : memref<4x!tpu.dma_semaphore, #tpu.memory_space<semaphore_mem>> -> memref<1x!tpu.dma_semaphore, #tpu.memory_space<semaphore_mem>>
        %dma_wait3A_330 = tpu.memref_squeeze %dma_wait3A_329 : memref<1x!tpu.dma_semaphore, #tpu.memory_space<semaphore_mem>> -> memref<!tpu.dma_semaphore, #tpu.memory_space<semaphore_mem>>
        tpu.wait_indirect_dma semaphore(%dma_wait3A_330 : memref<!tpu.dma_semaphore, #tpu.memory_space<semaphore_mem>>) src(%dma_wait3A_328 : memref<10000x128xf32, #tpu.memory_space<hbm>>) dst(%arg11 : memref<64x128xf32, #tpu.memory_space<vmem>>)
        %add3A_331 = arith.constant 0 : i32
        %add3A_332 = arith.addi %mul3A_229, %add3A_331 : i32
        %dma_start3A_333 = arith.constant 0 : i32
        %dma_start3A_334 = arith.constant 0 : i32
        %dma_start3A_335 = tpu.memref_slice %arg9[%select_n3A_211, %add3A_332, %dma_start3A_334] : memref<2x40x64xi32, #tpu.memory_space<vmem>> -> memref<1x1x64xi32, #tpu.memory_space<vmem>>
        %dma_start3A_336 = tpu.memref_squeeze %dma_start3A_335 : memref<1x1x64xi32, #tpu.memory_space<vmem>> -> memref<64xi32, #tpu.memory_space<vmem>>
        %dma_start3A_337 = arith.constant 0 : i32
        %dma_start3A_338 = arith.constant 0 : i32
        %dma_start3A_339 = tpu.memref_slice %arg17[%dma_start3A_337, %dma_start3A_338] : memref<10000x128xf32, #tpu.memory_space<vmem_shared>> -> memref<10000x128xf32, #tpu.memory_space<vmem_shared>>
        %dma_start3A_340 = tpu.memref_slice %arg20[%dma_start3A_333] : memref<4x!tpu.dma_semaphore, #tpu.memory_space<semaphore_mem>> -> memref<1x!tpu.dma_semaphore, #tpu.memory_space<semaphore_mem>>
        %dma_start3A_341 = tpu.memref_squeeze %dma_start3A_340 : memref<1x!tpu.dma_semaphore, #tpu.memory_space<semaphore_mem>> -> memref<!tpu.dma_semaphore, #tpu.memory_space<semaphore_mem>>
        tpu.enqueue_indirect_dma source(%arg11 : memref<64x128xf32, #tpu.memory_space<vmem>>) target(%dma_start3A_339 : memref<10000x128xf32, #tpu.memory_space<vmem_shared>>) offsets(%dma_start3A_336 : memref<64xi32, #tpu.memory_space<vmem>>) semaphore(%dma_start3A_341 : memref<!tpu.dma_semaphore, #tpu.memory_space<semaphore_mem>>) {add = true}
        %add3A_342 = arith.constant 1 : i32
        %add3A_343 = arith.addi %mul3A_229, %add3A_342 : i32
        %dma_wait3A_344 = arith.constant 1 : i32
        %dma_wait3A_345 = arith.constant 0 : i32
        %dma_wait3A_346 = tpu.memref_slice %arg10[%select_n3A_211, %add3A_343, %dma_wait3A_345] : memref<2x40x64xi32, #tpu.memory_space<vmem>> -> memref<1x1x64xi32, #tpu.memory_space<vmem>>
        %dma_wait3A_347 = tpu.memref_squeeze %dma_wait3A_346 : memref<1x1x64xi32, #tpu.memory_space<vmem>> -> memref<64xi32, #tpu.memory_space<vmem>>
        %dma_wait3A_348 = arith.constant 0 : i32
        %dma_wait3A_349 = arith.constant 0 : i32
        %dma_wait3A_350 = tpu.memref_slice %arg2[%dma_wait3A_348, %dma_wait3A_349] : memref<10000x128xf32, #tpu.memory_space<hbm>> -> memref<10000x128xf32, #tpu.memory_space<hbm>>
        %dma_wait3A_351 = tpu.memref_slice %arg19[%dma_wait3A_344] : memref<4x!tpu.dma_semaphore, #tpu.memory_space<semaphore_mem>> -> memref<1x!tpu.dma_semaphore, #tpu.memory_space<semaphore_mem>>
        %dma_wait3A_352 = tpu.memref_squeeze %dma_wait3A_351 : memref<1x!tpu.dma_semaphore, #tpu.memory_space<semaphore_mem>> -> memref<!tpu.dma_semaphore, #tpu.memory_space<semaphore_mem>>
        tpu.wait_indirect_dma semaphore(%dma_wait3A_352 : memref<!tpu.dma_semaphore, #tpu.memory_space<semaphore_mem>>) src(%dma_wait3A_350 : memref<10000x128xf32, #tpu.memory_space<hbm>>) dst(%arg12 : memref<64x128xf32, #tpu.memory_space<vmem>>)
        %add3A_353 = arith.constant 1 : i32
        %add3A_354 = arith.addi %mul3A_229, %add3A_353 : i32
        %dma_start3A_355 = arith.constant 1 : i32
        %dma_start3A_356 = arith.constant 0 : i32
        %dma_start3A_357 = tpu.memref_slice %arg9[%select_n3A_211, %add3A_354, %dma_start3A_356] : memref<2x40x64xi32, #tpu.memory_space<vmem>> -> memref<1x1x64xi32, #tpu.memory_space<vmem>>
        %dma_start3A_358 = tpu.memref_squeeze %dma_start3A_357 : memref<1x1x64xi32, #tpu.memory_space<vmem>> -> memref<64xi32, #tpu.memory_space<vmem>>
        %dma_start3A_359 = arith.constant 0 : i32
        %dma_start3A_360 = arith.constant 0 : i32
        %dma_start3A_361 = tpu.memref_slice %arg17[%dma_start3A_359, %dma_start3A_360] : memref<10000x128xf32, #tpu.memory_space<vmem_shared>> -> memref<10000x128xf32, #tpu.memory_space<vmem_shared>>
        %dma_start3A_362 = tpu.memref_slice %arg20[%dma_start3A_355] : memref<4x!tpu.dma_semaphore, #tpu.memory_space<semaphore_mem>> -> memref<1x!tpu.dma_semaphore, #tpu.memory_space<semaphore_mem>>
        %dma_start3A_363 = tpu.memref_squeeze %dma_start3A_362 : memref<1x!tpu.dma_semaphore, #tpu.memory_space<semaphore_mem>> -> memref<!tpu.dma_semaphore, #tpu.memory_space<semaphore_mem>>
        tpu.enqueue_indirect_dma source(%arg12 : memref<64x128xf32, #tpu.memory_space<vmem>>) target(%dma_start3A_361 : memref<10000x128xf32, #tpu.memory_space<vmem_shared>>) offsets(%dma_start3A_358 : memref<64xi32, #tpu.memory_space<vmem>>) semaphore(%dma_start3A_363 : memref<!tpu.dma_semaphore, #tpu.memory_space<semaphore_mem>>) {add = true}
        %add3A_364 = arith.constant 2 : i32
        %add3A_365 = arith.addi %mul3A_229, %add3A_364 : i32
        %dma_wait3A_366 = arith.constant 2 : i32
        %dma_wait3A_367 = arith.constant 0 : i32
        %dma_wait3A_368 = tpu.memref_slice %arg10[%select_n3A_211, %add3A_365, %dma_wait3A_367] : memref<2x40x64xi32, #tpu.memory_space<vmem>> -> memref<1x1x64xi32, #tpu.memory_space<vmem>>
        %dma_wait3A_369 = tpu.memref_squeeze %dma_wait3A_368 : memref<1x1x64xi32, #tpu.memory_space<vmem>> -> memref<64xi32, #tpu.memory_space<vmem>>
        %dma_wait3A_370 = arith.constant 0 : i32
        %dma_wait3A_371 = arith.constant 0 : i32
        %dma_wait3A_372 = tpu.memref_slice %arg2[%dma_wait3A_370, %dma_wait3A_371] : memref<10000x128xf32, #tpu.memory_space<hbm>> -> memref<10000x128xf32, #tpu.memory_space<hbm>>
        %dma_wait3A_373 = tpu.memref_slice %arg19[%dma_wait3A_366] : memref<4x!tpu.dma_semaphore, #tpu.memory_space<semaphore_mem>> -> memref<1x!tpu.dma_semaphore, #tpu.memory_space<semaphore_mem>>
        %dma_wait3A_374 = tpu.memref_squeeze %dma_wait3A_373 : memref<1x!tpu.dma_semaphore, #tpu.memory_space<semaphore_mem>> -> memref<!tpu.dma_semaphore, #tpu.memory_space<semaphore_mem>>
        tpu.wait_indirect_dma semaphore(%dma_wait3A_374 : memref<!tpu.dma_semaphore, #tpu.memory_space<semaphore_mem>>) src(%dma_wait3A_372 : memref<10000x128xf32, #tpu.memory_space<hbm>>) dst(%arg13 : memref<64x128xf32, #tpu.memory_space<vmem>>)
        %add3A_375 = arith.constant 2 : i32
        %add3A_376 = arith.addi %mul3A_229, %add3A_375 : i32
        %dma_start3A_377 = arith.constant 2 : i32
        %dma_start3A_378 = arith.constant 0 : i32
        %dma_start3A_379 = tpu.memref_slice %arg9[%select_n3A_211, %add3A_376, %dma_start3A_378] : memref<2x40x64xi32, #tpu.memory_space<vmem>> -> memref<1x1x64xi32, #tpu.memory_space<vmem>>
        %dma_start3A_380 = tpu.memref_squeeze %dma_start3A_379 : memref<1x1x64xi32, #tpu.memory_space<vmem>> -> memref<64xi32, #tpu.memory_space<vmem>>
        %dma_start3A_381 = arith.constant 0 : i32
        %dma_start3A_382 = arith.constant 0 : i32
        %dma_start3A_383 = tpu.memref_slice %arg17[%dma_start3A_381, %dma_start3A_382] : memref<10000x128xf32, #tpu.memory_space<vmem_shared>> -> memref<10000x128xf32, #tpu.memory_space<vmem_shared>>
        %dma_start3A_384 = tpu.memref_slice %arg20[%dma_start3A_377] : memref<4x!tpu.dma_semaphore, #tpu.memory_space<semaphore_mem>> -> memref<1x!tpu.dma_semaphore, #tpu.memory_space<semaphore_mem>>
        %dma_start3A_385 = tpu.memref_squeeze %dma_start3A_384 : memref<1x!tpu.dma_semaphore, #tpu.memory_space<semaphore_mem>> -> memref<!tpu.dma_semaphore, #tpu.memory_space<semaphore_mem>>
        tpu.enqueue_indirect_dma source(%arg13 : memref<64x128xf32, #tpu.memory_space<vmem>>) target(%dma_start3A_383 : memref<10000x128xf32, #tpu.memory_space<vmem_shared>>) offsets(%dma_start3A_380 : memref<64xi32, #tpu.memory_space<vmem>>) semaphore(%dma_start3A_385 : memref<!tpu.dma_semaphore, #tpu.memory_space<semaphore_mem>>) {add = true}
        %add3A_386 = arith.constant 3 : i32
        %add3A_387 = arith.addi %mul3A_229, %add3A_386 : i32
        %dma_wait3A_388 = arith.constant 3 : i32
        %dma_wait3A_389 = arith.constant 0 : i32
        %dma_wait3A_390 = tpu.memref_slice %arg10[%select_n3A_211, %add3A_387, %dma_wait3A_389] : memref<2x40x64xi32, #tpu.memory_space<vmem>> -> memref<1x1x64xi32, #tpu.memory_space<vmem>>
        %dma_wait3A_391 = tpu.memref_squeeze %dma_wait3A_390 : memref<1x1x64xi32, #tpu.memory_space<vmem>> -> memref<64xi32, #tpu.memory_space<vmem>>
        %dma_wait3A_392 = arith.constant 0 : i32
        %dma_wait3A_393 = arith.constant 0 : i32
        %dma_wait3A_394 = tpu.memref_slice %arg2[%dma_wait3A_392, %dma_wait3A_393] : memref<10000x128xf32, #tpu.memory_space<hbm>> -> memref<10000x128xf32, #tpu.memory_space<hbm>>
        %dma_wait3A_395 = tpu.memref_slice %arg19[%dma_wait3A_388] : memref<4x!tpu.dma_semaphore, #tpu.memory_space<semaphore_mem>> -> memref<1x!tpu.dma_semaphore, #tpu.memory_space<semaphore_mem>>
        %dma_wait3A_396 = tpu.memref_squeeze %dma_wait3A_395 : memref<1x!tpu.dma_semaphore, #tpu.memory_space<semaphore_mem>> -> memref<!tpu.dma_semaphore, #tpu.memory_space<semaphore_mem>>
        tpu.wait_indirect_dma semaphore(%dma_wait3A_396 : memref<!tpu.dma_semaphore, #tpu.memory_space<semaphore_mem>>) src(%dma_wait3A_394 : memref<10000x128xf32, #tpu.memory_space<hbm>>) dst(%arg14 : memref<64x128xf32, #tpu.memory_space<vmem>>)
        %add3A_397 = arith.constant 3 : i32
        %add3A_398 = arith.addi %mul3A_229, %add3A_397 : i32
        %dma_start3A_399 = arith.constant 3 : i32
        %dma_start3A_400 = arith.constant 0 : i32
        %dma_start3A_401 = tpu.memref_slice %arg9[%select_n3A_211, %add3A_398, %dma_start3A_400] : memref<2x40x64xi32, #tpu.memory_space<vmem>> -> memref<1x1x64xi32, #tpu.memory_space<vmem>>
        %dma_start3A_402 = tpu.memref_squeeze %dma_start3A_401 : memref<1x1x64xi32, #tpu.memory_space<vmem>> -> memref<64xi32, #tpu.memory_space<vmem>>
        %dma_start3A_403 = arith.constant 0 : i32
        %dma_start3A_404 = arith.constant 0 : i32
        %dma_start3A_405 = tpu.memref_slice %arg17[%dma_start3A_403, %dma_start3A_404] : memref<10000x128xf32, #tpu.memory_space<vmem_shared>> -> memref<10000x128xf32, #tpu.memory_space<vmem_shared>>
        %dma_start3A_406 = tpu.memref_slice %arg20[%dma_start3A_399] : memref<4x!tpu.dma_semaphore, #tpu.memory_space<semaphore_mem>> -> memref<1x!tpu.dma_semaphore, #tpu.memory_space<semaphore_mem>>
        %dma_start3A_407 = tpu.memref_squeeze %dma_start3A_406 : memref<1x!tpu.dma_semaphore, #tpu.memory_space<semaphore_mem>> -> memref<!tpu.dma_semaphore, #tpu.memory_space<semaphore_mem>>
        tpu.enqueue_indirect_dma source(%arg14 : memref<64x128xf32, #tpu.memory_space<vmem>>) target(%dma_start3A_405 : memref<10000x128xf32, #tpu.memory_space<vmem_shared>>) offsets(%dma_start3A_402 : memref<64xi32, #tpu.memory_space<vmem>>) semaphore(%dma_start3A_407 : memref<!tpu.dma_semaphore, #tpu.memory_space<semaphore_mem>>) {add = true}
        %while3A_408 = arith.constant 0 : i32
        scf.yield %while3A_408 : i32
      }
      %while3A_117 = arith.constant 1 : i32
      %while3A_118 = scf.for %while3A_172 = %while3A_114 to %while3A_110 step %while3A_117 iter_args(%while3A_173 = %while3A_116) -> (i32)  : i32 {
        %jit3A_174 = arith.constant 10 : i32
        %div3A = arith.divsi %while3A_172, %jit3A_174 : i32
        %sign3A = arith.constant 0 : i32
        %sign3A_175 = arith.cmpi sgt, %while3A_172, %sign3A : i32
        %sign3A_176 = arith.extui %sign3A_175 : i1 to i32
        %sign3A_177 = arith.constant 0 : i32
        %sign3A_178 = arith.cmpi slt, %while3A_172, %sign3A_177 : i32
        %sign3A_179 = arith.extui %sign3A_178 : i1 to i32
        %sign3A_180 = arith.subi %sign3A_176, %sign3A_179 : i32
        %sign3A_181 = arith.constant 0 : i32
        %sign3A_182 = arith.cmpi sgt, %jit3A_174, %sign3A_181 : i32
        %sign3A_183 = arith.extui %sign3A_182 : i1 to i32
        %sign3A_184 = arith.constant 0 : i32
        %sign3A_185 = arith.cmpi slt, %jit3A_174, %sign3A_184 : i32
        %sign3A_186 = arith.extui %sign3A_185 : i1 to i32
        %sign3A_187 = arith.subi %sign3A_183, %sign3A_186 : i32
        %ne3A_188 = arith.cmpi ne, %sign3A_180, %sign3A_187 : i32
        %rem3A_189 = arith.remsi %while3A_172, %jit3A_174 : i32
        %ne3A_190 = arith.constant 0 : i32
        %ne3A_191 = arith.cmpi ne, %rem3A_189, %ne3A_190 : i32
        %and3A_192 = arith.andi %ne3A_188, %ne3A_191 : i1
        %sub3A_193 = arith.constant 1 : i32
        %sub3A_194 = arith.subi %div3A, %sub3A_193 : i32
        %select_n3A_195 = arith.select %and3A_192, %sub3A_194, %div3A : i32
        %jit3A_196 = arith.constant 2 : i32
        %eq3A_197 = arith.constant 0 : i32
        %eq3A_198 = arith.cmpi eq, %jit3A_196, %eq3A_197 : i32
        %jit3A_199 = arith.constant 1 : i32
        %select_n3A_200 = arith.select %eq3A_198, %jit3A_199, %jit3A_196 : i32
        %rem3A_201 = arith.remsi %select_n3A_195, %select_n3A_200 : i32
        %ne3A_202 = arith.constant 0 : i32
        %ne3A_203 = arith.cmpi ne, %rem3A_201, %ne3A_202 : i32
        %lt3A_204 = arith.constant 0 : i32
        %lt3A_205 = arith.cmpi slt, %rem3A_201, %lt3A_204 : i32
        %lt3A_206 = arith.constant 0 : i32
        %lt3A_207 = arith.cmpi slt, %select_n3A_200, %lt3A_206 : i32
        %ne3A_208 = arith.xori %lt3A_205, %lt3A_207 : i1
        %and3A_209 = arith.andi %ne3A_208, %ne3A_203 : i1
        %add3A_210 = arith.addi %rem3A_201, %select_n3A_200 : i32
        %select_n3A_211 = arith.select %and3A_209, %add3A_210, %rem3A_201 : i32
        %jit3A_212 = arith.constant 10 : i32
        %eq3A_213 = arith.constant 0 : i32
        %eq3A_214 = arith.cmpi eq, %jit3A_212, %eq3A_213 : i32
        %jit3A_215 = arith.constant 1 : i32
        %select_n3A_216 = arith.select %eq3A_214, %jit3A_215, %jit3A_212 : i32
        %rem3A_217 = arith.remsi %while3A_172, %select_n3A_216 : i32
        %ne3A_218 = arith.constant 0 : i32
        %ne3A_219 = arith.cmpi ne, %rem3A_217, %ne3A_218 : i32
        %lt3A_220 = arith.constant 0 : i32
        %lt3A_221 = arith.cmpi slt, %rem3A_217, %lt3A_220 : i32
        %lt3A_222 = arith.constant 0 : i32
        %lt3A_223 = arith.cmpi slt, %select_n3A_216, %lt3A_222 : i32
        %ne3A_224 = arith.xori %lt3A_221, %lt3A_223 : i1
        %and3A_225 = arith.andi %ne3A_224, %ne3A_219 : i1
        %add3A_226 = arith.addi %rem3A_217, %select_n3A_216 : i32
        %select_n3A_227 = arith.select %and3A_225, %add3A_226, %rem3A_217 : i32
        %mul3A_228 = arith.constant 4 : i32
        %mul3A_229 = arith.muli %select_n3A_227, %mul3A_228 : i32
        %jit3A_230 = arith.constant 10 : i32
        %eq3A_231 = arith.constant 0 : i32
        %eq3A_232 = arith.cmpi eq, %jit3A_230, %eq3A_231 : i32
        %jit3A_233 = arith.constant 1 : i32
        %select_n3A_234 = arith.select %eq3A_232, %jit3A_233, %jit3A_230 : i32
        %rem3A_235 = arith.remsi %while3A_172, %select_n3A_234 : i32
        %ne3A_236 = arith.constant 0 : i32
        %ne3A_237 = arith.cmpi ne, %rem3A_235, %ne3A_236 : i32
        %lt3A_238 = arith.constant 0 : i32
        %lt3A_239 = arith.cmpi slt, %rem3A_235, %lt3A_238 : i32
        %lt3A_240 = arith.constant 0 : i32
        %lt3A_241 = arith.cmpi slt, %select_n3A_234, %lt3A_240 : i32
        %ne3A_242 = arith.xori %lt3A_239, %lt3A_241 : i1
        %and3A_243 = arith.andi %ne3A_242, %ne3A_237 : i1
        %add3A_244 = arith.addi %rem3A_235, %select_n3A_234 : i32
        %select_n3A_245 = arith.select %and3A_243, %add3A_244, %rem3A_235 : i32
        %eq3A_246 = arith.constant 0 : i32
        %eq3A_247 = arith.cmpi eq, %select_n3A_245, %eq3A_246 : i32
        %gt3A = arith.constant 0 : i32
        %gt3A_248 = arith.cmpi sgt, %select_n3A_195, %gt3A : i32
        %and3A_249 = arith.andi %eq3A_247, %gt3A_248 : i1
        %convert_element_type3A_250 = arith.extui %and3A_249 : i1 to i32
        %cond3A_251 = arith.constant 0 : i32
        %cond3A_252 = arith.cmpi ne, %convert_element_type3A_250, %cond3A_251 : i32
        scf.if %cond3A_252 {
          %dma_wait3A_409 = arith.constant 0 : i32
          %dma_wait3A_410 = arith.constant 0 : i32
          %dma_wait3A_411 = tpu.memref_slice %arg9[%select_n3A_211, %dma_wait3A_409, %dma_wait3A_410] : memref<2x40x64xi32, #tpu.memory_space<vmem>> -> memref<1x40x64xi32, #tpu.memory_space<vmem>>
          %dma_wait3A_412 = tpu.memref_squeeze %dma_wait3A_411 : memref<1x40x64xi32, #tpu.memory_space<vmem>> -> memref<40x64xi32, #tpu.memory_space<vmem>>
          %dma_wait3A_413 = arith.constant 0 : i32
          %dma_wait3A_414 = arith.constant 0 : i32
          %dma_wait3A_415 = tpu.memref_slice %arg4[%dma_wait3A_413, %dma_wait3A_414] : memref<5000x64xi32, #tpu.memory_space<hbm>> -> memref<40x64xi32, #tpu.memory_space<hbm>>
          %dma_wait3A_416 = arith.constant 0 : i32
          %dma_wait3A_417 = arith.constant 0 : i32
          %dma_wait3A_418 = tpu.memref_slice %arg9[%select_n3A_211, %dma_wait3A_416, %dma_wait3A_417] : memref<2x40x64xi32, #tpu.memory_space<vmem>> -> memref<1x40x64xi32, #tpu.memory_space<vmem>>
          %dma_wait3A_419 = tpu.memref_squeeze %dma_wait3A_418 : memref<1x40x64xi32, #tpu.memory_space<vmem>> -> memref<40x64xi32, #tpu.memory_space<vmem>>
          %dma_wait3A_420 = arith.constant 0 : i32
          %dma_wait3A_421 = arith.constant 0 : i32
          %dma_wait3A_422 = tpu.memref_slice %arg4[%dma_wait3A_420, %dma_wait3A_421] : memref<5000x64xi32, #tpu.memory_space<hbm>> -> memref<40x64xi32, #tpu.memory_space<hbm>>
          tpu.wait_dma2 semaphore(%arg22 : memref<!tpu.dma_semaphore, #tpu.memory_space<semaphore_mem>>) src(%dma_wait3A_422 : memref<40x64xi32, #tpu.memory_space<hbm>>) dst(%dma_wait3A_419 : memref<40x64xi32, #tpu.memory_space<vmem>>)
          %dma_wait3A_423 = arith.constant 0 : i32
          %dma_wait3A_424 = arith.constant 0 : i32
          %dma_wait3A_425 = tpu.memref_slice %arg10[%select_n3A_211, %dma_wait3A_423, %dma_wait3A_424] : memref<2x40x64xi32, #tpu.memory_space<vmem>> -> memref<1x40x64xi32, #tpu.memory_space<vmem>>
          %dma_wait3A_426 = tpu.memref_squeeze %dma_wait3A_425 : memref<1x40x64xi32, #tpu.memory_space<vmem>> -> memref<40x64xi32, #tpu.memory_space<vmem>>
          %dma_wait3A_427 = arith.constant 0 : i32
          %dma_wait3A_428 = arith.constant 0 : i32
          %dma_wait3A_429 = tpu.memref_slice %arg4[%dma_wait3A_427, %dma_wait3A_428] : memref<5000x64xi32, #tpu.memory_space<hbm>> -> memref<40x64xi32, #tpu.memory_space<hbm>>
          %dma_wait3A_430 = arith.constant 0 : i32
          %dma_wait3A_431 = arith.constant 0 : i32
          %dma_wait3A_432 = tpu.memref_slice %arg10[%select_n3A_211, %dma_wait3A_430, %dma_wait3A_431] : memref<2x40x64xi32, #tpu.memory_space<vmem>> -> memref<1x40x64xi32, #tpu.memory_space<vmem>>
          %dma_wait3A_433 = tpu.memref_squeeze %dma_wait3A_432 : memref<1x40x64xi32, #tpu.memory_space<vmem>> -> memref<40x64xi32, #tpu.memory_space<vmem>>
          %dma_wait3A_434 = arith.constant 0 : i32
          %dma_wait3A_435 = arith.constant 0 : i32
          %dma_wait3A_436 = tpu.memref_slice %arg4[%dma_wait3A_434, %dma_wait3A_435] : memref<5000x64xi32, #tpu.memory_space<hbm>> -> memref<40x64xi32, #tpu.memory_space<hbm>>
          tpu.wait_dma2 semaphore(%arg22 : memref<!tpu.dma_semaphore, #tpu.memory_space<semaphore_mem>>) src(%dma_wait3A_436 : memref<40x64xi32, #tpu.memory_space<hbm>>) dst(%dma_wait3A_433 : memref<40x64xi32, #tpu.memory_space<vmem>>)
        } else {
        }
        %gt3A_253 = arith.constant 0 : i32
        %gt3A_254 = arith.cmpi sgt, %while3A_172, %gt3A_253 : i32
        %convert_element_type3A_255 = arith.extui %gt3A_254 : i1 to i32
        %cond3A_256 = arith.constant 0 : i32
        %cond3A_257 = arith.cmpi ne, %convert_element_type3A_255, %cond3A_256 : i32
        scf.if %cond3A_257 {
          %add3A_409 = arith.constant 0 : i32
          %add3A_410 = arith.addi %mul3A_229, %add3A_409 : i32
          %dma_wait3A_411 = arith.constant 0 : i32
          %dma_wait3A_412 = arith.constant 0 : i32
          %dma_wait3A_413 = tpu.memref_slice %arg9[%select_n3A_211, %add3A_410, %dma_wait3A_412] : memref<2x40x64xi32, #tpu.memory_space<vmem>> -> memref<1x1x64xi32, #tpu.memory_space<vmem>>
          %dma_wait3A_414 = tpu.memref_squeeze %dma_wait3A_413 : memref<1x1x64xi32, #tpu.memory_space<vmem>> -> memref<64xi32, #tpu.memory_space<vmem>>
          %dma_wait3A_415 = arith.constant 0 : i32
          %dma_wait3A_416 = arith.constant 0 : i32
          %dma_wait3A_417 = tpu.memref_slice %arg17[%dma_wait3A_415, %dma_wait3A_416] : memref<10000x128xf32, #tpu.memory_space<vmem_shared>> -> memref<10000x128xf32, #tpu.memory_space<vmem_shared>>
          %dma_wait3A_418 = tpu.memref_slice %arg20[%dma_wait3A_411] : memref<4x!tpu.dma_semaphore, #tpu.memory_space<semaphore_mem>> -> memref<1x!tpu.dma_semaphore, #tpu.memory_space<semaphore_mem>>
          %dma_wait3A_419 = tpu.memref_squeeze %dma_wait3A_418 : memref<1x!tpu.dma_semaphore, #tpu.memory_space<semaphore_mem>> -> memref<!tpu.dma_semaphore, #tpu.memory_space<semaphore_mem>>
          tpu.wait_indirect_dma semaphore(%dma_wait3A_419 : memref<!tpu.dma_semaphore, #tpu.memory_space<semaphore_mem>>) src(%arg11 : memref<64x128xf32, #tpu.memory_space<vmem>>) dst(%dma_wait3A_417 : memref<10000x128xf32, #tpu.memory_space<vmem_shared>>)
        } else {
        }
        %add3A_258 = arith.constant 0 : i32
        %add3A_259 = arith.addi %mul3A_229, %add3A_258 : i32
        %dma_start3A_260 = arith.constant 0 : i32
        %dma_start3A_261 = arith.constant 0 : i32
        %dma_start3A_262 = tpu.memref_slice %arg10[%select_n3A_211, %add3A_259, %dma_start3A_261] : memref<2x40x64xi32, #tpu.memory_space<vmem>> -> memref<1x1x64xi32, #tpu.memory_space<vmem>>
        %dma_start3A_263 = tpu.memref_squeeze %dma_start3A_262 : memref<1x1x64xi32, #tpu.memory_space<vmem>> -> memref<64xi32, #tpu.memory_space<vmem>>
        %dma_start3A_264 = arith.constant 0 : i32
        %dma_start3A_265 = arith.constant 0 : i32
        %dma_start3A_266 = tpu.memref_slice %arg2[%dma_start3A_264, %dma_start3A_265] : memref<10000x128xf32, #tpu.memory_space<hbm>> -> memref<10000x128xf32, #tpu.memory_space<hbm>>
        %dma_start3A_267 = tpu.memref_slice %arg19[%dma_start3A_260] : memref<4x!tpu.dma_semaphore, #tpu.memory_space<semaphore_mem>> -> memref<1x!tpu.dma_semaphore, #tpu.memory_space<semaphore_mem>>
        %dma_start3A_268 = tpu.memref_squeeze %dma_start3A_267 : memref<1x!tpu.dma_semaphore, #tpu.memory_space<semaphore_mem>> -> memref<!tpu.dma_semaphore, #tpu.memory_space<semaphore_mem>>
        tpu.enqueue_indirect_dma source(%dma_start3A_266 : memref<10000x128xf32, #tpu.memory_space<hbm>>) target(%arg11 : memref<64x128xf32, #tpu.memory_space<vmem>>) offsets(%dma_start3A_263 : memref<64xi32, #tpu.memory_space<vmem>>) semaphore(%dma_start3A_268 : memref<!tpu.dma_semaphore, #tpu.memory_space<semaphore_mem>>)
        %gt3A_269 = arith.constant 0 : i32
        %gt3A_270 = arith.cmpi sgt, %while3A_172, %gt3A_269 : i32
        %convert_element_type3A_271 = arith.extui %gt3A_270 : i1 to i32
        %cond3A_272 = arith.constant 0 : i32
        %cond3A_273 = arith.cmpi ne, %convert_element_type3A_271, %cond3A_272 : i32
        scf.if %cond3A_273 {
          %add3A_409 = arith.constant 1 : i32
          %add3A_410 = arith.addi %mul3A_229, %add3A_409 : i32
          %dma_wait3A_411 = arith.constant 1 : i32
          %dma_wait3A_412 = arith.constant 0 : i32
          %dma_wait3A_413 = tpu.memref_slice %arg9[%select_n3A_211, %add3A_410, %dma_wait3A_412] : memref<2x40x64xi32, #tpu.memory_space<vmem>> -> memref<1x1x64xi32, #tpu.memory_space<vmem>>
          %dma_wait3A_414 = tpu.memref_squeeze %dma_wait3A_413 : memref<1x1x64xi32, #tpu.memory_space<vmem>> -> memref<64xi32, #tpu.memory_space<vmem>>
          %dma_wait3A_415 = arith.constant 0 : i32
          %dma_wait3A_416 = arith.constant 0 : i32
          %dma_wait3A_417 = tpu.memref_slice %arg17[%dma_wait3A_415, %dma_wait3A_416] : memref<10000x128xf32, #tpu.memory_space<vmem_shared>> -> memref<10000x128xf32, #tpu.memory_space<vmem_shared>>
          %dma_wait3A_418 = tpu.memref_slice %arg20[%dma_wait3A_411] : memref<4x!tpu.dma_semaphore, #tpu.memory_space<semaphore_mem>> -> memref<1x!tpu.dma_semaphore, #tpu.memory_space<semaphore_mem>>
          %dma_wait3A_419 = tpu.memref_squeeze %dma_wait3A_418 : memref<1x!tpu.dma_semaphore, #tpu.memory_space<semaphore_mem>> -> memref<!tpu.dma_semaphore, #tpu.memory_space<semaphore_mem>>
          tpu.wait_indirect_dma semaphore(%dma_wait3A_419 : memref<!tpu.dma_semaphore, #tpu.memory_space<semaphore_mem>>) src(%arg12 : memref<64x128xf32, #tpu.memory_space<vmem>>) dst(%dma_wait3A_417 : memref<10000x128xf32, #tpu.memory_space<vmem_shared>>)
        } else {
        }
        %add3A_274 = arith.constant 1 : i32
        %add3A_275 = arith.addi %mul3A_229, %add3A_274 : i32
        %dma_start3A_276 = arith.constant 1 : i32
        %dma_start3A_277 = arith.constant 0 : i32
        %dma_start3A_278 = tpu.memref_slice %arg10[%select_n3A_211, %add3A_275, %dma_start3A_277] : memref<2x40x64xi32, #tpu.memory_space<vmem>> -> memref<1x1x64xi32, #tpu.memory_space<vmem>>
        %dma_start3A_279 = tpu.memref_squeeze %dma_start3A_278 : memref<1x1x64xi32, #tpu.memory_space<vmem>> -> memref<64xi32, #tpu.memory_space<vmem>>
        %dma_start3A_280 = arith.constant 0 : i32
        %dma_start3A_281 = arith.constant 0 : i32
        %dma_start3A_282 = tpu.memref_slice %arg2[%dma_start3A_280, %dma_start3A_281] : memref<10000x128xf32, #tpu.memory_space<hbm>> -> memref<10000x128xf32, #tpu.memory_space<hbm>>
        %dma_start3A_283 = tpu.memref_slice %arg19[%dma_start3A_276] : memref<4x!tpu.dma_semaphore, #tpu.memory_space<semaphore_mem>> -> memref<1x!tpu.dma_semaphore, #tpu.memory_space<semaphore_mem>>
        %dma_start3A_284 = tpu.memref_squeeze %dma_start3A_283 : memref<1x!tpu.dma_semaphore, #tpu.memory_space<semaphore_mem>> -> memref<!tpu.dma_semaphore, #tpu.memory_space<semaphore_mem>>
        tpu.enqueue_indirect_dma source(%dma_start3A_282 : memref<10000x128xf32, #tpu.memory_space<hbm>>) target(%arg12 : memref<64x128xf32, #tpu.memory_space<vmem>>) offsets(%dma_start3A_279 : memref<64xi32, #tpu.memory_space<vmem>>) semaphore(%dma_start3A_284 : memref<!tpu.dma_semaphore, #tpu.memory_space<semaphore_mem>>)
        %gt3A_285 = arith.constant 0 : i32
        %gt3A_286 = arith.cmpi sgt, %while3A_172, %gt3A_285 : i32
        %convert_element_type3A_287 = arith.extui %gt3A_286 : i1 to i32
        %cond3A_288 = arith.constant 0 : i32
        %cond3A_289 = arith.cmpi ne, %convert_element_type3A_287, %cond3A_288 : i32
        scf.if %cond3A_289 {
          %add3A_409 = arith.constant 2 : i32
          %add3A_410 = arith.addi %mul3A_229, %add3A_409 : i32
          %dma_wait3A_411 = arith.constant 2 : i32
          %dma_wait3A_412 = arith.constant 0 : i32
          %dma_wait3A_413 = tpu.memref_slice %arg9[%select_n3A_211, %add3A_410, %dma_wait3A_412] : memref<2x40x64xi32, #tpu.memory_space<vmem>> -> memref<1x1x64xi32, #tpu.memory_space<vmem>>
          %dma_wait3A_414 = tpu.memref_squeeze %dma_wait3A_413 : memref<1x1x64xi32, #tpu.memory_space<vmem>> -> memref<64xi32, #tpu.memory_space<vmem>>
          %dma_wait3A_415 = arith.constant 0 : i32
          %dma_wait3A_416 = arith.constant 0 : i32
          %dma_wait3A_417 = tpu.memref_slice %arg17[%dma_wait3A_415, %dma_wait3A_416] : memref<10000x128xf32, #tpu.memory_space<vmem_shared>> -> memref<10000x128xf32, #tpu.memory_space<vmem_shared>>
          %dma_wait3A_418 = tpu.memref_slice %arg20[%dma_wait3A_411] : memref<4x!tpu.dma_semaphore, #tpu.memory_space<semaphore_mem>> -> memref<1x!tpu.dma_semaphore, #tpu.memory_space<semaphore_mem>>
          %dma_wait3A_419 = tpu.memref_squeeze %dma_wait3A_418 : memref<1x!tpu.dma_semaphore, #tpu.memory_space<semaphore_mem>> -> memref<!tpu.dma_semaphore, #tpu.memory_space<semaphore_mem>>
          tpu.wait_indirect_dma semaphore(%dma_wait3A_419 : memref<!tpu.dma_semaphore, #tpu.memory_space<semaphore_mem>>) src(%arg13 : memref<64x128xf32, #tpu.memory_space<vmem>>) dst(%dma_wait3A_417 : memref<10000x128xf32, #tpu.memory_space<vmem_shared>>)
        } else {
        }
        %add3A_290 = arith.constant 2 : i32
        %add3A_291 = arith.addi %mul3A_229, %add3A_290 : i32
        %dma_start3A_292 = arith.constant 2 : i32
        %dma_start3A_293 = arith.constant 0 : i32
        %dma_start3A_294 = tpu.memref_slice %arg10[%select_n3A_211, %add3A_291, %dma_start3A_293] : memref<2x40x64xi32, #tpu.memory_space<vmem>> -> memref<1x1x64xi32, #tpu.memory_space<vmem>>
        %dma_start3A_295 = tpu.memref_squeeze %dma_start3A_294 : memref<1x1x64xi32, #tpu.memory_space<vmem>> -> memref<64xi32, #tpu.memory_space<vmem>>
        %dma_start3A_296 = arith.constant 0 : i32
        %dma_start3A_297 = arith.constant 0 : i32
        %dma_start3A_298 = tpu.memref_slice %arg2[%dma_start3A_296, %dma_start3A_297] : memref<10000x128xf32, #tpu.memory_space<hbm>> -> memref<10000x128xf32, #tpu.memory_space<hbm>>
        %dma_start3A_299 = tpu.memref_slice %arg19[%dma_start3A_292] : memref<4x!tpu.dma_semaphore, #tpu.memory_space<semaphore_mem>> -> memref<1x!tpu.dma_semaphore, #tpu.memory_space<semaphore_mem>>
        %dma_start3A_300 = tpu.memref_squeeze %dma_start3A_299 : memref<1x!tpu.dma_semaphore, #tpu.memory_space<semaphore_mem>> -> memref<!tpu.dma_semaphore, #tpu.memory_space<semaphore_mem>>
        tpu.enqueue_indirect_dma source(%dma_start3A_298 : memref<10000x128xf32, #tpu.memory_space<hbm>>) target(%arg13 : memref<64x128xf32, #tpu.memory_space<vmem>>) offsets(%dma_start3A_295 : memref<64xi32, #tpu.memory_space<vmem>>) semaphore(%dma_start3A_300 : memref<!tpu.dma_semaphore, #tpu.memory_space<semaphore_mem>>)
        %gt3A_301 = arith.constant 0 : i32
        %gt3A_302 = arith.cmpi sgt, %while3A_172, %gt3A_301 : i32
        %convert_element_type3A_303 = arith.extui %gt3A_302 : i1 to i32
        %cond3A_304 = arith.constant 0 : i32
        %cond3A_305 = arith.cmpi ne, %convert_element_type3A_303, %cond3A_304 : i32
        scf.if %cond3A_305 {
          %add3A_409 = arith.constant 3 : i32
          %add3A_410 = arith.addi %mul3A_229, %add3A_409 : i32
          %dma_wait3A_411 = arith.constant 3 : i32
          %dma_wait3A_412 = arith.constant 0 : i32
          %dma_wait3A_413 = tpu.memref_slice %arg9[%select_n3A_211, %add3A_410, %dma_wait3A_412] : memref<2x40x64xi32, #tpu.memory_space<vmem>> -> memref<1x1x64xi32, #tpu.memory_space<vmem>>
          %dma_wait3A_414 = tpu.memref_squeeze %dma_wait3A_413 : memref<1x1x64xi32, #tpu.memory_space<vmem>> -> memref<64xi32, #tpu.memory_space<vmem>>
          %dma_wait3A_415 = arith.constant 0 : i32
          %dma_wait3A_416 = arith.constant 0 : i32
          %dma_wait3A_417 = tpu.memref_slice %arg17[%dma_wait3A_415, %dma_wait3A_416] : memref<10000x128xf32, #tpu.memory_space<vmem_shared>> -> memref<10000x128xf32, #tpu.memory_space<vmem_shared>>
          %dma_wait3A_418 = tpu.memref_slice %arg20[%dma_wait3A_411] : memref<4x!tpu.dma_semaphore, #tpu.memory_space<semaphore_mem>> -> memref<1x!tpu.dma_semaphore, #tpu.memory_space<semaphore_mem>>
          %dma_wait3A_419 = tpu.memref_squeeze %dma_wait3A_418 : memref<1x!tpu.dma_semaphore, #tpu.memory_space<semaphore_mem>> -> memref<!tpu.dma_semaphore, #tpu.memory_space<semaphore_mem>>
          tpu.wait_indirect_dma semaphore(%dma_wait3A_419 : memref<!tpu.dma_semaphore, #tpu.memory_space<semaphore_mem>>) src(%arg14 : memref<64x128xf32, #tpu.memory_space<vmem>>) dst(%dma_wait3A_417 : memref<10000x128xf32, #tpu.memory_space<vmem_shared>>)
        } else {
        }
        %add3A_306 = arith.constant 3 : i32
        %add3A_307 = arith.addi %mul3A_229, %add3A_306 : i32
        %dma_start3A_308 = arith.constant 3 : i32
        %dma_start3A_309 = arith.constant 0 : i32
        %dma_start3A_310 = tpu.memref_slice %arg10[%select_n3A_211, %add3A_307, %dma_start3A_309] : memref<2x40x64xi32, #tpu.memory_space<vmem>> -> memref<1x1x64xi32, #tpu.memory_space<vmem>>
        %dma_start3A_311 = tpu.memref_squeeze %dma_start3A_310 : memref<1x1x64xi32, #tpu.memory_space<vmem>> -> memref<64xi32, #tpu.memory_space<vmem>>
        %dma_start3A_312 = arith.constant 0 : i32
        %dma_start3A_313 = arith.constant 0 : i32
        %dma_start3A_314 = tpu.memref_slice %arg2[%dma_start3A_312, %dma_start3A_313] : memref<10000x128xf32, #tpu.memory_space<hbm>> -> memref<10000x128xf32, #tpu.memory_space<hbm>>
        %dma_start3A_315 = tpu.memref_slice %arg19[%dma_start3A_308] : memref<4x!tpu.dma_semaphore, #tpu.memory_space<semaphore_mem>> -> memref<1x!tpu.dma_semaphore, #tpu.memory_space<semaphore_mem>>
        %dma_start3A_316 = tpu.memref_squeeze %dma_start3A_315 : memref<1x!tpu.dma_semaphore, #tpu.memory_space<semaphore_mem>> -> memref<!tpu.dma_semaphore, #tpu.memory_space<semaphore_mem>>
        tpu.enqueue_indirect_dma source(%dma_start3A_314 : memref<10000x128xf32, #tpu.memory_space<hbm>>) target(%arg14 : memref<64x128xf32, #tpu.memory_space<vmem>>) offsets(%dma_start3A_311 : memref<64xi32, #tpu.memory_space<vmem>>) semaphore(%dma_start3A_316 : memref<!tpu.dma_semaphore, #tpu.memory_space<semaphore_mem>>)
        %convert_element_type3A_317 = arith.extui %and3A_249 : i1 to i32
        %cond3A_318 = arith.constant 0 : i32
        %cond3A_319 = arith.cmpi ne, %convert_element_type3A_317, %cond3A_318 : i32
        scf.if %cond3A_319 {
          %add3A_409 = arith.constant 1 : i32
          %add3A_410 = arith.addi %select_n3A_195, %add3A_409 : i32
          %lt3A_411 = arith.cmpi slt, %add3A_410, %select_n3A_33 : i32
          %convert_element_type3A_412 = arith.extui %lt3A_411 : i1 to i32
          %cond3A_413 = arith.constant 0 : i32
          %cond3A_414 = arith.cmpi ne, %convert_element_type3A_412, %cond3A_413 : i32
          scf.if %cond3A_414 {
            %add3A_415 = arith.constant 1 : i32
            %add3A_416 = arith.addi %select_n3A_195, %add3A_415 : i32
            %sub3A_417 = arith.constant 1 : i32
            %sub3A_418 = arith.subi %sub3A_417, %select_n3A_211 : i32
            %mul3A_419 = arith.constant 320 : i32
            %mul3A_420 = arith.muli %arg1, %mul3A_419 : i32
            %mul3A_421 = arith.constant 40 : i32
            %mul3A_422 = arith.muli %add3A_416, %mul3A_421 : i32
            %add3A_423 = arith.addi %mul3A_420, %mul3A_422 : i32
            %dma_start3A_424 = arith.constant 0 : i32
            %dma_start3A_425 = arith.constant 0 : i32
            %dma_start3A_426 = tpu.memref_slice %arg10[%sub3A_418, %dma_start3A_424, %dma_start3A_425] : memref<2x40x64xi32, #tpu.memory_space<vmem>> -> memref<1x40x64xi32, #tpu.memory_space<vmem>>
            %dma_start3A_427 = tpu.memref_squeeze %dma_start3A_426 : memref<1x40x64xi32, #tpu.memory_space<vmem>> -> memref<40x64xi32, #tpu.memory_space<vmem>>
            %dma_start3A_428 = arith.constant 0 : i32
            %dma_start3A_429 = tpu.memref_slice %arg5[%add3A_423, %dma_start3A_428] : memref<5000x64xi32, #tpu.memory_space<hbm>> -> memref<40x64xi32, #tpu.memory_space<hbm>>
            %dma_start3A_430 = arith.constant 0 : i32
            %dma_start3A_431 = arith.constant 0 : i32
            %dma_start3A_432 = tpu.memref_slice %arg10[%sub3A_418, %dma_start3A_430, %dma_start3A_431] : memref<2x40x64xi32, #tpu.memory_space<vmem>> -> memref<1x40x64xi32, #tpu.memory_space<vmem>>
            %dma_start3A_433 = tpu.memref_squeeze %dma_start3A_432 : memref<1x40x64xi32, #tpu.memory_space<vmem>> -> memref<40x64xi32, #tpu.memory_space<vmem>>
            %dma_start3A_434 = arith.constant 0 : i32
            %dma_start3A_435 = tpu.memref_slice %arg5[%add3A_423, %dma_start3A_434] : memref<5000x64xi32, #tpu.memory_space<hbm>> -> memref<40x64xi32, #tpu.memory_space<hbm>>
            tpu.enqueue_dma source(%dma_start3A_435 : memref<40x64xi32, #tpu.memory_space<hbm>>) target(%dma_start3A_433 : memref<40x64xi32, #tpu.memory_space<vmem>>) target_semaphore(%arg22 : memref<!tpu.dma_semaphore, #tpu.memory_space<semaphore_mem>>)
            %dma_start3A_436 = arith.constant 0 : i32
            %dma_start3A_437 = arith.constant 0 : i32
            %dma_start3A_438 = tpu.memref_slice %arg9[%sub3A_418, %dma_start3A_436, %dma_start3A_437] : memref<2x40x64xi32, #tpu.memory_space<vmem>> -> memref<1x40x64xi32, #tpu.memory_space<vmem>>
            %dma_start3A_439 = tpu.memref_squeeze %dma_start3A_438 : memref<1x40x64xi32, #tpu.memory_space<vmem>> -> memref<40x64xi32, #tpu.memory_space<vmem>>
            %dma_start3A_440 = arith.constant 0 : i32
            %dma_start3A_441 = tpu.memref_slice %arg4[%add3A_423, %dma_start3A_440] : memref<5000x64xi32, #tpu.memory_space<hbm>> -> memref<40x64xi32, #tpu.memory_space<hbm>>
            %dma_start3A_442 = arith.constant 0 : i32
            %dma_start3A_443 = arith.constant 0 : i32
            %dma_start3A_444 = tpu.memref_slice %arg9[%sub3A_418, %dma_start3A_442, %dma_start3A_443] : memref<2x40x64xi32, #tpu.memory_space<vmem>> -> memref<1x40x64xi32, #tpu.memory_space<vmem>>
            %dma_start3A_445 = tpu.memref_squeeze %dma_start3A_444 : memref<1x40x64xi32, #tpu.memory_space<vmem>> -> memref<40x64xi32, #tpu.memory_space<vmem>>
            %dma_start3A_446 = arith.constant 0 : i32
            %dma_start3A_447 = tpu.memref_slice %arg4[%add3A_423, %dma_start3A_446] : memref<5000x64xi32, #tpu.memory_space<hbm>> -> memref<40x64xi32, #tpu.memory_space<hbm>>
            tpu.enqueue_dma source(%dma_start3A_447 : memref<40x64xi32, #tpu.memory_space<hbm>>) target(%dma_start3A_445 : memref<40x64xi32, #tpu.memory_space<vmem>>) target_semaphore(%arg22 : memref<!tpu.dma_semaphore, #tpu.memory_space<semaphore_mem>>)
          } else {
          }
        } else {
        }
        %add3A_320 = arith.constant 0 : i32
        %add3A_321 = arith.addi %mul3A_229, %add3A_320 : i32
        %dma_wait3A_322 = arith.constant 0 : i32
        %dma_wait3A_323 = arith.constant 0 : i32
        %dma_wait3A_324 = tpu.memref_slice %arg10[%select_n3A_211, %add3A_321, %dma_wait3A_323] : memref<2x40x64xi32, #tpu.memory_space<vmem>> -> memref<1x1x64xi32, #tpu.memory_space<vmem>>
        %dma_wait3A_325 = tpu.memref_squeeze %dma_wait3A_324 : memref<1x1x64xi32, #tpu.memory_space<vmem>> -> memref<64xi32, #tpu.memory_space<vmem>>
        %dma_wait3A_326 = arith.constant 0 : i32
        %dma_wait3A_327 = arith.constant 0 : i32
        %dma_wait3A_328 = tpu.memref_slice %arg2[%dma_wait3A_326, %dma_wait3A_327] : memref<10000x128xf32, #tpu.memory_space<hbm>> -> memref<10000x128xf32, #tpu.memory_space<hbm>>
        %dma_wait3A_329 = tpu.memref_slice %arg19[%dma_wait3A_322] : memref<4x!tpu.dma_semaphore, #tpu.memory_space<semaphore_mem>> -> memref<1x!tpu.dma_semaphore, #tpu.memory_space<semaphore_mem>>
        %dma_wait3A_330 = tpu.memref_squeeze %dma_wait3A_329 : memref<1x!tpu.dma_semaphore, #tpu.memory_space<semaphore_mem>> -> memref<!tpu.dma_semaphore, #tpu.memory_space<semaphore_mem>>
        tpu.wait_indirect_dma semaphore(%dma_wait3A_330 : memref<!tpu.dma_semaphore, #tpu.memory_space<semaphore_mem>>) src(%dma_wait3A_328 : memref<10000x128xf32, #tpu.memory_space<hbm>>) dst(%arg11 : memref<64x128xf32, #tpu.memory_space<vmem>>)
        %add3A_331 = arith.constant 0 : i32
        %add3A_332 = arith.addi %mul3A_229, %add3A_331 : i32
        %dma_start3A_333 = arith.constant 0 : i32
        %dma_start3A_334 = arith.constant 0 : i32
        %dma_start3A_335 = tpu.memref_slice %arg9[%select_n3A_211, %add3A_332, %dma_start3A_334] : memref<2x40x64xi32, #tpu.memory_space<vmem>> -> memref<1x1x64xi32, #tpu.memory_space<vmem>>
        %dma_start3A_336 = tpu.memref_squeeze %dma_start3A_335 : memref<1x1x64xi32, #tpu.memory_space<vmem>> -> memref<64xi32, #tpu.memory_space<vmem>>
        %dma_start3A_337 = arith.constant 0 : i32
        %dma_start3A_338 = arith.constant 0 : i32
        %dma_start3A_339 = tpu.memref_slice %arg17[%dma_start3A_337, %dma_start3A_338] : memref<10000x128xf32, #tpu.memory_space<vmem_shared>> -> memref<10000x128xf32, #tpu.memory_space<vmem_shared>>
        %dma_start3A_340 = tpu.memref_slice %arg20[%dma_start3A_333] : memref<4x!tpu.dma_semaphore, #tpu.memory_space<semaphore_mem>> -> memref<1x!tpu.dma_semaphore, #tpu.memory_space<semaphore_mem>>
        %dma_start3A_341 = tpu.memref_squeeze %dma_start3A_340 : memref<1x!tpu.dma_semaphore, #tpu.memory_space<semaphore_mem>> -> memref<!tpu.dma_semaphore, #tpu.memory_space<semaphore_mem>>
        tpu.enqueue_indirect_dma source(%arg11 : memref<64x128xf32, #tpu.memory_space<vmem>>) target(%dma_start3A_339 : memref<10000x128xf32, #tpu.memory_space<vmem_shared>>) offsets(%dma_start3A_336 : memref<64xi32, #tpu.memory_space<vmem>>) semaphore(%dma_start3A_341 : memref<!tpu.dma_semaphore, #tpu.memory_space<semaphore_mem>>) {add = true}
        %add3A_342 = arith.constant 1 : i32
        %add3A_343 = arith.addi %mul3A_229, %add3A_342 : i32
        %dma_wait3A_344 = arith.constant 1 : i32
        %dma_wait3A_345 = arith.constant 0 : i32
        %dma_wait3A_346 = tpu.memref_slice %arg10[%select_n3A_211, %add3A_343, %dma_wait3A_345] : memref<2x40x64xi32, #tpu.memory_space<vmem>> -> memref<1x1x64xi32, #tpu.memory_space<vmem>>
        %dma_wait3A_347 = tpu.memref_squeeze %dma_wait3A_346 : memref<1x1x64xi32, #tpu.memory_space<vmem>> -> memref<64xi32, #tpu.memory_space<vmem>>
        %dma_wait3A_348 = arith.constant 0 : i32
        %dma_wait3A_349 = arith.constant 0 : i32
        %dma_wait3A_350 = tpu.memref_slice %arg2[%dma_wait3A_348, %dma_wait3A_349] : memref<10000x128xf32, #tpu.memory_space<hbm>> -> memref<10000x128xf32, #tpu.memory_space<hbm>>
        %dma_wait3A_351 = tpu.memref_slice %arg19[%dma_wait3A_344] : memref<4x!tpu.dma_semaphore, #tpu.memory_space<semaphore_mem>> -> memref<1x!tpu.dma_semaphore, #tpu.memory_space<semaphore_mem>>
        %dma_wait3A_352 = tpu.memref_squeeze %dma_wait3A_351 : memref<1x!tpu.dma_semaphore, #tpu.memory_space<semaphore_mem>> -> memref<!tpu.dma_semaphore, #tpu.memory_space<semaphore_mem>>
        tpu.wait_indirect_dma semaphore(%dma_wait3A_352 : memref<!tpu.dma_semaphore, #tpu.memory_space<semaphore_mem>>) src(%dma_wait3A_350 : memref<10000x128xf32, #tpu.memory_space<hbm>>) dst(%arg12 : memref<64x128xf32, #tpu.memory_space<vmem>>)
        %add3A_353 = arith.constant 1 : i32
        %add3A_354 = arith.addi %mul3A_229, %add3A_353 : i32
        %dma_start3A_355 = arith.constant 1 : i32
        %dma_start3A_356 = arith.constant 0 : i32
        %dma_start3A_357 = tpu.memref_slice %arg9[%select_n3A_211, %add3A_354, %dma_start3A_356] : memref<2x40x64xi32, #tpu.memory_space<vmem>> -> memref<1x1x64xi32, #tpu.memory_space<vmem>>
        %dma_start3A_358 = tpu.memref_squeeze %dma_start3A_357 : memref<1x1x64xi32, #tpu.memory_space<vmem>> -> memref<64xi32, #tpu.memory_space<vmem>>
        %dma_start3A_359 = arith.constant 0 : i32
        %dma_start3A_360 = arith.constant 0 : i32
        %dma_start3A_361 = tpu.memref_slice %arg17[%dma_start3A_359, %dma_start3A_360] : memref<10000x128xf32, #tpu.memory_space<vmem_shared>> -> memref<10000x128xf32, #tpu.memory_space<vmem_shared>>
        %dma_start3A_362 = tpu.memref_slice %arg20[%dma_start3A_355] : memref<4x!tpu.dma_semaphore, #tpu.memory_space<semaphore_mem>> -> memref<1x!tpu.dma_semaphore, #tpu.memory_space<semaphore_mem>>
        %dma_start3A_363 = tpu.memref_squeeze %dma_start3A_362 : memref<1x!tpu.dma_semaphore, #tpu.memory_space<semaphore_mem>> -> memref<!tpu.dma_semaphore, #tpu.memory_space<semaphore_mem>>
        tpu.enqueue_indirect_dma source(%arg12 : memref<64x128xf32, #tpu.memory_space<vmem>>) target(%dma_start3A_361 : memref<10000x128xf32, #tpu.memory_space<vmem_shared>>) offsets(%dma_start3A_358 : memref<64xi32, #tpu.memory_space<vmem>>) semaphore(%dma_start3A_363 : memref<!tpu.dma_semaphore, #tpu.memory_space<semaphore_mem>>) {add = true}
        %add3A_364 = arith.constant 2 : i32
        %add3A_365 = arith.addi %mul3A_229, %add3A_364 : i32
        %dma_wait3A_366 = arith.constant 2 : i32
        %dma_wait3A_367 = arith.constant 0 : i32
        %dma_wait3A_368 = tpu.memref_slice %arg10[%select_n3A_211, %add3A_365, %dma_wait3A_367] : memref<2x40x64xi32, #tpu.memory_space<vmem>> -> memref<1x1x64xi32, #tpu.memory_space<vmem>>
        %dma_wait3A_369 = tpu.memref_squeeze %dma_wait3A_368 : memref<1x1x64xi32, #tpu.memory_space<vmem>> -> memref<64xi32, #tpu.memory_space<vmem>>
        %dma_wait3A_370 = arith.constant 0 : i32
        %dma_wait3A_371 = arith.constant 0 : i32
        %dma_wait3A_372 = tpu.memref_slice %arg2[%dma_wait3A_370, %dma_wait3A_371] : memref<10000x128xf32, #tpu.memory_space<hbm>> -> memref<10000x128xf32, #tpu.memory_space<hbm>>
        %dma_wait3A_373 = tpu.memref_slice %arg19[%dma_wait3A_366] : memref<4x!tpu.dma_semaphore, #tpu.memory_space<semaphore_mem>> -> memref<1x!tpu.dma_semaphore, #tpu.memory_space<semaphore_mem>>
        %dma_wait3A_374 = tpu.memref_squeeze %dma_wait3A_373 : memref<1x!tpu.dma_semaphore, #tpu.memory_space<semaphore_mem>> -> memref<!tpu.dma_semaphore, #tpu.memory_space<semaphore_mem>>
        tpu.wait_indirect_dma semaphore(%dma_wait3A_374 : memref<!tpu.dma_semaphore, #tpu.memory_space<semaphore_mem>>) src(%dma_wait3A_372 : memref<10000x128xf32, #tpu.memory_space<hbm>>) dst(%arg13 : memref<64x128xf32, #tpu.memory_space<vmem>>)
        %add3A_375 = arith.constant 2 : i32
        %add3A_376 = arith.addi %mul3A_229, %add3A_375 : i32
        %dma_start3A_377 = arith.constant 2 : i32
        %dma_start3A_378 = arith.constant 0 : i32
        %dma_start3A_379 = tpu.memref_slice %arg9[%select_n3A_211, %add3A_376, %dma_start3A_378] : memref<2x40x64xi32, #tpu.memory_space<vmem>> -> memref<1x1x64xi32, #tpu.memory_space<vmem>>
        %dma_start3A_380 = tpu.memref_squeeze %dma_start3A_379 : memref<1x1x64xi32, #tpu.memory_space<vmem>> -> memref<64xi32, #tpu.memory_space<vmem>>
        %dma_start3A_381 = arith.constant 0 : i32
        %dma_start3A_382 = arith.constant 0 : i32
        %dma_start3A_383 = tpu.memref_slice %arg17[%dma_start3A_381, %dma_start3A_382] : memref<10000x128xf32, #tpu.memory_space<vmem_shared>> -> memref<10000x128xf32, #tpu.memory_space<vmem_shared>>
        %dma_start3A_384 = tpu.memref_slice %arg20[%dma_start3A_377] : memref<4x!tpu.dma_semaphore, #tpu.memory_space<semaphore_mem>> -> memref<1x!tpu.dma_semaphore, #tpu.memory_space<semaphore_mem>>
        %dma_start3A_385 = tpu.memref_squeeze %dma_start3A_384 : memref<1x!tpu.dma_semaphore, #tpu.memory_space<semaphore_mem>> -> memref<!tpu.dma_semaphore, #tpu.memory_space<semaphore_mem>>
        tpu.enqueue_indirect_dma source(%arg13 : memref<64x128xf32, #tpu.memory_space<vmem>>) target(%dma_start3A_383 : memref<10000x128xf32, #tpu.memory_space<vmem_shared>>) offsets(%dma_start3A_380 : memref<64xi32, #tpu.memory_space<vmem>>) semaphore(%dma_start3A_385 : memref<!tpu.dma_semaphore, #tpu.memory_space<semaphore_mem>>) {add = true}
        %add3A_386 = arith.constant 3 : i32
        %add3A_387 = arith.addi %mul3A_229, %add3A_386 : i32
        %dma_wait3A_388 = arith.constant 3 : i32
        %dma_wait3A_389 = arith.constant 0 : i32
        %dma_wait3A_390 = tpu.memref_slice %arg10[%select_n3A_211, %add3A_387, %dma_wait3A_389] : memref<2x40x64xi32, #tpu.memory_space<vmem>> -> memref<1x1x64xi32, #tpu.memory_space<vmem>>
        %dma_wait3A_391 = tpu.memref_squeeze %dma_wait3A_390 : memref<1x1x64xi32, #tpu.memory_space<vmem>> -> memref<64xi32, #tpu.memory_space<vmem>>
        %dma_wait3A_392 = arith.constant 0 : i32
        %dma_wait3A_393 = arith.constant 0 : i32
        %dma_wait3A_394 = tpu.memref_slice %arg2[%dma_wait3A_392, %dma_wait3A_393] : memref<10000x128xf32, #tpu.memory_space<hbm>> -> memref<10000x128xf32, #tpu.memory_space<hbm>>
        %dma_wait3A_395 = tpu.memref_slice %arg19[%dma_wait3A_388] : memref<4x!tpu.dma_semaphore, #tpu.memory_space<semaphore_mem>> -> memref<1x!tpu.dma_semaphore, #tpu.memory_space<semaphore_mem>>
        %dma_wait3A_396 = tpu.memref_squeeze %dma_wait3A_395 : memref<1x!tpu.dma_semaphore, #tpu.memory_space<semaphore_mem>> -> memref<!tpu.dma_semaphore, #tpu.memory_space<semaphore_mem>>
        tpu.wait_indirect_dma semaphore(%dma_wait3A_396 : memref<!tpu.dma_semaphore, #tpu.memory_space<semaphore_mem>>) src(%dma_wait3A_394 : memref<10000x128xf32, #tpu.memory_space<hbm>>) dst(%arg14 : memref<64x128xf32, #tpu.memory_space<vmem>>)
        %add3A_397 = arith.constant 3 : i32
        %add3A_398 = arith.addi %mul3A_229, %add3A_397 : i32
        %dma_start3A_399 = arith.constant 3 : i32
        %dma_start3A_400 = arith.constant 0 : i32
        %dma_start3A_401 = tpu.memref_slice %arg9[%select_n3A_211, %add3A_398, %dma_start3A_400] : memref<2x40x64xi32, #tpu.memory_space<vmem>> -> memref<1x1x64xi32, #tpu.memory_space<vmem>>
        %dma_start3A_402 = tpu.memref_squeeze %dma_start3A_401 : memref<1x1x64xi32, #tpu.memory_space<vmem>> -> memref<64xi32, #tpu.memory_space<vmem>>
        %dma_start3A_403 = arith.constant 0 : i32
        %dma_start3A_404 = arith.constant 0 : i32
        %dma_start3A_405 = tpu.memref_slice %arg17[%dma_start3A_403, %dma_start3A_404] : memref<10000x128xf32, #tpu.memory_space<vmem_shared>> -> memref<10000x128xf32, #tpu.memory_space<vmem_shared>>
        %dma_start3A_406 = tpu.memref_slice %arg20[%dma_start3A_399] : memref<4x!tpu.dma_semaphore, #tpu.memory_space<semaphore_mem>> -> memref<1x!tpu.dma_semaphore, #tpu.memory_space<semaphore_mem>>
        %dma_start3A_407 = tpu.memref_squeeze %dma_start3A_406 : memref<1x!tpu.dma_semaphore, #tpu.memory_space<semaphore_mem>> -> memref<!tpu.dma_semaphore, #tpu.memory_space<semaphore_mem>>
        tpu.enqueue_indirect_dma source(%arg14 : memref<64x128xf32, #tpu.memory_space<vmem>>) target(%dma_start3A_405 : memref<10000x128xf32, #tpu.memory_space<vmem_shared>>) offsets(%dma_start3A_402 : memref<64xi32, #tpu.memory_space<vmem>>) semaphore(%dma_start3A_407 : memref<!tpu.dma_semaphore, #tpu.memory_space<semaphore_mem>>) {add = true}
        %while3A_408 = arith.constant 0 : i32
        scf.yield %while3A_408 : i32
      }
      %sub3A = arith.constant 1 : i32
      %sub3A_119 = arith.subi %select_n3A_33, %sub3A : i32
      %jit3A_120 = arith.constant 2 : i32
      %eq3A_121 = arith.constant 0 : i32
      %eq3A_122 = arith.cmpi eq, %jit3A_120, %eq3A_121 : i32
      %jit3A_123 = arith.constant 1 : i32
      %select_n3A_124 = arith.select %eq3A_122, %jit3A_123, %jit3A_120 : i32
      %rem3A = arith.remsi %sub3A_119, %select_n3A_124 : i32
      %ne3A = arith.constant 0 : i32
      %ne3A_125 = arith.cmpi ne, %rem3A, %ne3A : i32
      %lt3A = arith.constant 0 : i32
      %lt3A_126 = arith.cmpi slt, %rem3A, %lt3A : i32
      %lt3A_127 = arith.constant 0 : i32
      %lt3A_128 = arith.cmpi slt, %select_n3A_124, %lt3A_127 : i32
      %ne3A_129 = arith.xori %lt3A_126, %lt3A_128 : i1
      %and3A_130 = arith.andi %ne3A_129, %ne3A_125 : i1
      %add3A_131 = arith.addi %rem3A, %select_n3A_124 : i32
      %select_n3A_132 = arith.select %and3A_130, %add3A_131, %rem3A : i32
      %dma_wait3A = arith.constant 36 : i32
      %dma_wait3A_133 = arith.constant 0 : i32
      %dma_wait3A_134 = arith.constant 0 : i32
      %dma_wait3A_135 = tpu.memref_slice %arg9[%select_n3A_132, %dma_wait3A, %dma_wait3A_134] : memref<2x40x64xi32, #tpu.memory_space<vmem>> -> memref<1x1x64xi32, #tpu.memory_space<vmem>>
      %dma_wait3A_136 = tpu.memref_squeeze %dma_wait3A_135 : memref<1x1x64xi32, #tpu.memory_space<vmem>> -> memref<64xi32, #tpu.memory_space<vmem>>
      %dma_wait3A_137 = arith.constant 0 : i32
      %dma_wait3A_138 = arith.constant 0 : i32
      %dma_wait3A_139 = tpu.memref_slice %arg17[%dma_wait3A_137, %dma_wait3A_138] : memref<10000x128xf32, #tpu.memory_space<vmem_shared>> -> memref<10000x128xf32, #tpu.memory_space<vmem_shared>>
      %dma_wait3A_140 = tpu.memref_slice %arg20[%dma_wait3A_133] : memref<4x!tpu.dma_semaphore, #tpu.memory_space<semaphore_mem>> -> memref<1x!tpu.dma_semaphore, #tpu.memory_space<semaphore_mem>>
      %dma_wait3A_141 = tpu.memref_squeeze %dma_wait3A_140 : memref<1x!tpu.dma_semaphore, #tpu.memory_space<semaphore_mem>> -> memref<!tpu.dma_semaphore, #tpu.memory_space<semaphore_mem>>
      tpu.wait_indirect_dma semaphore(%dma_wait3A_141 : memref<!tpu.dma_semaphore, #tpu.memory_space<semaphore_mem>>) src(%arg11 : memref<64x128xf32, #tpu.memory_space<vmem>>) dst(%dma_wait3A_139 : memref<10000x128xf32, #tpu.memory_space<vmem_shared>>)
      %dma_wait3A_142 = arith.constant 37 : i32
      %dma_wait3A_143 = arith.constant 1 : i32
      %dma_wait3A_144 = arith.constant 0 : i32
      %dma_wait3A_145 = tpu.memref_slice %arg9[%select_n3A_132, %dma_wait3A_142, %dma_wait3A_144] : memref<2x40x64xi32, #tpu.memory_space<vmem>> -> memref<1x1x64xi32, #tpu.memory_space<vmem>>
      %dma_wait3A_146 = tpu.memref_squeeze %dma_wait3A_145 : memref<1x1x64xi32, #tpu.memory_space<vmem>> -> memref<64xi32, #tpu.memory_space<vmem>>
      %dma_wait3A_147 = arith.constant 0 : i32
      %dma_wait3A_148 = arith.constant 0 : i32
      %dma_wait3A_149 = tpu.memref_slice %arg17[%dma_wait3A_147, %dma_wait3A_148] : memref<10000x128xf32, #tpu.memory_space<vmem_shared>> -> memref<10000x128xf32, #tpu.memory_space<vmem_shared>>
      %dma_wait3A_150 = tpu.memref_slice %arg20[%dma_wait3A_143] : memref<4x!tpu.dma_semaphore, #tpu.memory_space<semaphore_mem>> -> memref<1x!tpu.dma_semaphore, #tpu.memory_space<semaphore_mem>>
      %dma_wait3A_151 = tpu.memref_squeeze %dma_wait3A_150 : memref<1x!tpu.dma_semaphore, #tpu.memory_space<semaphore_mem>> -> memref<!tpu.dma_semaphore, #tpu.memory_space<semaphore_mem>>
      tpu.wait_indirect_dma semaphore(%dma_wait3A_151 : memref<!tpu.dma_semaphore, #tpu.memory_space<semaphore_mem>>) src(%arg12 : memref<64x128xf32, #tpu.memory_space<vmem>>) dst(%dma_wait3A_149 : memref<10000x128xf32, #tpu.memory_space<vmem_shared>>)
      %dma_wait3A_152 = arith.constant 38 : i32
      %dma_wait3A_153 = arith.constant 2 : i32
      %dma_wait3A_154 = arith.constant 0 : i32
      %dma_wait3A_155 = tpu.memref_slice %arg9[%select_n3A_132, %dma_wait3A_152, %dma_wait3A_154] : memref<2x40x64xi32, #tpu.memory_space<vmem>> -> memref<1x1x64xi32, #tpu.memory_space<vmem>>
      %dma_wait3A_156 = tpu.memref_squeeze %dma_wait3A_155 : memref<1x1x64xi32, #tpu.memory_space<vmem>> -> memref<64xi32, #tpu.memory_space<vmem>>
      %dma_wait3A_157 = arith.constant 0 : i32
      %dma_wait3A_158 = arith.constant 0 : i32
      %dma_wait3A_159 = tpu.memref_slice %arg17[%dma_wait3A_157, %dma_wait3A_158] : memref<10000x128xf32, #tpu.memory_space<vmem_shared>> -> memref<10000x128xf32, #tpu.memory_space<vmem_shared>>
      %dma_wait3A_160 = tpu.memref_slice %arg20[%dma_wait3A_153] : memref<4x!tpu.dma_semaphore, #tpu.memory_space<semaphore_mem>> -> memref<1x!tpu.dma_semaphore, #tpu.memory_space<semaphore_mem>>
      %dma_wait3A_161 = tpu.memref_squeeze %dma_wait3A_160 : memref<1x!tpu.dma_semaphore, #tpu.memory_space<semaphore_mem>> -> memref<!tpu.dma_semaphore, #tpu.memory_space<semaphore_mem>>
      tpu.wait_indirect_dma semaphore(%dma_wait3A_161 : memref<!tpu.dma_semaphore, #tpu.memory_space<semaphore_mem>>) src(%arg13 : memref<64x128xf32, #tpu.memory_space<vmem>>) dst(%dma_wait3A_159 : memref<10000x128xf32, #tpu.memory_space<vmem_shared>>)
      %dma_wait3A_162 = arith.constant 39 : i32
      %dma_wait3A_163 = arith.constant 3 : i32
      %dma_wait3A_164 = arith.constant 0 : i32
      %dma_wait3A_165 = tpu.memref_slice %arg9[%select_n3A_132, %dma_wait3A_162, %dma_wait3A_164] : memref<2x40x64xi32, #tpu.memory_space<vmem>> -> memref<1x1x64xi32, #tpu.memory_space<vmem>>
      %dma_wait3A_166 = tpu.memref_squeeze %dma_wait3A_165 : memref<1x1x64xi32, #tpu.memory_space<vmem>> -> memref<64xi32, #tpu.memory_space<vmem>>
      %dma_wait3A_167 = arith.constant 0 : i32
      %dma_wait3A_168 = arith.constant 0 : i32
      %dma_wait3A_169 = tpu.memref_slice %arg17[%dma_wait3A_167, %dma_wait3A_168] : memref<10000x128xf32, #tpu.memory_space<vmem_shared>> -> memref<10000x128xf32, #tpu.memory_space<vmem_shared>>
      %dma_wait3A_170 = tpu.memref_slice %arg20[%dma_wait3A_163] : memref<4x!tpu.dma_semaphore, #tpu.memory_space<semaphore_mem>> -> memref<1x!tpu.dma_semaphore, #tpu.memory_space<semaphore_mem>>
      %dma_wait3A_171 = tpu.memref_squeeze %dma_wait3A_170 : memref<1x!tpu.dma_semaphore, #tpu.memory_space<semaphore_mem>> -> memref<!tpu.dma_semaphore, #tpu.memory_space<semaphore_mem>>
      tpu.wait_indirect_dma semaphore(%dma_wait3A_171 : memref<!tpu.dma_semaphore, #tpu.memory_space<semaphore_mem>>) src(%arg14 : memref<64x128xf32, #tpu.memory_space<vmem>>) dst(%dma_wait3A_169 : memref<10000x128xf32, #tpu.memory_space<vmem_shared>>)
    } else {
    }
    %eq3A_39 = arith.constant 1 : i32
    %eq3A_40 = arith.cmpi eq, %arg0, %eq3A_39 : i32
    %convert_element_type3A_41 = arith.extui %eq3A_40 : i1 to i32
    %cond3A_42 = arith.constant 0 : i32
    %cond3A_43 = arith.cmpi ne, %convert_element_type3A_41, %cond3A_42 : i32
    scf.if %cond3A_43 {
      %mul3A_71 = arith.constant 320 : i32
      %mul3A_72 = arith.muli %arg1, %mul3A_71 : i32
      %add3A_73 = arith.constant 0 : i32
      %add3A_74 = arith.addi %mul3A_72, %add3A_73 : i32
      %run_scoped3A = arith.constant 0 : i32
      "tpu.region"() ({
        %run_scoped3A_179 = tpu.sem_alloc : memref<!tpu.dma_semaphore, #tpu.memory_space<semaphore_mem>>
        %dma_start3A_180 = arith.constant 0 : i32
        %dma_start3A_181 = arith.constant 0 : i32
        %dma_start3A_182 = tpu.memref_slice %arg10[%run_scoped3A, %dma_start3A_180, %dma_start3A_181] : memref<2x40x64xi32, #tpu.memory_space<vmem>> -> memref<1x40x64xi32, #tpu.memory_space<vmem>>
        %dma_start3A_183 = tpu.memref_squeeze %dma_start3A_182 : memref<1x40x64xi32, #tpu.memory_space<vmem>> -> memref<40x64xi32, #tpu.memory_space<vmem>>
        %dma_start3A_184 = arith.constant 0 : i32
        %dma_start3A_185 = tpu.memref_slice %arg5[%add3A_74, %dma_start3A_184] : memref<5000x64xi32, #tpu.memory_space<hbm>> -> memref<40x64xi32, #tpu.memory_space<hbm>>
        %dma_start3A_186 = arith.constant 0 : i32
        %dma_start3A_187 = arith.constant 0 : i32
        %dma_start3A_188 = tpu.memref_slice %arg10[%run_scoped3A, %dma_start3A_186, %dma_start3A_187] : memref<2x40x64xi32, #tpu.memory_space<vmem>> -> memref<1x40x64xi32, #tpu.memory_space<vmem>>
        %dma_start3A_189 = tpu.memref_squeeze %dma_start3A_188 : memref<1x40x64xi32, #tpu.memory_space<vmem>> -> memref<40x64xi32, #tpu.memory_space<vmem>>
        %dma_start3A_190 = arith.constant 0 : i32
        %dma_start3A_191 = tpu.memref_slice %arg5[%add3A_74, %dma_start3A_190] : memref<5000x64xi32, #tpu.memory_space<hbm>> -> memref<40x64xi32, #tpu.memory_space<hbm>>
        tpu.enqueue_dma source(%dma_start3A_191 : memref<40x64xi32, #tpu.memory_space<hbm>>) target(%dma_start3A_189 : memref<40x64xi32, #tpu.memory_space<vmem>>) target_semaphore(%run_scoped3A_179 : memref<!tpu.dma_semaphore, #tpu.memory_space<semaphore_mem>>)
        %dma_wait3A_192 = arith.constant 0 : i32
        %dma_wait3A_193 = arith.constant 0 : i32
        %dma_wait3A_194 = tpu.memref_slice %arg10[%run_scoped3A, %dma_wait3A_192, %dma_wait3A_193] : memref<2x40x64xi32, #tpu.memory_space<vmem>> -> memref<1x40x64xi32, #tpu.memory_space<vmem>>
        %dma_wait3A_195 = tpu.memref_squeeze %dma_wait3A_194 : memref<1x40x64xi32, #tpu.memory_space<vmem>> -> memref<40x64xi32, #tpu.memory_space<vmem>>
        %dma_wait3A_196 = arith.constant 0 : i32
        %dma_wait3A_197 = tpu.memref_slice %arg5[%add3A_74, %dma_wait3A_196] : memref<5000x64xi32, #tpu.memory_space<hbm>> -> memref<40x64xi32, #tpu.memory_space<hbm>>
        %dma_wait3A_198 = arith.constant 0 : i32
        %dma_wait3A_199 = arith.constant 0 : i32
        %dma_wait3A_200 = tpu.memref_slice %arg10[%run_scoped3A, %dma_wait3A_198, %dma_wait3A_199] : memref<2x40x64xi32, #tpu.memory_space<vmem>> -> memref<1x40x64xi32, #tpu.memory_space<vmem>>
        %dma_wait3A_201 = tpu.memref_squeeze %dma_wait3A_200 : memref<1x40x64xi32, #tpu.memory_space<vmem>> -> memref<40x64xi32, #tpu.memory_space<vmem>>
        %dma_wait3A_202 = arith.constant 0 : i32
        %dma_wait3A_203 = tpu.memref_slice %arg5[%add3A_74, %dma_wait3A_202] : memref<5000x64xi32, #tpu.memory_space<hbm>> -> memref<40x64xi32, #tpu.memory_space<hbm>>
        tpu.wait_dma2 semaphore(%run_scoped3A_179 : memref<!tpu.dma_semaphore, #tpu.memory_space<semaphore_mem>>) src(%dma_wait3A_203 : memref<40x64xi32, #tpu.memory_space<hbm>>) dst(%dma_wait3A_201 : memref<40x64xi32, #tpu.memory_space<vmem>>)
        tpu.yield
      }) : () -> ()
      %run_scoped3A_75 = arith.constant 0 : i32
      "tpu.region"() ({
        %run_scoped3A_179 = tpu.sem_alloc : memref<!tpu.dma_semaphore, #tpu.memory_space<semaphore_mem>>
        %dma_start3A_180 = arith.constant 0 : i32
        %dma_start3A_181 = arith.constant 0 : i32
        %dma_start3A_182 = tpu.memref_slice %arg9[%run_scoped3A_75, %dma_start3A_180, %dma_start3A_181] : memref<2x40x64xi32, #tpu.memory_space<vmem>> -> memref<1x40x64xi32, #tpu.memory_space<vmem>>
        %dma_start3A_183 = tpu.memref_squeeze %dma_start3A_182 : memref<1x40x64xi32, #tpu.memory_space<vmem>> -> memref<40x64xi32, #tpu.memory_space<vmem>>
        %dma_start3A_184 = arith.constant 0 : i32
        %dma_start3A_185 = tpu.memref_slice %arg4[%add3A_74, %dma_start3A_184] : memref<5000x64xi32, #tpu.memory_space<hbm>> -> memref<40x64xi32, #tpu.memory_space<hbm>>
        %dma_start3A_186 = arith.constant 0 : i32
        %dma_start3A_187 = arith.constant 0 : i32
        %dma_start3A_188 = tpu.memref_slice %arg9[%run_scoped3A_75, %dma_start3A_186, %dma_start3A_187] : memref<2x40x64xi32, #tpu.memory_space<vmem>> -> memref<1x40x64xi32, #tpu.memory_space<vmem>>
        %dma_start3A_189 = tpu.memref_squeeze %dma_start3A_188 : memref<1x40x64xi32, #tpu.memory_space<vmem>> -> memref<40x64xi32, #tpu.memory_space<vmem>>
        %dma_start3A_190 = arith.constant 0 : i32
        %dma_start3A_191 = tpu.memref_slice %arg4[%add3A_74, %dma_start3A_190] : memref<5000x64xi32, #tpu.memory_space<hbm>> -> memref<40x64xi32, #tpu.memory_space<hbm>>
        tpu.enqueue_dma source(%dma_start3A_191 : memref<40x64xi32, #tpu.memory_space<hbm>>) target(%dma_start3A_189 : memref<40x64xi32, #tpu.memory_space<vmem>>) target_semaphore(%run_scoped3A_179 : memref<!tpu.dma_semaphore, #tpu.memory_space<semaphore_mem>>)
        %dma_wait3A_192 = arith.constant 0 : i32
        %dma_wait3A_193 = arith.constant 0 : i32
        %dma_wait3A_194 = tpu.memref_slice %arg9[%run_scoped3A_75, %dma_wait3A_192, %dma_wait3A_193] : memref<2x40x64xi32, #tpu.memory_space<vmem>> -> memref<1x40x64xi32, #tpu.memory_space<vmem>>
        %dma_wait3A_195 = tpu.memref_squeeze %dma_wait3A_194 : memref<1x40x64xi32, #tpu.memory_space<vmem>> -> memref<40x64xi32, #tpu.memory_space<vmem>>
        %dma_wait3A_196 = arith.constant 0 : i32
        %dma_wait3A_197 = tpu.memref_slice %arg4[%add3A_74, %dma_wait3A_196] : memref<5000x64xi32, #tpu.memory_space<hbm>> -> memref<40x64xi32, #tpu.memory_space<hbm>>
        %dma_wait3A_198 = arith.constant 0 : i32
        %dma_wait3A_199 = arith.constant 0 : i32
        %dma_wait3A_200 = tpu.memref_slice %arg9[%run_scoped3A_75, %dma_wait3A_198, %dma_wait3A_199] : memref<2x40x64xi32, #tpu.memory_space<vmem>> -> memref<1x40x64xi32, #tpu.memory_space<vmem>>
        %dma_wait3A_201 = tpu.memref_squeeze %dma_wait3A_200 : memref<1x40x64xi32, #tpu.memory_space<vmem>> -> memref<40x64xi32, #tpu.memory_space<vmem>>
        %dma_wait3A_202 = arith.constant 0 : i32
        %dma_wait3A_203 = tpu.memref_slice %arg4[%add3A_74, %dma_wait3A_202] : memref<5000x64xi32, #tpu.memory_space<hbm>> -> memref<40x64xi32, #tpu.memory_space<hbm>>
        tpu.wait_dma2 semaphore(%run_scoped3A_179 : memref<!tpu.dma_semaphore, #tpu.memory_space<semaphore_mem>>) src(%dma_wait3A_203 : memref<40x64xi32, #tpu.memory_space<hbm>>) dst(%dma_wait3A_201 : memref<40x64xi32, #tpu.memory_space<vmem>>)
        tpu.yield
      }) : () -> ()
      %mul3A_76 = arith.constant 320 : i32
      %mul3A_77 = arith.muli %arg1, %mul3A_76 : i32
      %add3A_78 = arith.constant 40 : i32
      %add3A_79 = arith.addi %mul3A_77, %add3A_78 : i32
      %dma_start3A = arith.constant 1 : i32
      %dma_start3A_80 = arith.constant 0 : i32
      %dma_start3A_81 = arith.constant 0 : i32
      %dma_start3A_82 = tpu.memref_slice %arg10[%dma_start3A, %dma_start3A_80, %dma_start3A_81] : memref<2x40x64xi32, #tpu.memory_space<vmem>> -> memref<1x40x64xi32, #tpu.memory_space<vmem>>
      %dma_start3A_83 = tpu.memref_squeeze %dma_start3A_82 : memref<1x40x64xi32, #tpu.memory_space<vmem>> -> memref<40x64xi32, #tpu.memory_space<vmem>>
      %dma_start3A_84 = arith.constant 0 : i32
      %dma_start3A_85 = tpu.memref_slice %arg5[%add3A_79, %dma_start3A_84] : memref<5000x64xi32, #tpu.memory_space<hbm>> -> memref<40x64xi32, #tpu.memory_space<hbm>>
      %dma_start3A_86 = arith.constant 0 : i32
      %dma_start3A_87 = arith.constant 0 : i32
      %dma_start3A_88 = tpu.memref_slice %arg10[%dma_start3A, %dma_start3A_86, %dma_start3A_87] : memref<2x40x64xi32, #tpu.memory_space<vmem>> -> memref<1x40x64xi32, #tpu.memory_space<vmem>>
      %dma_start3A_89 = tpu.memref_squeeze %dma_start3A_88 : memref<1x40x64xi32, #tpu.memory_space<vmem>> -> memref<40x64xi32, #tpu.memory_space<vmem>>
      %dma_start3A_90 = arith.constant 0 : i32
      %dma_start3A_91 = tpu.memref_slice %arg5[%add3A_79, %dma_start3A_90] : memref<5000x64xi32, #tpu.memory_space<hbm>> -> memref<40x64xi32, #tpu.memory_space<hbm>>
      tpu.enqueue_dma source(%dma_start3A_91 : memref<40x64xi32, #tpu.memory_space<hbm>>) target(%dma_start3A_89 : memref<40x64xi32, #tpu.memory_space<vmem>>) target_semaphore(%arg22 : memref<!tpu.dma_semaphore, #tpu.memory_space<semaphore_mem>>)
      %dma_start3A_92 = arith.constant 1 : i32
      %dma_start3A_93 = arith.constant 0 : i32
      %dma_start3A_94 = arith.constant 0 : i32
      %dma_start3A_95 = tpu.memref_slice %arg9[%dma_start3A_92, %dma_start3A_93, %dma_start3A_94] : memref<2x40x64xi32, #tpu.memory_space<vmem>> -> memref<1x40x64xi32, #tpu.memory_space<vmem>>
      %dma_start3A_96 = tpu.memref_squeeze %dma_start3A_95 : memref<1x40x64xi32, #tpu.memory_space<vmem>> -> memref<40x64xi32, #tpu.memory_space<vmem>>
      %dma_start3A_97 = arith.constant 0 : i32
      %dma_start3A_98 = tpu.memref_slice %arg4[%add3A_79, %dma_start3A_97] : memref<5000x64xi32, #tpu.memory_space<hbm>> -> memref<40x64xi32, #tpu.memory_space<hbm>>
      %dma_start3A_99 = arith.constant 0 : i32
      %dma_start3A_100 = arith.constant 0 : i32
      %dma_start3A_101 = tpu.memref_slice %arg9[%dma_start3A_92, %dma_start3A_99, %dma_start3A_100] : memref<2x40x64xi32, #tpu.memory_space<vmem>> -> memref<1x40x64xi32, #tpu.memory_space<vmem>>
      %dma_start3A_102 = tpu.memref_squeeze %dma_start3A_101 : memref<1x40x64xi32, #tpu.memory_space<vmem>> -> memref<40x64xi32, #tpu.memory_space<vmem>>
      %dma_start3A_103 = arith.constant 0 : i32
      %dma_start3A_104 = tpu.memref_slice %arg4[%add3A_79, %dma_start3A_103] : memref<5000x64xi32, #tpu.memory_space<hbm>> -> memref<40x64xi32, #tpu.memory_space<hbm>>
      tpu.enqueue_dma source(%dma_start3A_104 : memref<40x64xi32, #tpu.memory_space<hbm>>) target(%dma_start3A_102 : memref<40x64xi32, #tpu.memory_space<vmem>>) target_semaphore(%arg22 : memref<!tpu.dma_semaphore, #tpu.memory_space<semaphore_mem>>)
      %mul3A_105 = arith.constant 10 : i32
      %mul3A_106 = arith.muli %select_n3A_33, %mul3A_105 : i32
      %while3A_107 = arith.constant 0 : i32
      %while3A_108 = arith.constant 0 : i32
      %while3A_109 = arith.subi %mul3A_106, %while3A_107 : i32
      %while3A_110 = arith.addi %while3A_107, %while3A_109 : i32
      %while3A_111 = arith.constant 1 : i32
      %while3A_112 = arith.divsi %while3A_109, %while3A_111 : i32
      %while3A_113 = arith.muli %while3A_112, %while3A_111 : i32
      %while3A_114 = arith.addi %while3A_107, %while3A_113 : i32
      %while3A_115 = arith.constant 1 : i32
      %while3A_116 = scf.for %while3A_179 = %while3A_107 to %while3A_114 step %while3A_115 iter_args(%while3A_180 = %while3A_108) -> (i32)  : i32 {
        %jit3A_181 = arith.constant 10 : i32
        %div3A = arith.divsi %while3A_179, %jit3A_181 : i32
        %sign3A = arith.constant 0 : i32
        %sign3A_182 = arith.cmpi sgt, %while3A_179, %sign3A : i32
        %sign3A_183 = arith.extui %sign3A_182 : i1 to i32
        %sign3A_184 = arith.constant 0 : i32
        %sign3A_185 = arith.cmpi slt, %while3A_179, %sign3A_184 : i32
        %sign3A_186 = arith.extui %sign3A_185 : i1 to i32
        %sign3A_187 = arith.subi %sign3A_183, %sign3A_186 : i32
        %sign3A_188 = arith.constant 0 : i32
        %sign3A_189 = arith.cmpi sgt, %jit3A_181, %sign3A_188 : i32
        %sign3A_190 = arith.extui %sign3A_189 : i1 to i32
        %sign3A_191 = arith.constant 0 : i32
        %sign3A_192 = arith.cmpi slt, %jit3A_181, %sign3A_191 : i32
        %sign3A_193 = arith.extui %sign3A_192 : i1 to i32
        %sign3A_194 = arith.subi %sign3A_190, %sign3A_193 : i32
        %ne3A_195 = arith.cmpi ne, %sign3A_187, %sign3A_194 : i32
        %rem3A_196 = arith.remsi %while3A_179, %jit3A_181 : i32
        %ne3A_197 = arith.constant 0 : i32
        %ne3A_198 = arith.cmpi ne, %rem3A_196, %ne3A_197 : i32
        %and3A_199 = arith.andi %ne3A_195, %ne3A_198 : i1
        %sub3A_200 = arith.constant 1 : i32
        %sub3A_201 = arith.subi %div3A, %sub3A_200 : i32
        %select_n3A_202 = arith.select %and3A_199, %sub3A_201, %div3A : i32
        %jit3A_203 = arith.constant 2 : i32
        %eq3A_204 = arith.constant 0 : i32
        %eq3A_205 = arith.cmpi eq, %jit3A_203, %eq3A_204 : i32
        %jit3A_206 = arith.constant 1 : i32
        %select_n3A_207 = arith.select %eq3A_205, %jit3A_206, %jit3A_203 : i32
        %rem3A_208 = arith.remsi %select_n3A_202, %select_n3A_207 : i32
        %ne3A_209 = arith.constant 0 : i32
        %ne3A_210 = arith.cmpi ne, %rem3A_208, %ne3A_209 : i32
        %lt3A_211 = arith.constant 0 : i32
        %lt3A_212 = arith.cmpi slt, %rem3A_208, %lt3A_211 : i32
        %lt3A_213 = arith.constant 0 : i32
        %lt3A_214 = arith.cmpi slt, %select_n3A_207, %lt3A_213 : i32
        %ne3A_215 = arith.xori %lt3A_212, %lt3A_214 : i1
        %and3A_216 = arith.andi %ne3A_215, %ne3A_210 : i1
        %add3A_217 = arith.addi %rem3A_208, %select_n3A_207 : i32
        %select_n3A_218 = arith.select %and3A_216, %add3A_217, %rem3A_208 : i32
        %jit3A_219 = arith.constant 10 : i32
        %eq3A_220 = arith.constant 0 : i32
        %eq3A_221 = arith.cmpi eq, %jit3A_219, %eq3A_220 : i32
        %jit3A_222 = arith.constant 1 : i32
        %select_n3A_223 = arith.select %eq3A_221, %jit3A_222, %jit3A_219 : i32
        %rem3A_224 = arith.remsi %while3A_179, %select_n3A_223 : i32
        %ne3A_225 = arith.constant 0 : i32
        %ne3A_226 = arith.cmpi ne, %rem3A_224, %ne3A_225 : i32
        %lt3A_227 = arith.constant 0 : i32
        %lt3A_228 = arith.cmpi slt, %rem3A_224, %lt3A_227 : i32
        %lt3A_229 = arith.constant 0 : i32
        %lt3A_230 = arith.cmpi slt, %select_n3A_223, %lt3A_229 : i32
        %ne3A_231 = arith.xori %lt3A_228, %lt3A_230 : i1
        %and3A_232 = arith.andi %ne3A_231, %ne3A_226 : i1
        %add3A_233 = arith.addi %rem3A_224, %select_n3A_223 : i32
        %select_n3A_234 = arith.select %and3A_232, %add3A_233, %rem3A_224 : i32
        %mul3A_235 = arith.constant 4 : i32
        %mul3A_236 = arith.muli %select_n3A_234, %mul3A_235 : i32
        %jit3A_237 = arith.constant 10 : i32
        %eq3A_238 = arith.constant 0 : i32
        %eq3A_239 = arith.cmpi eq, %jit3A_237, %eq3A_238 : i32
        %jit3A_240 = arith.constant 1 : i32
        %select_n3A_241 = arith.select %eq3A_239, %jit3A_240, %jit3A_237 : i32
        %rem3A_242 = arith.remsi %while3A_179, %select_n3A_241 : i32
        %ne3A_243 = arith.constant 0 : i32
        %ne3A_244 = arith.cmpi ne, %rem3A_242, %ne3A_243 : i32
        %lt3A_245 = arith.constant 0 : i32
        %lt3A_246 = arith.cmpi slt, %rem3A_242, %lt3A_245 : i32
        %lt3A_247 = arith.constant 0 : i32
        %lt3A_248 = arith.cmpi slt, %select_n3A_241, %lt3A_247 : i32
        %ne3A_249 = arith.xori %lt3A_246, %lt3A_248 : i1
        %and3A_250 = arith.andi %ne3A_249, %ne3A_244 : i1
        %add3A_251 = arith.addi %rem3A_242, %select_n3A_241 : i32
        %select_n3A_252 = arith.select %and3A_250, %add3A_251, %rem3A_242 : i32
        %eq3A_253 = arith.constant 0 : i32
        %eq3A_254 = arith.cmpi eq, %select_n3A_252, %eq3A_253 : i32
        %gt3A = arith.constant 0 : i32
        %gt3A_255 = arith.cmpi sgt, %select_n3A_202, %gt3A : i32
        %and3A_256 = arith.andi %eq3A_254, %gt3A_255 : i1
        %convert_element_type3A_257 = arith.extui %and3A_256 : i1 to i32
        %cond3A_258 = arith.constant 0 : i32
        %cond3A_259 = arith.cmpi ne, %convert_element_type3A_257, %cond3A_258 : i32
        scf.if %cond3A_259 {
          %dma_wait3A_448 = arith.constant 0 : i32
          %dma_wait3A_449 = arith.constant 0 : i32
          %dma_wait3A_450 = tpu.memref_slice %arg9[%select_n3A_218, %dma_wait3A_448, %dma_wait3A_449] : memref<2x40x64xi32, #tpu.memory_space<vmem>> -> memref<1x40x64xi32, #tpu.memory_space<vmem>>
          %dma_wait3A_451 = tpu.memref_squeeze %dma_wait3A_450 : memref<1x40x64xi32, #tpu.memory_space<vmem>> -> memref<40x64xi32, #tpu.memory_space<vmem>>
          %dma_wait3A_452 = arith.constant 0 : i32
          %dma_wait3A_453 = arith.constant 0 : i32
          %dma_wait3A_454 = tpu.memref_slice %arg4[%dma_wait3A_452, %dma_wait3A_453] : memref<5000x64xi32, #tpu.memory_space<hbm>> -> memref<40x64xi32, #tpu.memory_space<hbm>>
          %dma_wait3A_455 = arith.constant 0 : i32
          %dma_wait3A_456 = arith.constant 0 : i32
          %dma_wait3A_457 = tpu.memref_slice %arg9[%select_n3A_218, %dma_wait3A_455, %dma_wait3A_456] : memref<2x40x64xi32, #tpu.memory_space<vmem>> -> memref<1x40x64xi32, #tpu.memory_space<vmem>>
          %dma_wait3A_458 = tpu.memref_squeeze %dma_wait3A_457 : memref<1x40x64xi32, #tpu.memory_space<vmem>> -> memref<40x64xi32, #tpu.memory_space<vmem>>
          %dma_wait3A_459 = arith.constant 0 : i32
          %dma_wait3A_460 = arith.constant 0 : i32
          %dma_wait3A_461 = tpu.memref_slice %arg4[%dma_wait3A_459, %dma_wait3A_460] : memref<5000x64xi32, #tpu.memory_space<hbm>> -> memref<40x64xi32, #tpu.memory_space<hbm>>
          tpu.wait_dma2 semaphore(%arg22 : memref<!tpu.dma_semaphore, #tpu.memory_space<semaphore_mem>>) src(%dma_wait3A_461 : memref<40x64xi32, #tpu.memory_space<hbm>>) dst(%dma_wait3A_458 : memref<40x64xi32, #tpu.memory_space<vmem>>)
          %dma_wait3A_462 = arith.constant 0 : i32
          %dma_wait3A_463 = arith.constant 0 : i32
          %dma_wait3A_464 = tpu.memref_slice %arg10[%select_n3A_218, %dma_wait3A_462, %dma_wait3A_463] : memref<2x40x64xi32, #tpu.memory_space<vmem>> -> memref<1x40x64xi32, #tpu.memory_space<vmem>>
          %dma_wait3A_465 = tpu.memref_squeeze %dma_wait3A_464 : memref<1x40x64xi32, #tpu.memory_space<vmem>> -> memref<40x64xi32, #tpu.memory_space<vmem>>
          %dma_wait3A_466 = arith.constant 0 : i32
          %dma_wait3A_467 = arith.constant 0 : i32
          %dma_wait3A_468 = tpu.memref_slice %arg4[%dma_wait3A_466, %dma_wait3A_467] : memref<5000x64xi32, #tpu.memory_space<hbm>> -> memref<40x64xi32, #tpu.memory_space<hbm>>
          %dma_wait3A_469 = arith.constant 0 : i32
          %dma_wait3A_470 = arith.constant 0 : i32
          %dma_wait3A_471 = tpu.memref_slice %arg10[%select_n3A_218, %dma_wait3A_469, %dma_wait3A_470] : memref<2x40x64xi32, #tpu.memory_space<vmem>> -> memref<1x40x64xi32, #tpu.memory_space<vmem>>
          %dma_wait3A_472 = tpu.memref_squeeze %dma_wait3A_471 : memref<1x40x64xi32, #tpu.memory_space<vmem>> -> memref<40x64xi32, #tpu.memory_space<vmem>>
          %dma_wait3A_473 = arith.constant 0 : i32
          %dma_wait3A_474 = arith.constant 0 : i32
          %dma_wait3A_475 = tpu.memref_slice %arg4[%dma_wait3A_473, %dma_wait3A_474] : memref<5000x64xi32, #tpu.memory_space<hbm>> -> memref<40x64xi32, #tpu.memory_space<hbm>>
          tpu.wait_dma2 semaphore(%arg22 : memref<!tpu.dma_semaphore, #tpu.memory_space<semaphore_mem>>) src(%dma_wait3A_475 : memref<40x64xi32, #tpu.memory_space<hbm>>) dst(%dma_wait3A_472 : memref<40x64xi32, #tpu.memory_space<vmem>>)
        } else {
        }
        %gt3A_260 = arith.constant 0 : i32
        %gt3A_261 = arith.cmpi sgt, %while3A_179, %gt3A_260 : i32
        %convert_element_type3A_262 = arith.extui %gt3A_261 : i1 to i32
        %cond3A_263 = arith.constant 0 : i32
        %cond3A_264 = arith.cmpi ne, %convert_element_type3A_262, %cond3A_263 : i32
        scf.if %cond3A_264 {
          %add3A_448 = arith.constant 0 : i32
          %add3A_449 = arith.addi %mul3A_236, %add3A_448 : i32
          %dma_wait3A_450 = arith.constant 0 : i32
          %dma_wait3A_451 = arith.constant 0 : i32
          %dma_wait3A_452 = tpu.memref_slice %arg9[%select_n3A_218, %add3A_449, %dma_wait3A_451] : memref<2x40x64xi32, #tpu.memory_space<vmem>> -> memref<1x1x64xi32, #tpu.memory_space<vmem>>
          %dma_wait3A_453 = tpu.memref_squeeze %dma_wait3A_452 : memref<1x1x64xi32, #tpu.memory_space<vmem>> -> memref<64xi32, #tpu.memory_space<vmem>>
          %dma_wait3A_454 = arith.constant 0 : i32
          %dma_wait3A_455 = arith.constant 0 : i32
          %dma_wait3A_456 = tpu.memref_slice %arg17[%dma_wait3A_454, %dma_wait3A_455] : memref<10000x128xf32, #tpu.memory_space<vmem_shared>> -> memref<10000x128xf32, #tpu.memory_space<vmem_shared>>
          %dma_wait3A_457 = tpu.memref_slice %arg20[%dma_wait3A_450] : memref<4x!tpu.dma_semaphore, #tpu.memory_space<semaphore_mem>> -> memref<1x!tpu.dma_semaphore, #tpu.memory_space<semaphore_mem>>
          %dma_wait3A_458 = tpu.memref_squeeze %dma_wait3A_457 : memref<1x!tpu.dma_semaphore, #tpu.memory_space<semaphore_mem>> -> memref<!tpu.dma_semaphore, #tpu.memory_space<semaphore_mem>>
          tpu.wait_indirect_dma semaphore(%dma_wait3A_458 : memref<!tpu.dma_semaphore, #tpu.memory_space<semaphore_mem>>) src(%arg11 : memref<64x128xf32, #tpu.memory_space<vmem>>) dst(%dma_wait3A_456 : memref<10000x128xf32, #tpu.memory_space<vmem_shared>>)
        } else {
        }
        %add3A_265 = arith.constant 0 : i32
        %add3A_266 = arith.addi %mul3A_236, %add3A_265 : i32
        %dma_start3A_267 = arith.constant 0 : i32
        %dma_start3A_268 = arith.constant 0 : i32
        %dma_start3A_269 = tpu.memref_slice %arg10[%select_n3A_218, %add3A_266, %dma_start3A_268] : memref<2x40x64xi32, #tpu.memory_space<vmem>> -> memref<1x1x64xi32, #tpu.memory_space<vmem>>
        %dma_start3A_270 = tpu.memref_squeeze %dma_start3A_269 : memref<1x1x64xi32, #tpu.memory_space<vmem>> -> memref<64xi32, #tpu.memory_space<vmem>>
        %dma_start3A_271 = arith.constant 0 : i32
        %dma_start3A_272 = arith.constant 0 : i32
        %dma_start3A_273 = tpu.memref_slice %arg3[%dma_start3A_271, %dma_start3A_272] : memref<10000x128xf32, #tpu.memory_space<hbm>> -> memref<10000x128xf32, #tpu.memory_space<hbm>>
        %dma_start3A_274 = tpu.memref_slice %arg19[%dma_start3A_267] : memref<4x!tpu.dma_semaphore, #tpu.memory_space<semaphore_mem>> -> memref<1x!tpu.dma_semaphore, #tpu.memory_space<semaphore_mem>>
        %dma_start3A_275 = tpu.memref_squeeze %dma_start3A_274 : memref<1x!tpu.dma_semaphore, #tpu.memory_space<semaphore_mem>> -> memref<!tpu.dma_semaphore, #tpu.memory_space<semaphore_mem>>
        tpu.enqueue_indirect_dma source(%dma_start3A_273 : memref<10000x128xf32, #tpu.memory_space<hbm>>) target(%arg11 : memref<64x128xf32, #tpu.memory_space<vmem>>) offsets(%dma_start3A_270 : memref<64xi32, #tpu.memory_space<vmem>>) semaphore(%dma_start3A_275 : memref<!tpu.dma_semaphore, #tpu.memory_space<semaphore_mem>>)
        %gt3A_276 = arith.constant 0 : i32
        %gt3A_277 = arith.cmpi sgt, %while3A_179, %gt3A_276 : i32
        %convert_element_type3A_278 = arith.extui %gt3A_277 : i1 to i32
        %cond3A_279 = arith.constant 0 : i32
        %cond3A_280 = arith.cmpi ne, %convert_element_type3A_278, %cond3A_279 : i32
        scf.if %cond3A_280 {
          %add3A_448 = arith.constant 1 : i32
          %add3A_449 = arith.addi %mul3A_236, %add3A_448 : i32
          %dma_wait3A_450 = arith.constant 1 : i32
          %dma_wait3A_451 = arith.constant 0 : i32
          %dma_wait3A_452 = tpu.memref_slice %arg9[%select_n3A_218, %add3A_449, %dma_wait3A_451] : memref<2x40x64xi32, #tpu.memory_space<vmem>> -> memref<1x1x64xi32, #tpu.memory_space<vmem>>
          %dma_wait3A_453 = tpu.memref_squeeze %dma_wait3A_452 : memref<1x1x64xi32, #tpu.memory_space<vmem>> -> memref<64xi32, #tpu.memory_space<vmem>>
          %dma_wait3A_454 = arith.constant 0 : i32
          %dma_wait3A_455 = arith.constant 0 : i32
          %dma_wait3A_456 = tpu.memref_slice %arg17[%dma_wait3A_454, %dma_wait3A_455] : memref<10000x128xf32, #tpu.memory_space<vmem_shared>> -> memref<10000x128xf32, #tpu.memory_space<vmem_shared>>
          %dma_wait3A_457 = tpu.memref_slice %arg20[%dma_wait3A_450] : memref<4x!tpu.dma_semaphore, #tpu.memory_space<semaphore_mem>> -> memref<1x!tpu.dma_semaphore, #tpu.memory_space<semaphore_mem>>
          %dma_wait3A_458 = tpu.memref_squeeze %dma_wait3A_457 : memref<1x!tpu.dma_semaphore, #tpu.memory_space<semaphore_mem>> -> memref<!tpu.dma_semaphore, #tpu.memory_space<semaphore_mem>>
          tpu.wait_indirect_dma semaphore(%dma_wait3A_458 : memref<!tpu.dma_semaphore, #tpu.memory_space<semaphore_mem>>) src(%arg12 : memref<64x128xf32, #tpu.memory_space<vmem>>) dst(%dma_wait3A_456 : memref<10000x128xf32, #tpu.memory_space<vmem_shared>>)
        } else {
        }
        %add3A_281 = arith.constant 1 : i32
        %add3A_282 = arith.addi %mul3A_236, %add3A_281 : i32
        %dma_start3A_283 = arith.constant 1 : i32
        %dma_start3A_284 = arith.constant 0 : i32
        %dma_start3A_285 = tpu.memref_slice %arg10[%select_n3A_218, %add3A_282, %dma_start3A_284] : memref<2x40x64xi32, #tpu.memory_space<vmem>> -> memref<1x1x64xi32, #tpu.memory_space<vmem>>
        %dma_start3A_286 = tpu.memref_squeeze %dma_start3A_285 : memref<1x1x64xi32, #tpu.memory_space<vmem>> -> memref<64xi32, #tpu.memory_space<vmem>>
        %dma_start3A_287 = arith.constant 0 : i32
        %dma_start3A_288 = arith.constant 0 : i32
        %dma_start3A_289 = tpu.memref_slice %arg3[%dma_start3A_287, %dma_start3A_288] : memref<10000x128xf32, #tpu.memory_space<hbm>> -> memref<10000x128xf32, #tpu.memory_space<hbm>>
        %dma_start3A_290 = tpu.memref_slice %arg19[%dma_start3A_283] : memref<4x!tpu.dma_semaphore, #tpu.memory_space<semaphore_mem>> -> memref<1x!tpu.dma_semaphore, #tpu.memory_space<semaphore_mem>>
        %dma_start3A_291 = tpu.memref_squeeze %dma_start3A_290 : memref<1x!tpu.dma_semaphore, #tpu.memory_space<semaphore_mem>> -> memref<!tpu.dma_semaphore, #tpu.memory_space<semaphore_mem>>
        tpu.enqueue_indirect_dma source(%dma_start3A_289 : memref<10000x128xf32, #tpu.memory_space<hbm>>) target(%arg12 : memref<64x128xf32, #tpu.memory_space<vmem>>) offsets(%dma_start3A_286 : memref<64xi32, #tpu.memory_space<vmem>>) semaphore(%dma_start3A_291 : memref<!tpu.dma_semaphore, #tpu.memory_space<semaphore_mem>>)
        %gt3A_292 = arith.constant 0 : i32
        %gt3A_293 = arith.cmpi sgt, %while3A_179, %gt3A_292 : i32
        %convert_element_type3A_294 = arith.extui %gt3A_293 : i1 to i32
        %cond3A_295 = arith.constant 0 : i32
        %cond3A_296 = arith.cmpi ne, %convert_element_type3A_294, %cond3A_295 : i32
        scf.if %cond3A_296 {
          %add3A_448 = arith.constant 2 : i32
          %add3A_449 = arith.addi %mul3A_236, %add3A_448 : i32
          %dma_wait3A_450 = arith.constant 2 : i32
          %dma_wait3A_451 = arith.constant 0 : i32
          %dma_wait3A_452 = tpu.memref_slice %arg9[%select_n3A_218, %add3A_449, %dma_wait3A_451] : memref<2x40x64xi32, #tpu.memory_space<vmem>> -> memref<1x1x64xi32, #tpu.memory_space<vmem>>
          %dma_wait3A_453 = tpu.memref_squeeze %dma_wait3A_452 : memref<1x1x64xi32, #tpu.memory_space<vmem>> -> memref<64xi32, #tpu.memory_space<vmem>>
          %dma_wait3A_454 = arith.constant 0 : i32
          %dma_wait3A_455 = arith.constant 0 : i32
          %dma_wait3A_456 = tpu.memref_slice %arg17[%dma_wait3A_454, %dma_wait3A_455] : memref<10000x128xf32, #tpu.memory_space<vmem_shared>> -> memref<10000x128xf32, #tpu.memory_space<vmem_shared>>
          %dma_wait3A_457 = tpu.memref_slice %arg20[%dma_wait3A_450] : memref<4x!tpu.dma_semaphore, #tpu.memory_space<semaphore_mem>> -> memref<1x!tpu.dma_semaphore, #tpu.memory_space<semaphore_mem>>
          %dma_wait3A_458 = tpu.memref_squeeze %dma_wait3A_457 : memref<1x!tpu.dma_semaphore, #tpu.memory_space<semaphore_mem>> -> memref<!tpu.dma_semaphore, #tpu.memory_space<semaphore_mem>>
          tpu.wait_indirect_dma semaphore(%dma_wait3A_458 : memref<!tpu.dma_semaphore, #tpu.memory_space<semaphore_mem>>) src(%arg13 : memref<64x128xf32, #tpu.memory_space<vmem>>) dst(%dma_wait3A_456 : memref<10000x128xf32, #tpu.memory_space<vmem_shared>>)
        } else {
        }
        %add3A_297 = arith.constant 2 : i32
        %add3A_298 = arith.addi %mul3A_236, %add3A_297 : i32
        %dma_start3A_299 = arith.constant 2 : i32
        %dma_start3A_300 = arith.constant 0 : i32
        %dma_start3A_301 = tpu.memref_slice %arg10[%select_n3A_218, %add3A_298, %dma_start3A_300] : memref<2x40x64xi32, #tpu.memory_space<vmem>> -> memref<1x1x64xi32, #tpu.memory_space<vmem>>
        %dma_start3A_302 = tpu.memref_squeeze %dma_start3A_301 : memref<1x1x64xi32, #tpu.memory_space<vmem>> -> memref<64xi32, #tpu.memory_space<vmem>>
        %dma_start3A_303 = arith.constant 0 : i32
        %dma_start3A_304 = arith.constant 0 : i32
        %dma_start3A_305 = tpu.memref_slice %arg3[%dma_start3A_303, %dma_start3A_304] : memref<10000x128xf32, #tpu.memory_space<hbm>> -> memref<10000x128xf32, #tpu.memory_space<hbm>>
        %dma_start3A_306 = tpu.memref_slice %arg19[%dma_start3A_299] : memref<4x!tpu.dma_semaphore, #tpu.memory_space<semaphore_mem>> -> memref<1x!tpu.dma_semaphore, #tpu.memory_space<semaphore_mem>>
        %dma_start3A_307 = tpu.memref_squeeze %dma_start3A_306 : memref<1x!tpu.dma_semaphore, #tpu.memory_space<semaphore_mem>> -> memref<!tpu.dma_semaphore, #tpu.memory_space<semaphore_mem>>
        tpu.enqueue_indirect_dma source(%dma_start3A_305 : memref<10000x128xf32, #tpu.memory_space<hbm>>) target(%arg13 : memref<64x128xf32, #tpu.memory_space<vmem>>) offsets(%dma_start3A_302 : memref<64xi32, #tpu.memory_space<vmem>>) semaphore(%dma_start3A_307 : memref<!tpu.dma_semaphore, #tpu.memory_space<semaphore_mem>>)
        %gt3A_308 = arith.constant 0 : i32
        %gt3A_309 = arith.cmpi sgt, %while3A_179, %gt3A_308 : i32
        %convert_element_type3A_310 = arith.extui %gt3A_309 : i1 to i32
        %cond3A_311 = arith.constant 0 : i32
        %cond3A_312 = arith.cmpi ne, %convert_element_type3A_310, %cond3A_311 : i32
        scf.if %cond3A_312 {
          %add3A_448 = arith.constant 3 : i32
          %add3A_449 = arith.addi %mul3A_236, %add3A_448 : i32
          %dma_wait3A_450 = arith.constant 3 : i32
          %dma_wait3A_451 = arith.constant 0 : i32
          %dma_wait3A_452 = tpu.memref_slice %arg9[%select_n3A_218, %add3A_449, %dma_wait3A_451] : memref<2x40x64xi32, #tpu.memory_space<vmem>> -> memref<1x1x64xi32, #tpu.memory_space<vmem>>
          %dma_wait3A_453 = tpu.memref_squeeze %dma_wait3A_452 : memref<1x1x64xi32, #tpu.memory_space<vmem>> -> memref<64xi32, #tpu.memory_space<vmem>>
          %dma_wait3A_454 = arith.constant 0 : i32
          %dma_wait3A_455 = arith.constant 0 : i32
          %dma_wait3A_456 = tpu.memref_slice %arg17[%dma_wait3A_454, %dma_wait3A_455] : memref<10000x128xf32, #tpu.memory_space<vmem_shared>> -> memref<10000x128xf32, #tpu.memory_space<vmem_shared>>
          %dma_wait3A_457 = tpu.memref_slice %arg20[%dma_wait3A_450] : memref<4x!tpu.dma_semaphore, #tpu.memory_space<semaphore_mem>> -> memref<1x!tpu.dma_semaphore, #tpu.memory_space<semaphore_mem>>
          %dma_wait3A_458 = tpu.memref_squeeze %dma_wait3A_457 : memref<1x!tpu.dma_semaphore, #tpu.memory_space<semaphore_mem>> -> memref<!tpu.dma_semaphore, #tpu.memory_space<semaphore_mem>>
          tpu.wait_indirect_dma semaphore(%dma_wait3A_458 : memref<!tpu.dma_semaphore, #tpu.memory_space<semaphore_mem>>) src(%arg14 : memref<64x128xf32, #tpu.memory_space<vmem>>) dst(%dma_wait3A_456 : memref<10000x128xf32, #tpu.memory_space<vmem_shared>>)
        } else {
        }
        %add3A_313 = arith.constant 3 : i32
        %add3A_314 = arith.addi %mul3A_236, %add3A_313 : i32
        %dma_start3A_315 = arith.constant 3 : i32
        %dma_start3A_316 = arith.constant 0 : i32
        %dma_start3A_317 = tpu.memref_slice %arg10[%select_n3A_218, %add3A_314, %dma_start3A_316] : memref<2x40x64xi32, #tpu.memory_space<vmem>> -> memref<1x1x64xi32, #tpu.memory_space<vmem>>
        %dma_start3A_318 = tpu.memref_squeeze %dma_start3A_317 : memref<1x1x64xi32, #tpu.memory_space<vmem>> -> memref<64xi32, #tpu.memory_space<vmem>>
        %dma_start3A_319 = arith.constant 0 : i32
        %dma_start3A_320 = arith.constant 0 : i32
        %dma_start3A_321 = tpu.memref_slice %arg3[%dma_start3A_319, %dma_start3A_320] : memref<10000x128xf32, #tpu.memory_space<hbm>> -> memref<10000x128xf32, #tpu.memory_space<hbm>>
        %dma_start3A_322 = tpu.memref_slice %arg19[%dma_start3A_315] : memref<4x!tpu.dma_semaphore, #tpu.memory_space<semaphore_mem>> -> memref<1x!tpu.dma_semaphore, #tpu.memory_space<semaphore_mem>>
        %dma_start3A_323 = tpu.memref_squeeze %dma_start3A_322 : memref<1x!tpu.dma_semaphore, #tpu.memory_space<semaphore_mem>> -> memref<!tpu.dma_semaphore, #tpu.memory_space<semaphore_mem>>
        tpu.enqueue_indirect_dma source(%dma_start3A_321 : memref<10000x128xf32, #tpu.memory_space<hbm>>) target(%arg14 : memref<64x128xf32, #tpu.memory_space<vmem>>) offsets(%dma_start3A_318 : memref<64xi32, #tpu.memory_space<vmem>>) semaphore(%dma_start3A_323 : memref<!tpu.dma_semaphore, #tpu.memory_space<semaphore_mem>>)
        %convert_element_type3A_324 = arith.extui %and3A_256 : i1 to i32
        %cond3A_325 = arith.constant 0 : i32
        %cond3A_326 = arith.cmpi ne, %convert_element_type3A_324, %cond3A_325 : i32
        scf.if %cond3A_326 {
          %scan3A_448 = arith.constant 0 : i32
          %scan3A_449 = arith.constant 0 : i32
          %scan3A_450 = arith.constant 40 : i32
          %scan3A_451 = arith.addi %scan3A_449, %scan3A_450 : i32
          %scan3A_452 = arith.constant 1 : i32
          %scan3A_453 = scf.for %scan3A_461 = %scan3A_449 to %scan3A_451 step %scan3A_452 iter_args(%scan3A_462 = %scan3A_448) -> (i32)  : i32 {
            %dma_wait3A_463 = arith.constant 0 : i32
            %dma_wait3A_464 = arith.constant 0 : i32
            %dma_wait3A_465 = tpu.memref_slice %arg18[%dma_wait3A_463, %dma_wait3A_464] : memref<10000x8xf32, #tpu.memory_space<vmem_shared>> -> memref<64x8xf32, #tpu.memory_space<vmem_shared>>
            %dma_wait3A_466 = arith.constant 0 : i32
            %dma_wait3A_467 = arith.constant 0 : i32
            %dma_wait3A_468 = tpu.memref_slice %arg18[%dma_wait3A_466, %dma_wait3A_467] : memref<10000x8xf32, #tpu.memory_space<vmem_shared>> -> memref<64x8xf32, #tpu.memory_space<vmem_shared>>
            tpu.wait_dma2 semaphore(%arg21 : memref<!tpu.dma_semaphore, #tpu.memory_space<semaphore_mem>>) src(%arg16 : memref<64x8xf32, #tpu.memory_space<vmem>>) dst(%dma_wait3A_468 : memref<64x8xf32, #tpu.memory_space<vmem_shared>>)
            %scan3A_469 = arith.constant 0 : i32
            scf.yield %scan3A_469 : i32
          }
          %scan3A_454 = arith.constant 40 : i32
          %add3A_455 = arith.constant 1 : i32
          %add3A_456 = arith.addi %select_n3A_202, %add3A_455 : i32
          %lt3A_457 = arith.cmpi slt, %add3A_456, %select_n3A_33 : i32
          %convert_element_type3A_458 = arith.extui %lt3A_457 : i1 to i32
          %cond3A_459 = arith.constant 0 : i32
          %cond3A_460 = arith.cmpi ne, %convert_element_type3A_458, %cond3A_459 : i32
          scf.if %cond3A_460 {
            %add3A_461 = arith.constant 1 : i32
            %add3A_462 = arith.addi %select_n3A_202, %add3A_461 : i32
            %sub3A_463 = arith.constant 1 : i32
            %sub3A_464 = arith.subi %sub3A_463, %select_n3A_218 : i32
            %mul3A_465 = arith.constant 320 : i32
            %mul3A_466 = arith.muli %arg1, %mul3A_465 : i32
            %mul3A_467 = arith.constant 40 : i32
            %mul3A_468 = arith.muli %add3A_462, %mul3A_467 : i32
            %add3A_469 = arith.addi %mul3A_466, %mul3A_468 : i32
            %dma_start3A_470 = arith.constant 0 : i32
            %dma_start3A_471 = arith.constant 0 : i32
            %dma_start3A_472 = tpu.memref_slice %arg10[%sub3A_464, %dma_start3A_470, %dma_start3A_471] : memref<2x40x64xi32, #tpu.memory_space<vmem>> -> memref<1x40x64xi32, #tpu.memory_space<vmem>>
            %dma_start3A_473 = tpu.memref_squeeze %dma_start3A_472 : memref<1x40x64xi32, #tpu.memory_space<vmem>> -> memref<40x64xi32, #tpu.memory_space<vmem>>
            %dma_start3A_474 = arith.constant 0 : i32
            %dma_start3A_475 = tpu.memref_slice %arg5[%add3A_469, %dma_start3A_474] : memref<5000x64xi32, #tpu.memory_space<hbm>> -> memref<40x64xi32, #tpu.memory_space<hbm>>
            %dma_start3A_476 = arith.constant 0 : i32
            %dma_start3A_477 = arith.constant 0 : i32
            %dma_start3A_478 = tpu.memref_slice %arg10[%sub3A_464, %dma_start3A_476, %dma_start3A_477] : memref<2x40x64xi32, #tpu.memory_space<vmem>> -> memref<1x40x64xi32, #tpu.memory_space<vmem>>
            %dma_start3A_479 = tpu.memref_squeeze %dma_start3A_478 : memref<1x40x64xi32, #tpu.memory_space<vmem>> -> memref<40x64xi32, #tpu.memory_space<vmem>>
            %dma_start3A_480 = arith.constant 0 : i32
            %dma_start3A_481 = tpu.memref_slice %arg5[%add3A_469, %dma_start3A_480] : memref<5000x64xi32, #tpu.memory_space<hbm>> -> memref<40x64xi32, #tpu.memory_space<hbm>>
            tpu.enqueue_dma source(%dma_start3A_481 : memref<40x64xi32, #tpu.memory_space<hbm>>) target(%dma_start3A_479 : memref<40x64xi32, #tpu.memory_space<vmem>>) target_semaphore(%arg22 : memref<!tpu.dma_semaphore, #tpu.memory_space<semaphore_mem>>)
            %dma_start3A_482 = arith.constant 0 : i32
            %dma_start3A_483 = arith.constant 0 : i32
            %dma_start3A_484 = tpu.memref_slice %arg9[%sub3A_464, %dma_start3A_482, %dma_start3A_483] : memref<2x40x64xi32, #tpu.memory_space<vmem>> -> memref<1x40x64xi32, #tpu.memory_space<vmem>>
            %dma_start3A_485 = tpu.memref_squeeze %dma_start3A_484 : memref<1x40x64xi32, #tpu.memory_space<vmem>> -> memref<40x64xi32, #tpu.memory_space<vmem>>
            %dma_start3A_486 = arith.constant 0 : i32
            %dma_start3A_487 = tpu.memref_slice %arg4[%add3A_469, %dma_start3A_486] : memref<5000x64xi32, #tpu.memory_space<hbm>> -> memref<40x64xi32, #tpu.memory_space<hbm>>
            %dma_start3A_488 = arith.constant 0 : i32
            %dma_start3A_489 = arith.constant 0 : i32
            %dma_start3A_490 = tpu.memref_slice %arg9[%sub3A_464, %dma_start3A_488, %dma_start3A_489] : memref<2x40x64xi32, #tpu.memory_space<vmem>> -> memref<1x40x64xi32, #tpu.memory_space<vmem>>
            %dma_start3A_491 = tpu.memref_squeeze %dma_start3A_490 : memref<1x40x64xi32, #tpu.memory_space<vmem>> -> memref<40x64xi32, #tpu.memory_space<vmem>>
            %dma_start3A_492 = arith.constant 0 : i32
            %dma_start3A_493 = tpu.memref_slice %arg4[%add3A_469, %dma_start3A_492] : memref<5000x64xi32, #tpu.memory_space<hbm>> -> memref<40x64xi32, #tpu.memory_space<hbm>>
            tpu.enqueue_dma source(%dma_start3A_493 : memref<40x64xi32, #tpu.memory_space<hbm>>) target(%dma_start3A_491 : memref<40x64xi32, #tpu.memory_space<vmem>>) target_semaphore(%arg22 : memref<!tpu.dma_semaphore, #tpu.memory_space<semaphore_mem>>)
          } else {
          }
        } else {
        }
        %add3A_327 = arith.constant 0 : i32
        %add3A_328 = arith.addi %mul3A_236, %add3A_327 : i32
        %dma_wait3A_329 = arith.constant 0 : i32
        %dma_wait3A_330 = arith.constant 0 : i32
        %dma_wait3A_331 = tpu.memref_slice %arg10[%select_n3A_218, %add3A_328, %dma_wait3A_330] : memref<2x40x64xi32, #tpu.memory_space<vmem>> -> memref<1x1x64xi32, #tpu.memory_space<vmem>>
        %dma_wait3A_332 = tpu.memref_squeeze %dma_wait3A_331 : memref<1x1x64xi32, #tpu.memory_space<vmem>> -> memref<64xi32, #tpu.memory_space<vmem>>
        %dma_wait3A_333 = arith.constant 0 : i32
        %dma_wait3A_334 = arith.constant 0 : i32
        %dma_wait3A_335 = tpu.memref_slice %arg3[%dma_wait3A_333, %dma_wait3A_334] : memref<10000x128xf32, #tpu.memory_space<hbm>> -> memref<10000x128xf32, #tpu.memory_space<hbm>>
        %dma_wait3A_336 = tpu.memref_slice %arg19[%dma_wait3A_329] : memref<4x!tpu.dma_semaphore, #tpu.memory_space<semaphore_mem>> -> memref<1x!tpu.dma_semaphore, #tpu.memory_space<semaphore_mem>>
        %dma_wait3A_337 = tpu.memref_squeeze %dma_wait3A_336 : memref<1x!tpu.dma_semaphore, #tpu.memory_space<semaphore_mem>> -> memref<!tpu.dma_semaphore, #tpu.memory_space<semaphore_mem>>
        tpu.wait_indirect_dma semaphore(%dma_wait3A_337 : memref<!tpu.dma_semaphore, #tpu.memory_space<semaphore_mem>>) src(%dma_wait3A_335 : memref<10000x128xf32, #tpu.memory_space<hbm>>) dst(%arg11 : memref<64x128xf32, #tpu.memory_space<vmem>>)
        %add3A_338 = arith.constant 0 : i32
        %add3A_339 = arith.addi %mul3A_236, %add3A_338 : i32
        %dma_start3A_340 = arith.constant 0 : i32
        %dma_start3A_341 = arith.constant 0 : i32
        %dma_start3A_342 = tpu.memref_slice %arg9[%select_n3A_218, %add3A_339, %dma_start3A_341] : memref<2x40x64xi32, #tpu.memory_space<vmem>> -> memref<1x1x64xi32, #tpu.memory_space<vmem>>
        %dma_start3A_343 = tpu.memref_squeeze %dma_start3A_342 : memref<1x1x64xi32, #tpu.memory_space<vmem>> -> memref<64xi32, #tpu.memory_space<vmem>>
        %dma_start3A_344 = arith.constant 0 : i32
        %dma_start3A_345 = arith.constant 0 : i32
        %dma_start3A_346 = tpu.memref_slice %arg17[%dma_start3A_344, %dma_start3A_345] : memref<10000x128xf32, #tpu.memory_space<vmem_shared>> -> memref<10000x128xf32, #tpu.memory_space<vmem_shared>>
        %dma_start3A_347 = tpu.memref_slice %arg20[%dma_start3A_340] : memref<4x!tpu.dma_semaphore, #tpu.memory_space<semaphore_mem>> -> memref<1x!tpu.dma_semaphore, #tpu.memory_space<semaphore_mem>>
        %dma_start3A_348 = tpu.memref_squeeze %dma_start3A_347 : memref<1x!tpu.dma_semaphore, #tpu.memory_space<semaphore_mem>> -> memref<!tpu.dma_semaphore, #tpu.memory_space<semaphore_mem>>
        tpu.enqueue_indirect_dma source(%arg11 : memref<64x128xf32, #tpu.memory_space<vmem>>) target(%dma_start3A_346 : memref<10000x128xf32, #tpu.memory_space<vmem_shared>>) offsets(%dma_start3A_343 : memref<64xi32, #tpu.memory_space<vmem>>) semaphore(%dma_start3A_348 : memref<!tpu.dma_semaphore, #tpu.memory_space<semaphore_mem>>) {add = true}
        %add3A_349 = arith.constant 0 : i32
        %add3A_350 = arith.addi %mul3A_236, %add3A_349 : i32
        %dma_start3A_351 = arith.constant 0 : i32
        %dma_start3A_352 = tpu.memref_slice %arg9[%select_n3A_218, %add3A_350, %dma_start3A_351] : memref<2x40x64xi32, #tpu.memory_space<vmem>> -> memref<1x1x64xi32, #tpu.memory_space<vmem>>
        %dma_start3A_353 = tpu.memref_squeeze %dma_start3A_352 : memref<1x1x64xi32, #tpu.memory_space<vmem>> -> memref<64xi32, #tpu.memory_space<vmem>>
        %dma_start3A_354 = arith.constant 0 : i32
        %dma_start3A_355 = arith.constant 0 : i32
        %dma_start3A_356 = tpu.memref_slice %arg18[%dma_start3A_354, %dma_start3A_355] : memref<10000x8xf32, #tpu.memory_space<vmem_shared>> -> memref<10000x8xf32, #tpu.memory_space<vmem_shared>>
        tpu.enqueue_indirect_dma source(%arg16 : memref<64x8xf32, #tpu.memory_space<vmem>>) target(%dma_start3A_356 : memref<10000x8xf32, #tpu.memory_space<vmem_shared>>) offsets(%dma_start3A_353 : memref<64xi32, #tpu.memory_space<vmem>>) semaphore(%arg21 : memref<!tpu.dma_semaphore, #tpu.memory_space<semaphore_mem>>) {add = true}
        %add3A_357 = arith.constant 1 : i32
        %add3A_358 = arith.addi %mul3A_236, %add3A_357 : i32
        %dma_wait3A_359 = arith.constant 1 : i32
        %dma_wait3A_360 = arith.constant 0 : i32
        %dma_wait3A_361 = tpu.memref_slice %arg10[%select_n3A_218, %add3A_358, %dma_wait3A_360] : memref<2x40x64xi32, #tpu.memory_space<vmem>> -> memref<1x1x64xi32, #tpu.memory_space<vmem>>
        %dma_wait3A_362 = tpu.memref_squeeze %dma_wait3A_361 : memref<1x1x64xi32, #tpu.memory_space<vmem>> -> memref<64xi32, #tpu.memory_space<vmem>>
        %dma_wait3A_363 = arith.constant 0 : i32
        %dma_wait3A_364 = arith.constant 0 : i32
        %dma_wait3A_365 = tpu.memref_slice %arg3[%dma_wait3A_363, %dma_wait3A_364] : memref<10000x128xf32, #tpu.memory_space<hbm>> -> memref<10000x128xf32, #tpu.memory_space<hbm>>
        %dma_wait3A_366 = tpu.memref_slice %arg19[%dma_wait3A_359] : memref<4x!tpu.dma_semaphore, #tpu.memory_space<semaphore_mem>> -> memref<1x!tpu.dma_semaphore, #tpu.memory_space<semaphore_mem>>
        %dma_wait3A_367 = tpu.memref_squeeze %dma_wait3A_366 : memref<1x!tpu.dma_semaphore, #tpu.memory_space<semaphore_mem>> -> memref<!tpu.dma_semaphore, #tpu.memory_space<semaphore_mem>>
        tpu.wait_indirect_dma semaphore(%dma_wait3A_367 : memref<!tpu.dma_semaphore, #tpu.memory_space<semaphore_mem>>) src(%dma_wait3A_365 : memref<10000x128xf32, #tpu.memory_space<hbm>>) dst(%arg12 : memref<64x128xf32, #tpu.memory_space<vmem>>)
        %add3A_368 = arith.constant 1 : i32
        %add3A_369 = arith.addi %mul3A_236, %add3A_368 : i32
        %dma_start3A_370 = arith.constant 1 : i32
        %dma_start3A_371 = arith.constant 0 : i32
        %dma_start3A_372 = tpu.memref_slice %arg9[%select_n3A_218, %add3A_369, %dma_start3A_371] : memref<2x40x64xi32, #tpu.memory_space<vmem>> -> memref<1x1x64xi32, #tpu.memory_space<vmem>>
        %dma_start3A_373 = tpu.memref_squeeze %dma_start3A_372 : memref<1x1x64xi32, #tpu.memory_space<vmem>> -> memref<64xi32, #tpu.memory_space<vmem>>
        %dma_start3A_374 = arith.constant 0 : i32
        %dma_start3A_375 = arith.constant 0 : i32
        %dma_start3A_376 = tpu.memref_slice %arg17[%dma_start3A_374, %dma_start3A_375] : memref<10000x128xf32, #tpu.memory_space<vmem_shared>> -> memref<10000x128xf32, #tpu.memory_space<vmem_shared>>
        %dma_start3A_377 = tpu.memref_slice %arg20[%dma_start3A_370] : memref<4x!tpu.dma_semaphore, #tpu.memory_space<semaphore_mem>> -> memref<1x!tpu.dma_semaphore, #tpu.memory_space<semaphore_mem>>
        %dma_start3A_378 = tpu.memref_squeeze %dma_start3A_377 : memref<1x!tpu.dma_semaphore, #tpu.memory_space<semaphore_mem>> -> memref<!tpu.dma_semaphore, #tpu.memory_space<semaphore_mem>>
        tpu.enqueue_indirect_dma source(%arg12 : memref<64x128xf32, #tpu.memory_space<vmem>>) target(%dma_start3A_376 : memref<10000x128xf32, #tpu.memory_space<vmem_shared>>) offsets(%dma_start3A_373 : memref<64xi32, #tpu.memory_space<vmem>>) semaphore(%dma_start3A_378 : memref<!tpu.dma_semaphore, #tpu.memory_space<semaphore_mem>>) {add = true}
        %add3A_379 = arith.constant 1 : i32
        %add3A_380 = arith.addi %mul3A_236, %add3A_379 : i32
        %dma_start3A_381 = arith.constant 0 : i32
        %dma_start3A_382 = tpu.memref_slice %arg9[%select_n3A_218, %add3A_380, %dma_start3A_381] : memref<2x40x64xi32, #tpu.memory_space<vmem>> -> memref<1x1x64xi32, #tpu.memory_space<vmem>>
        %dma_start3A_383 = tpu.memref_squeeze %dma_start3A_382 : memref<1x1x64xi32, #tpu.memory_space<vmem>> -> memref<64xi32, #tpu.memory_space<vmem>>
        %dma_start3A_384 = arith.constant 0 : i32
        %dma_start3A_385 = arith.constant 0 : i32
        %dma_start3A_386 = tpu.memref_slice %arg18[%dma_start3A_384, %dma_start3A_385] : memref<10000x8xf32, #tpu.memory_space<vmem_shared>> -> memref<10000x8xf32, #tpu.memory_space<vmem_shared>>
        tpu.enqueue_indirect_dma source(%arg16 : memref<64x8xf32, #tpu.memory_space<vmem>>) target(%dma_start3A_386 : memref<10000x8xf32, #tpu.memory_space<vmem_shared>>) offsets(%dma_start3A_383 : memref<64xi32, #tpu.memory_space<vmem>>) semaphore(%arg21 : memref<!tpu.dma_semaphore, #tpu.memory_space<semaphore_mem>>) {add = true}
        %add3A_387 = arith.constant 2 : i32
        %add3A_388 = arith.addi %mul3A_236, %add3A_387 : i32
        %dma_wait3A_389 = arith.constant 2 : i32
        %dma_wait3A_390 = arith.constant 0 : i32
        %dma_wait3A_391 = tpu.memref_slice %arg10[%select_n3A_218, %add3A_388, %dma_wait3A_390] : memref<2x40x64xi32, #tpu.memory_space<vmem>> -> memref<1x1x64xi32, #tpu.memory_space<vmem>>
        %dma_wait3A_392 = tpu.memref_squeeze %dma_wait3A_391 : memref<1x1x64xi32, #tpu.memory_space<vmem>> -> memref<64xi32, #tpu.memory_space<vmem>>
        %dma_wait3A_393 = arith.constant 0 : i32
        %dma_wait3A_394 = arith.constant 0 : i32
        %dma_wait3A_395 = tpu.memref_slice %arg3[%dma_wait3A_393, %dma_wait3A_394] : memref<10000x128xf32, #tpu.memory_space<hbm>> -> memref<10000x128xf32, #tpu.memory_space<hbm>>
        %dma_wait3A_396 = tpu.memref_slice %arg19[%dma_wait3A_389] : memref<4x!tpu.dma_semaphore, #tpu.memory_space<semaphore_mem>> -> memref<1x!tpu.dma_semaphore, #tpu.memory_space<semaphore_mem>>
        %dma_wait3A_397 = tpu.memref_squeeze %dma_wait3A_396 : memref<1x!tpu.dma_semaphore, #tpu.memory_space<semaphore_mem>> -> memref<!tpu.dma_semaphore, #tpu.memory_space<semaphore_mem>>
        tpu.wait_indirect_dma semaphore(%dma_wait3A_397 : memref<!tpu.dma_semaphore, #tpu.memory_space<semaphore_mem>>) src(%dma_wait3A_395 : memref<10000x128xf32, #tpu.memory_space<hbm>>) dst(%arg13 : memref<64x128xf32, #tpu.memory_space<vmem>>)
        %add3A_398 = arith.constant 2 : i32
        %add3A_399 = arith.addi %mul3A_236, %add3A_398 : i32
        %dma_start3A_400 = arith.constant 2 : i32
        %dma_start3A_401 = arith.constant 0 : i32
        %dma_start3A_402 = tpu.memref_slice %arg9[%select_n3A_218, %add3A_399, %dma_start3A_401] : memref<2x40x64xi32, #tpu.memory_space<vmem>> -> memref<1x1x64xi32, #tpu.memory_space<vmem>>
        %dma_start3A_403 = tpu.memref_squeeze %dma_start3A_402 : memref<1x1x64xi32, #tpu.memory_space<vmem>> -> memref<64xi32, #tpu.memory_space<vmem>>
        %dma_start3A_404 = arith.constant 0 : i32
        %dma_start3A_405 = arith.constant 0 : i32
        %dma_start3A_406 = tpu.memref_slice %arg17[%dma_start3A_404, %dma_start3A_405] : memref<10000x128xf32, #tpu.memory_space<vmem_shared>> -> memref<10000x128xf32, #tpu.memory_space<vmem_shared>>
        %dma_start3A_407 = tpu.memref_slice %arg20[%dma_start3A_400] : memref<4x!tpu.dma_semaphore, #tpu.memory_space<semaphore_mem>> -> memref<1x!tpu.dma_semaphore, #tpu.memory_space<semaphore_mem>>
        %dma_start3A_408 = tpu.memref_squeeze %dma_start3A_407 : memref<1x!tpu.dma_semaphore, #tpu.memory_space<semaphore_mem>> -> memref<!tpu.dma_semaphore, #tpu.memory_space<semaphore_mem>>
        tpu.enqueue_indirect_dma source(%arg13 : memref<64x128xf32, #tpu.memory_space<vmem>>) target(%dma_start3A_406 : memref<10000x128xf32, #tpu.memory_space<vmem_shared>>) offsets(%dma_start3A_403 : memref<64xi32, #tpu.memory_space<vmem>>) semaphore(%dma_start3A_408 : memref<!tpu.dma_semaphore, #tpu.memory_space<semaphore_mem>>) {add = true}
        %add3A_409 = arith.constant 2 : i32
        %add3A_410 = arith.addi %mul3A_236, %add3A_409 : i32
        %dma_start3A_411 = arith.constant 0 : i32
        %dma_start3A_412 = tpu.memref_slice %arg9[%select_n3A_218, %add3A_410, %dma_start3A_411] : memref<2x40x64xi32, #tpu.memory_space<vmem>> -> memref<1x1x64xi32, #tpu.memory_space<vmem>>
        %dma_start3A_413 = tpu.memref_squeeze %dma_start3A_412 : memref<1x1x64xi32, #tpu.memory_space<vmem>> -> memref<64xi32, #tpu.memory_space<vmem>>
        %dma_start3A_414 = arith.constant 0 : i32
        %dma_start3A_415 = arith.constant 0 : i32
        %dma_start3A_416 = tpu.memref_slice %arg18[%dma_start3A_414, %dma_start3A_415] : memref<10000x8xf32, #tpu.memory_space<vmem_shared>> -> memref<10000x8xf32, #tpu.memory_space<vmem_shared>>
        tpu.enqueue_indirect_dma source(%arg16 : memref<64x8xf32, #tpu.memory_space<vmem>>) target(%dma_start3A_416 : memref<10000x8xf32, #tpu.memory_space<vmem_shared>>) offsets(%dma_start3A_413 : memref<64xi32, #tpu.memory_space<vmem>>) semaphore(%arg21 : memref<!tpu.dma_semaphore, #tpu.memory_space<semaphore_mem>>) {add = true}
        %add3A_417 = arith.constant 3 : i32
        %add3A_418 = arith.addi %mul3A_236, %add3A_417 : i32
        %dma_wait3A_419 = arith.constant 3 : i32
        %dma_wait3A_420 = arith.constant 0 : i32
        %dma_wait3A_421 = tpu.memref_slice %arg10[%select_n3A_218, %add3A_418, %dma_wait3A_420] : memref<2x40x64xi32, #tpu.memory_space<vmem>> -> memref<1x1x64xi32, #tpu.memory_space<vmem>>
        %dma_wait3A_422 = tpu.memref_squeeze %dma_wait3A_421 : memref<1x1x64xi32, #tpu.memory_space<vmem>> -> memref<64xi32, #tpu.memory_space<vmem>>
        %dma_wait3A_423 = arith.constant 0 : i32
        %dma_wait3A_424 = arith.constant 0 : i32
        %dma_wait3A_425 = tpu.memref_slice %arg3[%dma_wait3A_423, %dma_wait3A_424] : memref<10000x128xf32, #tpu.memory_space<hbm>> -> memref<10000x128xf32, #tpu.memory_space<hbm>>
        %dma_wait3A_426 = tpu.memref_slice %arg19[%dma_wait3A_419] : memref<4x!tpu.dma_semaphore, #tpu.memory_space<semaphore_mem>> -> memref<1x!tpu.dma_semaphore, #tpu.memory_space<semaphore_mem>>
        %dma_wait3A_427 = tpu.memref_squeeze %dma_wait3A_426 : memref<1x!tpu.dma_semaphore, #tpu.memory_space<semaphore_mem>> -> memref<!tpu.dma_semaphore, #tpu.memory_space<semaphore_mem>>
        tpu.wait_indirect_dma semaphore(%dma_wait3A_427 : memref<!tpu.dma_semaphore, #tpu.memory_space<semaphore_mem>>) src(%dma_wait3A_425 : memref<10000x128xf32, #tpu.memory_space<hbm>>) dst(%arg14 : memref<64x128xf32, #tpu.memory_space<vmem>>)
        %add3A_428 = arith.constant 3 : i32
        %add3A_429 = arith.addi %mul3A_236, %add3A_428 : i32
        %dma_start3A_430 = arith.constant 3 : i32
        %dma_start3A_431 = arith.constant 0 : i32
        %dma_start3A_432 = tpu.memref_slice %arg9[%select_n3A_218, %add3A_429, %dma_start3A_431] : memref<2x40x64xi32, #tpu.memory_space<vmem>> -> memref<1x1x64xi32, #tpu.memory_space<vmem>>
        %dma_start3A_433 = tpu.memref_squeeze %dma_start3A_432 : memref<1x1x64xi32, #tpu.memory_space<vmem>> -> memref<64xi32, #tpu.memory_space<vmem>>
        %dma_start3A_434 = arith.constant 0 : i32
        %dma_start3A_435 = arith.constant 0 : i32
        %dma_start3A_436 = tpu.memref_slice %arg17[%dma_start3A_434, %dma_start3A_435] : memref<10000x128xf32, #tpu.memory_space<vmem_shared>> -> memref<10000x128xf32, #tpu.memory_space<vmem_shared>>
        %dma_start3A_437 = tpu.memref_slice %arg20[%dma_start3A_430] : memref<4x!tpu.dma_semaphore, #tpu.memory_space<semaphore_mem>> -> memref<1x!tpu.dma_semaphore, #tpu.memory_space<semaphore_mem>>
        %dma_start3A_438 = tpu.memref_squeeze %dma_start3A_437 : memref<1x!tpu.dma_semaphore, #tpu.memory_space<semaphore_mem>> -> memref<!tpu.dma_semaphore, #tpu.memory_space<semaphore_mem>>
        tpu.enqueue_indirect_dma source(%arg14 : memref<64x128xf32, #tpu.memory_space<vmem>>) target(%dma_start3A_436 : memref<10000x128xf32, #tpu.memory_space<vmem_shared>>) offsets(%dma_start3A_433 : memref<64xi32, #tpu.memory_space<vmem>>) semaphore(%dma_start3A_438 : memref<!tpu.dma_semaphore, #tpu.memory_space<semaphore_mem>>) {add = true}
        %add3A_439 = arith.constant 3 : i32
        %add3A_440 = arith.addi %mul3A_236, %add3A_439 : i32
        %dma_start3A_441 = arith.constant 0 : i32
        %dma_start3A_442 = tpu.memref_slice %arg9[%select_n3A_218, %add3A_440, %dma_start3A_441] : memref<2x40x64xi32, #tpu.memory_space<vmem>> -> memref<1x1x64xi32, #tpu.memory_space<vmem>>
        %dma_start3A_443 = tpu.memref_squeeze %dma_start3A_442 : memref<1x1x64xi32, #tpu.memory_space<vmem>> -> memref<64xi32, #tpu.memory_space<vmem>>
        %dma_start3A_444 = arith.constant 0 : i32
        %dma_start3A_445 = arith.constant 0 : i32
        %dma_start3A_446 = tpu.memref_slice %arg18[%dma_start3A_444, %dma_start3A_445] : memref<10000x8xf32, #tpu.memory_space<vmem_shared>> -> memref<10000x8xf32, #tpu.memory_space<vmem_shared>>
        tpu.enqueue_indirect_dma source(%arg16 : memref<64x8xf32, #tpu.memory_space<vmem>>) target(%dma_start3A_446 : memref<10000x8xf32, #tpu.memory_space<vmem_shared>>) offsets(%dma_start3A_443 : memref<64xi32, #tpu.memory_space<vmem>>) semaphore(%arg21 : memref<!tpu.dma_semaphore, #tpu.memory_space<semaphore_mem>>) {add = true}
        %while3A_447 = arith.constant 0 : i32
        scf.yield %while3A_447 : i32
      }
      %while3A_117 = arith.constant 1 : i32
      %while3A_118 = scf.for %while3A_179 = %while3A_114 to %while3A_110 step %while3A_117 iter_args(%while3A_180 = %while3A_116) -> (i32)  : i32 {
        %jit3A_181 = arith.constant 10 : i32
        %div3A = arith.divsi %while3A_179, %jit3A_181 : i32
        %sign3A = arith.constant 0 : i32
        %sign3A_182 = arith.cmpi sgt, %while3A_179, %sign3A : i32
        %sign3A_183 = arith.extui %sign3A_182 : i1 to i32
        %sign3A_184 = arith.constant 0 : i32
        %sign3A_185 = arith.cmpi slt, %while3A_179, %sign3A_184 : i32
        %sign3A_186 = arith.extui %sign3A_185 : i1 to i32
        %sign3A_187 = arith.subi %sign3A_183, %sign3A_186 : i32
        %sign3A_188 = arith.constant 0 : i32
        %sign3A_189 = arith.cmpi sgt, %jit3A_181, %sign3A_188 : i32
        %sign3A_190 = arith.extui %sign3A_189 : i1 to i32
        %sign3A_191 = arith.constant 0 : i32
        %sign3A_192 = arith.cmpi slt, %jit3A_181, %sign3A_191 : i32
        %sign3A_193 = arith.extui %sign3A_192 : i1 to i32
        %sign3A_194 = arith.subi %sign3A_190, %sign3A_193 : i32
        %ne3A_195 = arith.cmpi ne, %sign3A_187, %sign3A_194 : i32
        %rem3A_196 = arith.remsi %while3A_179, %jit3A_181 : i32
        %ne3A_197 = arith.constant 0 : i32
        %ne3A_198 = arith.cmpi ne, %rem3A_196, %ne3A_197 : i32
        %and3A_199 = arith.andi %ne3A_195, %ne3A_198 : i1
        %sub3A_200 = arith.constant 1 : i32
        %sub3A_201 = arith.subi %div3A, %sub3A_200 : i32
        %select_n3A_202 = arith.select %and3A_199, %sub3A_201, %div3A : i32
        %jit3A_203 = arith.constant 2 : i32
        %eq3A_204 = arith.constant 0 : i32
        %eq3A_205 = arith.cmpi eq, %jit3A_203, %eq3A_204 : i32
        %jit3A_206 = arith.constant 1 : i32
        %select_n3A_207 = arith.select %eq3A_205, %jit3A_206, %jit3A_203 : i32
        %rem3A_208 = arith.remsi %select_n3A_202, %select_n3A_207 : i32
        %ne3A_209 = arith.constant 0 : i32
        %ne3A_210 = arith.cmpi ne, %rem3A_208, %ne3A_209 : i32
        %lt3A_211 = arith.constant 0 : i32
        %lt3A_212 = arith.cmpi slt, %rem3A_208, %lt3A_211 : i32
        %lt3A_213 = arith.constant 0 : i32
        %lt3A_214 = arith.cmpi slt, %select_n3A_207, %lt3A_213 : i32
        %ne3A_215 = arith.xori %lt3A_212, %lt3A_214 : i1
        %and3A_216 = arith.andi %ne3A_215, %ne3A_210 : i1
        %add3A_217 = arith.addi %rem3A_208, %select_n3A_207 : i32
        %select_n3A_218 = arith.select %and3A_216, %add3A_217, %rem3A_208 : i32
        %jit3A_219 = arith.constant 10 : i32
        %eq3A_220 = arith.constant 0 : i32
        %eq3A_221 = arith.cmpi eq, %jit3A_219, %eq3A_220 : i32
        %jit3A_222 = arith.constant 1 : i32
        %select_n3A_223 = arith.select %eq3A_221, %jit3A_222, %jit3A_219 : i32
        %rem3A_224 = arith.remsi %while3A_179, %select_n3A_223 : i32
        %ne3A_225 = arith.constant 0 : i32
        %ne3A_226 = arith.cmpi ne, %rem3A_224, %ne3A_225 : i32
        %lt3A_227 = arith.constant 0 : i32
        %lt3A_228 = arith.cmpi slt, %rem3A_224, %lt3A_227 : i32
        %lt3A_229 = arith.constant 0 : i32
        %lt3A_230 = arith.cmpi slt, %select_n3A_223, %lt3A_229 : i32
        %ne3A_231 = arith.xori %lt3A_228, %lt3A_230 : i1
        %and3A_232 = arith.andi %ne3A_231, %ne3A_226 : i1
        %add3A_233 = arith.addi %rem3A_224, %select_n3A_223 : i32
        %select_n3A_234 = arith.select %and3A_232, %add3A_233, %rem3A_224 : i32
        %mul3A_235 = arith.constant 4 : i32
        %mul3A_236 = arith.muli %select_n3A_234, %mul3A_235 : i32
        %jit3A_237 = arith.constant 10 : i32
        %eq3A_238 = arith.constant 0 : i32
        %eq3A_239 = arith.cmpi eq, %jit3A_237, %eq3A_238 : i32
        %jit3A_240 = arith.constant 1 : i32
        %select_n3A_241 = arith.select %eq3A_239, %jit3A_240, %jit3A_237 : i32
        %rem3A_242 = arith.remsi %while3A_179, %select_n3A_241 : i32
        %ne3A_243 = arith.constant 0 : i32
        %ne3A_244 = arith.cmpi ne, %rem3A_242, %ne3A_243 : i32
        %lt3A_245 = arith.constant 0 : i32
        %lt3A_246 = arith.cmpi slt, %rem3A_242, %lt3A_245 : i32
        %lt3A_247 = arith.constant 0 : i32
        %lt3A_248 = arith.cmpi slt, %select_n3A_241, %lt3A_247 : i32
        %ne3A_249 = arith.xori %lt3A_246, %lt3A_248 : i1
        %and3A_250 = arith.andi %ne3A_249, %ne3A_244 : i1
        %add3A_251 = arith.addi %rem3A_242, %select_n3A_241 : i32
        %select_n3A_252 = arith.select %and3A_250, %add3A_251, %rem3A_242 : i32
        %eq3A_253 = arith.constant 0 : i32
        %eq3A_254 = arith.cmpi eq, %select_n3A_252, %eq3A_253 : i32
        %gt3A = arith.constant 0 : i32
        %gt3A_255 = arith.cmpi sgt, %select_n3A_202, %gt3A : i32
        %and3A_256 = arith.andi %eq3A_254, %gt3A_255 : i1
        %convert_element_type3A_257 = arith.extui %and3A_256 : i1 to i32
        %cond3A_258 = arith.constant 0 : i32
        %cond3A_259 = arith.cmpi ne, %convert_element_type3A_257, %cond3A_258 : i32
        scf.if %cond3A_259 {
          %dma_wait3A_448 = arith.constant 0 : i32
          %dma_wait3A_449 = arith.constant 0 : i32
          %dma_wait3A_450 = tpu.memref_slice %arg9[%select_n3A_218, %dma_wait3A_448, %dma_wait3A_449] : memref<2x40x64xi32, #tpu.memory_space<vmem>> -> memref<1x40x64xi32, #tpu.memory_space<vmem>>
          %dma_wait3A_451 = tpu.memref_squeeze %dma_wait3A_450 : memref<1x40x64xi32, #tpu.memory_space<vmem>> -> memref<40x64xi32, #tpu.memory_space<vmem>>
          %dma_wait3A_452 = arith.constant 0 : i32
          %dma_wait3A_453 = arith.constant 0 : i32
          %dma_wait3A_454 = tpu.memref_slice %arg4[%dma_wait3A_452, %dma_wait3A_453] : memref<5000x64xi32, #tpu.memory_space<hbm>> -> memref<40x64xi32, #tpu.memory_space<hbm>>
          %dma_wait3A_455 = arith.constant 0 : i32
          %dma_wait3A_456 = arith.constant 0 : i32
          %dma_wait3A_457 = tpu.memref_slice %arg9[%select_n3A_218, %dma_wait3A_455, %dma_wait3A_456] : memref<2x40x64xi32, #tpu.memory_space<vmem>> -> memref<1x40x64xi32, #tpu.memory_space<vmem>>
          %dma_wait3A_458 = tpu.memref_squeeze %dma_wait3A_457 : memref<1x40x64xi32, #tpu.memory_space<vmem>> -> memref<40x64xi32, #tpu.memory_space<vmem>>
          %dma_wait3A_459 = arith.constant 0 : i32
          %dma_wait3A_460 = arith.constant 0 : i32
          %dma_wait3A_461 = tpu.memref_slice %arg4[%dma_wait3A_459, %dma_wait3A_460] : memref<5000x64xi32, #tpu.memory_space<hbm>> -> memref<40x64xi32, #tpu.memory_space<hbm>>
          tpu.wait_dma2 semaphore(%arg22 : memref<!tpu.dma_semaphore, #tpu.memory_space<semaphore_mem>>) src(%dma_wait3A_461 : memref<40x64xi32, #tpu.memory_space<hbm>>) dst(%dma_wait3A_458 : memref<40x64xi32, #tpu.memory_space<vmem>>)
          %dma_wait3A_462 = arith.constant 0 : i32
          %dma_wait3A_463 = arith.constant 0 : i32
          %dma_wait3A_464 = tpu.memref_slice %arg10[%select_n3A_218, %dma_wait3A_462, %dma_wait3A_463] : memref<2x40x64xi32, #tpu.memory_space<vmem>> -> memref<1x40x64xi32, #tpu.memory_space<vmem>>
          %dma_wait3A_465 = tpu.memref_squeeze %dma_wait3A_464 : memref<1x40x64xi32, #tpu.memory_space<vmem>> -> memref<40x64xi32, #tpu.memory_space<vmem>>
          %dma_wait3A_466 = arith.constant 0 : i32
          %dma_wait3A_467 = arith.constant 0 : i32
          %dma_wait3A_468 = tpu.memref_slice %arg4[%dma_wait3A_466, %dma_wait3A_467] : memref<5000x64xi32, #tpu.memory_space<hbm>> -> memref<40x64xi32, #tpu.memory_space<hbm>>
          %dma_wait3A_469 = arith.constant 0 : i32
          %dma_wait3A_470 = arith.constant 0 : i32
          %dma_wait3A_471 = tpu.memref_slice %arg10[%select_n3A_218, %dma_wait3A_469, %dma_wait3A_470] : memref<2x40x64xi32, #tpu.memory_space<vmem>> -> memref<1x40x64xi32, #tpu.memory_space<vmem>>
          %dma_wait3A_472 = tpu.memref_squeeze %dma_wait3A_471 : memref<1x40x64xi32, #tpu.memory_space<vmem>> -> memref<40x64xi32, #tpu.memory_space<vmem>>
          %dma_wait3A_473 = arith.constant 0 : i32
          %dma_wait3A_474 = arith.constant 0 : i32
          %dma_wait3A_475 = tpu.memref_slice %arg4[%dma_wait3A_473, %dma_wait3A_474] : memref<5000x64xi32, #tpu.memory_space<hbm>> -> memref<40x64xi32, #tpu.memory_space<hbm>>
          tpu.wait_dma2 semaphore(%arg22 : memref<!tpu.dma_semaphore, #tpu.memory_space<semaphore_mem>>) src(%dma_wait3A_475 : memref<40x64xi32, #tpu.memory_space<hbm>>) dst(%dma_wait3A_472 : memref<40x64xi32, #tpu.memory_space<vmem>>)
        } else {
        }
        %gt3A_260 = arith.constant 0 : i32
        %gt3A_261 = arith.cmpi sgt, %while3A_179, %gt3A_260 : i32
        %convert_element_type3A_262 = arith.extui %gt3A_261 : i1 to i32
        %cond3A_263 = arith.constant 0 : i32
        %cond3A_264 = arith.cmpi ne, %convert_element_type3A_262, %cond3A_263 : i32
        scf.if %cond3A_264 {
          %add3A_448 = arith.constant 0 : i32
          %add3A_449 = arith.addi %mul3A_236, %add3A_448 : i32
          %dma_wait3A_450 = arith.constant 0 : i32
          %dma_wait3A_451 = arith.constant 0 : i32
          %dma_wait3A_452 = tpu.memref_slice %arg9[%select_n3A_218, %add3A_449, %dma_wait3A_451] : memref<2x40x64xi32, #tpu.memory_space<vmem>> -> memref<1x1x64xi32, #tpu.memory_space<vmem>>
          %dma_wait3A_453 = tpu.memref_squeeze %dma_wait3A_452 : memref<1x1x64xi32, #tpu.memory_space<vmem>> -> memref<64xi32, #tpu.memory_space<vmem>>
          %dma_wait3A_454 = arith.constant 0 : i32
          %dma_wait3A_455 = arith.constant 0 : i32
          %dma_wait3A_456 = tpu.memref_slice %arg17[%dma_wait3A_454, %dma_wait3A_455] : memref<10000x128xf32, #tpu.memory_space<vmem_shared>> -> memref<10000x128xf32, #tpu.memory_space<vmem_shared>>
          %dma_wait3A_457 = tpu.memref_slice %arg20[%dma_wait3A_450] : memref<4x!tpu.dma_semaphore, #tpu.memory_space<semaphore_mem>> -> memref<1x!tpu.dma_semaphore, #tpu.memory_space<semaphore_mem>>
          %dma_wait3A_458 = tpu.memref_squeeze %dma_wait3A_457 : memref<1x!tpu.dma_semaphore, #tpu.memory_space<semaphore_mem>> -> memref<!tpu.dma_semaphore, #tpu.memory_space<semaphore_mem>>
          tpu.wait_indirect_dma semaphore(%dma_wait3A_458 : memref<!tpu.dma_semaphore, #tpu.memory_space<semaphore_mem>>) src(%arg11 : memref<64x128xf32, #tpu.memory_space<vmem>>) dst(%dma_wait3A_456 : memref<10000x128xf32, #tpu.memory_space<vmem_shared>>)
        } else {
        }
        %add3A_265 = arith.constant 0 : i32
        %add3A_266 = arith.addi %mul3A_236, %add3A_265 : i32
        %dma_start3A_267 = arith.constant 0 : i32
        %dma_start3A_268 = arith.constant 0 : i32
        %dma_start3A_269 = tpu.memref_slice %arg10[%select_n3A_218, %add3A_266, %dma_start3A_268] : memref<2x40x64xi32, #tpu.memory_space<vmem>> -> memref<1x1x64xi32, #tpu.memory_space<vmem>>
        %dma_start3A_270 = tpu.memref_squeeze %dma_start3A_269 : memref<1x1x64xi32, #tpu.memory_space<vmem>> -> memref<64xi32, #tpu.memory_space<vmem>>
        %dma_start3A_271 = arith.constant 0 : i32
        %dma_start3A_272 = arith.constant 0 : i32
        %dma_start3A_273 = tpu.memref_slice %arg3[%dma_start3A_271, %dma_start3A_272] : memref<10000x128xf32, #tpu.memory_space<hbm>> -> memref<10000x128xf32, #tpu.memory_space<hbm>>
        %dma_start3A_274 = tpu.memref_slice %arg19[%dma_start3A_267] : memref<4x!tpu.dma_semaphore, #tpu.memory_space<semaphore_mem>> -> memref<1x!tpu.dma_semaphore, #tpu.memory_space<semaphore_mem>>
        %dma_start3A_275 = tpu.memref_squeeze %dma_start3A_274 : memref<1x!tpu.dma_semaphore, #tpu.memory_space<semaphore_mem>> -> memref<!tpu.dma_semaphore, #tpu.memory_space<semaphore_mem>>
        tpu.enqueue_indirect_dma source(%dma_start3A_273 : memref<10000x128xf32, #tpu.memory_space<hbm>>) target(%arg11 : memref<64x128xf32, #tpu.memory_space<vmem>>) offsets(%dma_start3A_270 : memref<64xi32, #tpu.memory_space<vmem>>) semaphore(%dma_start3A_275 : memref<!tpu.dma_semaphore, #tpu.memory_space<semaphore_mem>>)
        %gt3A_276 = arith.constant 0 : i32
        %gt3A_277 = arith.cmpi sgt, %while3A_179, %gt3A_276 : i32
        %convert_element_type3A_278 = arith.extui %gt3A_277 : i1 to i32
        %cond3A_279 = arith.constant 0 : i32
        %cond3A_280 = arith.cmpi ne, %convert_element_type3A_278, %cond3A_279 : i32
        scf.if %cond3A_280 {
          %add3A_448 = arith.constant 1 : i32
          %add3A_449 = arith.addi %mul3A_236, %add3A_448 : i32
          %dma_wait3A_450 = arith.constant 1 : i32
          %dma_wait3A_451 = arith.constant 0 : i32
          %dma_wait3A_452 = tpu.memref_slice %arg9[%select_n3A_218, %add3A_449, %dma_wait3A_451] : memref<2x40x64xi32, #tpu.memory_space<vmem>> -> memref<1x1x64xi32, #tpu.memory_space<vmem>>
          %dma_wait3A_453 = tpu.memref_squeeze %dma_wait3A_452 : memref<1x1x64xi32, #tpu.memory_space<vmem>> -> memref<64xi32, #tpu.memory_space<vmem>>
          %dma_wait3A_454 = arith.constant 0 : i32
          %dma_wait3A_455 = arith.constant 0 : i32
          %dma_wait3A_456 = tpu.memref_slice %arg17[%dma_wait3A_454, %dma_wait3A_455] : memref<10000x128xf32, #tpu.memory_space<vmem_shared>> -> memref<10000x128xf32, #tpu.memory_space<vmem_shared>>
          %dma_wait3A_457 = tpu.memref_slice %arg20[%dma_wait3A_450] : memref<4x!tpu.dma_semaphore, #tpu.memory_space<semaphore_mem>> -> memref<1x!tpu.dma_semaphore, #tpu.memory_space<semaphore_mem>>
          %dma_wait3A_458 = tpu.memref_squeeze %dma_wait3A_457 : memref<1x!tpu.dma_semaphore, #tpu.memory_space<semaphore_mem>> -> memref<!tpu.dma_semaphore, #tpu.memory_space<semaphore_mem>>
          tpu.wait_indirect_dma semaphore(%dma_wait3A_458 : memref<!tpu.dma_semaphore, #tpu.memory_space<semaphore_mem>>) src(%arg12 : memref<64x128xf32, #tpu.memory_space<vmem>>) dst(%dma_wait3A_456 : memref<10000x128xf32, #tpu.memory_space<vmem_shared>>)
        } else {
        }
        %add3A_281 = arith.constant 1 : i32
        %add3A_282 = arith.addi %mul3A_236, %add3A_281 : i32
        %dma_start3A_283 = arith.constant 1 : i32
        %dma_start3A_284 = arith.constant 0 : i32
        %dma_start3A_285 = tpu.memref_slice %arg10[%select_n3A_218, %add3A_282, %dma_start3A_284] : memref<2x40x64xi32, #tpu.memory_space<vmem>> -> memref<1x1x64xi32, #tpu.memory_space<vmem>>
        %dma_start3A_286 = tpu.memref_squeeze %dma_start3A_285 : memref<1x1x64xi32, #tpu.memory_space<vmem>> -> memref<64xi32, #tpu.memory_space<vmem>>
        %dma_start3A_287 = arith.constant 0 : i32
        %dma_start3A_288 = arith.constant 0 : i32
        %dma_start3A_289 = tpu.memref_slice %arg3[%dma_start3A_287, %dma_start3A_288] : memref<10000x128xf32, #tpu.memory_space<hbm>> -> memref<10000x128xf32, #tpu.memory_space<hbm>>
        %dma_start3A_290 = tpu.memref_slice %arg19[%dma_start3A_283] : memref<4x!tpu.dma_semaphore, #tpu.memory_space<semaphore_mem>> -> memref<1x!tpu.dma_semaphore, #tpu.memory_space<semaphore_mem>>
        %dma_start3A_291 = tpu.memref_squeeze %dma_start3A_290 : memref<1x!tpu.dma_semaphore, #tpu.memory_space<semaphore_mem>> -> memref<!tpu.dma_semaphore, #tpu.memory_space<semaphore_mem>>
        tpu.enqueue_indirect_dma source(%dma_start3A_289 : memref<10000x128xf32, #tpu.memory_space<hbm>>) target(%arg12 : memref<64x128xf32, #tpu.memory_space<vmem>>) offsets(%dma_start3A_286 : memref<64xi32, #tpu.memory_space<vmem>>) semaphore(%dma_start3A_291 : memref<!tpu.dma_semaphore, #tpu.memory_space<semaphore_mem>>)
        %gt3A_292 = arith.constant 0 : i32
        %gt3A_293 = arith.cmpi sgt, %while3A_179, %gt3A_292 : i32
        %convert_element_type3A_294 = arith.extui %gt3A_293 : i1 to i32
        %cond3A_295 = arith.constant 0 : i32
        %cond3A_296 = arith.cmpi ne, %convert_element_type3A_294, %cond3A_295 : i32
        scf.if %cond3A_296 {
          %add3A_448 = arith.constant 2 : i32
          %add3A_449 = arith.addi %mul3A_236, %add3A_448 : i32
          %dma_wait3A_450 = arith.constant 2 : i32
          %dma_wait3A_451 = arith.constant 0 : i32
          %dma_wait3A_452 = tpu.memref_slice %arg9[%select_n3A_218, %add3A_449, %dma_wait3A_451] : memref<2x40x64xi32, #tpu.memory_space<vmem>> -> memref<1x1x64xi32, #tpu.memory_space<vmem>>
          %dma_wait3A_453 = tpu.memref_squeeze %dma_wait3A_452 : memref<1x1x64xi32, #tpu.memory_space<vmem>> -> memref<64xi32, #tpu.memory_space<vmem>>
          %dma_wait3A_454 = arith.constant 0 : i32
          %dma_wait3A_455 = arith.constant 0 : i32
          %dma_wait3A_456 = tpu.memref_slice %arg17[%dma_wait3A_454, %dma_wait3A_455] : memref<10000x128xf32, #tpu.memory_space<vmem_shared>> -> memref<10000x128xf32, #tpu.memory_space<vmem_shared>>
          %dma_wait3A_457 = tpu.memref_slice %arg20[%dma_wait3A_450] : memref<4x!tpu.dma_semaphore, #tpu.memory_space<semaphore_mem>> -> memref<1x!tpu.dma_semaphore, #tpu.memory_space<semaphore_mem>>
          %dma_wait3A_458 = tpu.memref_squeeze %dma_wait3A_457 : memref<1x!tpu.dma_semaphore, #tpu.memory_space<semaphore_mem>> -> memref<!tpu.dma_semaphore, #tpu.memory_space<semaphore_mem>>
          tpu.wait_indirect_dma semaphore(%dma_wait3A_458 : memref<!tpu.dma_semaphore, #tpu.memory_space<semaphore_mem>>) src(%arg13 : memref<64x128xf32, #tpu.memory_space<vmem>>) dst(%dma_wait3A_456 : memref<10000x128xf32, #tpu.memory_space<vmem_shared>>)
        } else {
        }
        %add3A_297 = arith.constant 2 : i32
        %add3A_298 = arith.addi %mul3A_236, %add3A_297 : i32
        %dma_start3A_299 = arith.constant 2 : i32
        %dma_start3A_300 = arith.constant 0 : i32
        %dma_start3A_301 = tpu.memref_slice %arg10[%select_n3A_218, %add3A_298, %dma_start3A_300] : memref<2x40x64xi32, #tpu.memory_space<vmem>> -> memref<1x1x64xi32, #tpu.memory_space<vmem>>
        %dma_start3A_302 = tpu.memref_squeeze %dma_start3A_301 : memref<1x1x64xi32, #tpu.memory_space<vmem>> -> memref<64xi32, #tpu.memory_space<vmem>>
        %dma_start3A_303 = arith.constant 0 : i32
        %dma_start3A_304 = arith.constant 0 : i32
        %dma_start3A_305 = tpu.memref_slice %arg3[%dma_start3A_303, %dma_start3A_304] : memref<10000x128xf32, #tpu.memory_space<hbm>> -> memref<10000x128xf32, #tpu.memory_space<hbm>>
        %dma_start3A_306 = tpu.memref_slice %arg19[%dma_start3A_299] : memref<4x!tpu.dma_semaphore, #tpu.memory_space<semaphore_mem>> -> memref<1x!tpu.dma_semaphore, #tpu.memory_space<semaphore_mem>>
        %dma_start3A_307 = tpu.memref_squeeze %dma_start3A_306 : memref<1x!tpu.dma_semaphore, #tpu.memory_space<semaphore_mem>> -> memref<!tpu.dma_semaphore, #tpu.memory_space<semaphore_mem>>
        tpu.enqueue_indirect_dma source(%dma_start3A_305 : memref<10000x128xf32, #tpu.memory_space<hbm>>) target(%arg13 : memref<64x128xf32, #tpu.memory_space<vmem>>) offsets(%dma_start3A_302 : memref<64xi32, #tpu.memory_space<vmem>>) semaphore(%dma_start3A_307 : memref<!tpu.dma_semaphore, #tpu.memory_space<semaphore_mem>>)
        %gt3A_308 = arith.constant 0 : i32
        %gt3A_309 = arith.cmpi sgt, %while3A_179, %gt3A_308 : i32
        %convert_element_type3A_310 = arith.extui %gt3A_309 : i1 to i32
        %cond3A_311 = arith.constant 0 : i32
        %cond3A_312 = arith.cmpi ne, %convert_element_type3A_310, %cond3A_311 : i32
        scf.if %cond3A_312 {
          %add3A_448 = arith.constant 3 : i32
          %add3A_449 = arith.addi %mul3A_236, %add3A_448 : i32
          %dma_wait3A_450 = arith.constant 3 : i32
          %dma_wait3A_451 = arith.constant 0 : i32
          %dma_wait3A_452 = tpu.memref_slice %arg9[%select_n3A_218, %add3A_449, %dma_wait3A_451] : memref<2x40x64xi32, #tpu.memory_space<vmem>> -> memref<1x1x64xi32, #tpu.memory_space<vmem>>
          %dma_wait3A_453 = tpu.memref_squeeze %dma_wait3A_452 : memref<1x1x64xi32, #tpu.memory_space<vmem>> -> memref<64xi32, #tpu.memory_space<vmem>>
          %dma_wait3A_454 = arith.constant 0 : i32
          %dma_wait3A_455 = arith.constant 0 : i32
          %dma_wait3A_456 = tpu.memref_slice %arg17[%dma_wait3A_454, %dma_wait3A_455] : memref<10000x128xf32, #tpu.memory_space<vmem_shared>> -> memref<10000x128xf32, #tpu.memory_space<vmem_shared>>
          %dma_wait3A_457 = tpu.memref_slice %arg20[%dma_wait3A_450] : memref<4x!tpu.dma_semaphore, #tpu.memory_space<semaphore_mem>> -> memref<1x!tpu.dma_semaphore, #tpu.memory_space<semaphore_mem>>
          %dma_wait3A_458 = tpu.memref_squeeze %dma_wait3A_457 : memref<1x!tpu.dma_semaphore, #tpu.memory_space<semaphore_mem>> -> memref<!tpu.dma_semaphore, #tpu.memory_space<semaphore_mem>>
          tpu.wait_indirect_dma semaphore(%dma_wait3A_458 : memref<!tpu.dma_semaphore, #tpu.memory_space<semaphore_mem>>) src(%arg14 : memref<64x128xf32, #tpu.memory_space<vmem>>) dst(%dma_wait3A_456 : memref<10000x128xf32, #tpu.memory_space<vmem_shared>>)
        } else {
        }
        %add3A_313 = arith.constant 3 : i32
        %add3A_314 = arith.addi %mul3A_236, %add3A_313 : i32
        %dma_start3A_315 = arith.constant 3 : i32
        %dma_start3A_316 = arith.constant 0 : i32
        %dma_start3A_317 = tpu.memref_slice %arg10[%select_n3A_218, %add3A_314, %dma_start3A_316] : memref<2x40x64xi32, #tpu.memory_space<vmem>> -> memref<1x1x64xi32, #tpu.memory_space<vmem>>
        %dma_start3A_318 = tpu.memref_squeeze %dma_start3A_317 : memref<1x1x64xi32, #tpu.memory_space<vmem>> -> memref<64xi32, #tpu.memory_space<vmem>>
        %dma_start3A_319 = arith.constant 0 : i32
        %dma_start3A_320 = arith.constant 0 : i32
        %dma_start3A_321 = tpu.memref_slice %arg3[%dma_start3A_319, %dma_start3A_320] : memref<10000x128xf32, #tpu.memory_space<hbm>> -> memref<10000x128xf32, #tpu.memory_space<hbm>>
        %dma_start3A_322 = tpu.memref_slice %arg19[%dma_start3A_315] : memref<4x!tpu.dma_semaphore, #tpu.memory_space<semaphore_mem>> -> memref<1x!tpu.dma_semaphore, #tpu.memory_space<semaphore_mem>>
        %dma_start3A_323 = tpu.memref_squeeze %dma_start3A_322 : memref<1x!tpu.dma_semaphore, #tpu.memory_space<semaphore_mem>> -> memref<!tpu.dma_semaphore, #tpu.memory_space<semaphore_mem>>
        tpu.enqueue_indirect_dma source(%dma_start3A_321 : memref<10000x128xf32, #tpu.memory_space<hbm>>) target(%arg14 : memref<64x128xf32, #tpu.memory_space<vmem>>) offsets(%dma_start3A_318 : memref<64xi32, #tpu.memory_space<vmem>>) semaphore(%dma_start3A_323 : memref<!tpu.dma_semaphore, #tpu.memory_space<semaphore_mem>>)
        %convert_element_type3A_324 = arith.extui %and3A_256 : i1 to i32
        %cond3A_325 = arith.constant 0 : i32
        %cond3A_326 = arith.cmpi ne, %convert_element_type3A_324, %cond3A_325 : i32
        scf.if %cond3A_326 {
          %scan3A_448 = arith.constant 0 : i32
          %scan3A_449 = arith.constant 0 : i32
          %scan3A_450 = arith.constant 40 : i32
          %scan3A_451 = arith.addi %scan3A_449, %scan3A_450 : i32
          %scan3A_452 = arith.constant 1 : i32
          %scan3A_453 = scf.for %scan3A_461 = %scan3A_449 to %scan3A_451 step %scan3A_452 iter_args(%scan3A_462 = %scan3A_448) -> (i32)  : i32 {
            %dma_wait3A_463 = arith.constant 0 : i32
            %dma_wait3A_464 = arith.constant 0 : i32
            %dma_wait3A_465 = tpu.memref_slice %arg18[%dma_wait3A_463, %dma_wait3A_464] : memref<10000x8xf32, #tpu.memory_space<vmem_shared>> -> memref<64x8xf32, #tpu.memory_space<vmem_shared>>
            %dma_wait3A_466 = arith.constant 0 : i32
            %dma_wait3A_467 = arith.constant 0 : i32
            %dma_wait3A_468 = tpu.memref_slice %arg18[%dma_wait3A_466, %dma_wait3A_467] : memref<10000x8xf32, #tpu.memory_space<vmem_shared>> -> memref<64x8xf32, #tpu.memory_space<vmem_shared>>
            tpu.wait_dma2 semaphore(%arg21 : memref<!tpu.dma_semaphore, #tpu.memory_space<semaphore_mem>>) src(%arg16 : memref<64x8xf32, #tpu.memory_space<vmem>>) dst(%dma_wait3A_468 : memref<64x8xf32, #tpu.memory_space<vmem_shared>>)
            %scan3A_469 = arith.constant 0 : i32
            scf.yield %scan3A_469 : i32
          }
          %scan3A_454 = arith.constant 40 : i32
          %add3A_455 = arith.constant 1 : i32
          %add3A_456 = arith.addi %select_n3A_202, %add3A_455 : i32
          %lt3A_457 = arith.cmpi slt, %add3A_456, %select_n3A_33 : i32
          %convert_element_type3A_458 = arith.extui %lt3A_457 : i1 to i32
          %cond3A_459 = arith.constant 0 : i32
          %cond3A_460 = arith.cmpi ne, %convert_element_type3A_458, %cond3A_459 : i32
          scf.if %cond3A_460 {
            %add3A_461 = arith.constant 1 : i32
            %add3A_462 = arith.addi %select_n3A_202, %add3A_461 : i32
            %sub3A_463 = arith.constant 1 : i32
            %sub3A_464 = arith.subi %sub3A_463, %select_n3A_218 : i32
            %mul3A_465 = arith.constant 320 : i32
            %mul3A_466 = arith.muli %arg1, %mul3A_465 : i32
            %mul3A_467 = arith.constant 40 : i32
            %mul3A_468 = arith.muli %add3A_462, %mul3A_467 : i32
            %add3A_469 = arith.addi %mul3A_466, %mul3A_468 : i32
            %dma_start3A_470 = arith.constant 0 : i32
            %dma_start3A_471 = arith.constant 0 : i32
            %dma_start3A_472 = tpu.memref_slice %arg10[%sub3A_464, %dma_start3A_470, %dma_start3A_471] : memref<2x40x64xi32, #tpu.memory_space<vmem>> -> memref<1x40x64xi32, #tpu.memory_space<vmem>>
            %dma_start3A_473 = tpu.memref_squeeze %dma_start3A_472 : memref<1x40x64xi32, #tpu.memory_space<vmem>> -> memref<40x64xi32, #tpu.memory_space<vmem>>
            %dma_start3A_474 = arith.constant 0 : i32
            %dma_start3A_475 = tpu.memref_slice %arg5[%add3A_469, %dma_start3A_474] : memref<5000x64xi32, #tpu.memory_space<hbm>> -> memref<40x64xi32, #tpu.memory_space<hbm>>
            %dma_start3A_476 = arith.constant 0 : i32
            %dma_start3A_477 = arith.constant 0 : i32
            %dma_start3A_478 = tpu.memref_slice %arg10[%sub3A_464, %dma_start3A_476, %dma_start3A_477] : memref<2x40x64xi32, #tpu.memory_space<vmem>> -> memref<1x40x64xi32, #tpu.memory_space<vmem>>
            %dma_start3A_479 = tpu.memref_squeeze %dma_start3A_478 : memref<1x40x64xi32, #tpu.memory_space<vmem>> -> memref<40x64xi32, #tpu.memory_space<vmem>>
            %dma_start3A_480 = arith.constant 0 : i32
            %dma_start3A_481 = tpu.memref_slice %arg5[%add3A_469, %dma_start3A_480] : memref<5000x64xi32, #tpu.memory_space<hbm>> -> memref<40x64xi32, #tpu.memory_space<hbm>>
            tpu.enqueue_dma source(%dma_start3A_481 : memref<40x64xi32, #tpu.memory_space<hbm>>) target(%dma_start3A_479 : memref<40x64xi32, #tpu.memory_space<vmem>>) target_semaphore(%arg22 : memref<!tpu.dma_semaphore, #tpu.memory_space<semaphore_mem>>)
            %dma_start3A_482 = arith.constant 0 : i32
            %dma_start3A_483 = arith.constant 0 : i32
            %dma_start3A_484 = tpu.memref_slice %arg9[%sub3A_464, %dma_start3A_482, %dma_start3A_483] : memref<2x40x64xi32, #tpu.memory_space<vmem>> -> memref<1x40x64xi32, #tpu.memory_space<vmem>>
            %dma_start3A_485 = tpu.memref_squeeze %dma_start3A_484 : memref<1x40x64xi32, #tpu.memory_space<vmem>> -> memref<40x64xi32, #tpu.memory_space<vmem>>
            %dma_start3A_486 = arith.constant 0 : i32
            %dma_start3A_487 = tpu.memref_slice %arg4[%add3A_469, %dma_start3A_486] : memref<5000x64xi32, #tpu.memory_space<hbm>> -> memref<40x64xi32, #tpu.memory_space<hbm>>
            %dma_start3A_488 = arith.constant 0 : i32
            %dma_start3A_489 = arith.constant 0 : i32
            %dma_start3A_490 = tpu.memref_slice %arg9[%sub3A_464, %dma_start3A_488, %dma_start3A_489] : memref<2x40x64xi32, #tpu.memory_space<vmem>> -> memref<1x40x64xi32, #tpu.memory_space<vmem>>
            %dma_start3A_491 = tpu.memref_squeeze %dma_start3A_490 : memref<1x40x64xi32, #tpu.memory_space<vmem>> -> memref<40x64xi32, #tpu.memory_space<vmem>>
            %dma_start3A_492 = arith.constant 0 : i32
            %dma_start3A_493 = tpu.memref_slice %arg4[%add3A_469, %dma_start3A_492] : memref<5000x64xi32, #tpu.memory_space<hbm>> -> memref<40x64xi32, #tpu.memory_space<hbm>>
            tpu.enqueue_dma source(%dma_start3A_493 : memref<40x64xi32, #tpu.memory_space<hbm>>) target(%dma_start3A_491 : memref<40x64xi32, #tpu.memory_space<vmem>>) target_semaphore(%arg22 : memref<!tpu.dma_semaphore, #tpu.memory_space<semaphore_mem>>)
          } else {
          }
        } else {
        }
        %add3A_327 = arith.constant 0 : i32
        %add3A_328 = arith.addi %mul3A_236, %add3A_327 : i32
        %dma_wait3A_329 = arith.constant 0 : i32
        %dma_wait3A_330 = arith.constant 0 : i32
        %dma_wait3A_331 = tpu.memref_slice %arg10[%select_n3A_218, %add3A_328, %dma_wait3A_330] : memref<2x40x64xi32, #tpu.memory_space<vmem>> -> memref<1x1x64xi32, #tpu.memory_space<vmem>>
        %dma_wait3A_332 = tpu.memref_squeeze %dma_wait3A_331 : memref<1x1x64xi32, #tpu.memory_space<vmem>> -> memref<64xi32, #tpu.memory_space<vmem>>
        %dma_wait3A_333 = arith.constant 0 : i32
        %dma_wait3A_334 = arith.constant 0 : i32
        %dma_wait3A_335 = tpu.memref_slice %arg3[%dma_wait3A_333, %dma_wait3A_334] : memref<10000x128xf32, #tpu.memory_space<hbm>> -> memref<10000x128xf32, #tpu.memory_space<hbm>>
        %dma_wait3A_336 = tpu.memref_slice %arg19[%dma_wait3A_329] : memref<4x!tpu.dma_semaphore, #tpu.memory_space<semaphore_mem>> -> memref<1x!tpu.dma_semaphore, #tpu.memory_space<semaphore_mem>>
        %dma_wait3A_337 = tpu.memref_squeeze %dma_wait3A_336 : memref<1x!tpu.dma_semaphore, #tpu.memory_space<semaphore_mem>> -> memref<!tpu.dma_semaphore, #tpu.memory_space<semaphore_mem>>
        tpu.wait_indirect_dma semaphore(%dma_wait3A_337 : memref<!tpu.dma_semaphore, #tpu.memory_space<semaphore_mem>>) src(%dma_wait3A_335 : memref<10000x128xf32, #tpu.memory_space<hbm>>) dst(%arg11 : memref<64x128xf32, #tpu.memory_space<vmem>>)
        %add3A_338 = arith.constant 0 : i32
        %add3A_339 = arith.addi %mul3A_236, %add3A_338 : i32
        %dma_start3A_340 = arith.constant 0 : i32
        %dma_start3A_341 = arith.constant 0 : i32
        %dma_start3A_342 = tpu.memref_slice %arg9[%select_n3A_218, %add3A_339, %dma_start3A_341] : memref<2x40x64xi32, #tpu.memory_space<vmem>> -> memref<1x1x64xi32, #tpu.memory_space<vmem>>
        %dma_start3A_343 = tpu.memref_squeeze %dma_start3A_342 : memref<1x1x64xi32, #tpu.memory_space<vmem>> -> memref<64xi32, #tpu.memory_space<vmem>>
        %dma_start3A_344 = arith.constant 0 : i32
        %dma_start3A_345 = arith.constant 0 : i32
        %dma_start3A_346 = tpu.memref_slice %arg17[%dma_start3A_344, %dma_start3A_345] : memref<10000x128xf32, #tpu.memory_space<vmem_shared>> -> memref<10000x128xf32, #tpu.memory_space<vmem_shared>>
        %dma_start3A_347 = tpu.memref_slice %arg20[%dma_start3A_340] : memref<4x!tpu.dma_semaphore, #tpu.memory_space<semaphore_mem>> -> memref<1x!tpu.dma_semaphore, #tpu.memory_space<semaphore_mem>>
        %dma_start3A_348 = tpu.memref_squeeze %dma_start3A_347 : memref<1x!tpu.dma_semaphore, #tpu.memory_space<semaphore_mem>> -> memref<!tpu.dma_semaphore, #tpu.memory_space<semaphore_mem>>
        tpu.enqueue_indirect_dma source(%arg11 : memref<64x128xf32, #tpu.memory_space<vmem>>) target(%dma_start3A_346 : memref<10000x128xf32, #tpu.memory_space<vmem_shared>>) offsets(%dma_start3A_343 : memref<64xi32, #tpu.memory_space<vmem>>) semaphore(%dma_start3A_348 : memref<!tpu.dma_semaphore, #tpu.memory_space<semaphore_mem>>) {add = true}
        %add3A_349 = arith.constant 0 : i32
        %add3A_350 = arith.addi %mul3A_236, %add3A_349 : i32
        %dma_start3A_351 = arith.constant 0 : i32
        %dma_start3A_352 = tpu.memref_slice %arg9[%select_n3A_218, %add3A_350, %dma_start3A_351] : memref<2x40x64xi32, #tpu.memory_space<vmem>> -> memref<1x1x64xi32, #tpu.memory_space<vmem>>
        %dma_start3A_353 = tpu.memref_squeeze %dma_start3A_352 : memref<1x1x64xi32, #tpu.memory_space<vmem>> -> memref<64xi32, #tpu.memory_space<vmem>>
        %dma_start3A_354 = arith.constant 0 : i32
        %dma_start3A_355 = arith.constant 0 : i32
        %dma_start3A_356 = tpu.memref_slice %arg18[%dma_start3A_354, %dma_start3A_355] : memref<10000x8xf32, #tpu.memory_space<vmem_shared>> -> memref<10000x8xf32, #tpu.memory_space<vmem_shared>>
        tpu.enqueue_indirect_dma source(%arg16 : memref<64x8xf32, #tpu.memory_space<vmem>>) target(%dma_start3A_356 : memref<10000x8xf32, #tpu.memory_space<vmem_shared>>) offsets(%dma_start3A_353 : memref<64xi32, #tpu.memory_space<vmem>>) semaphore(%arg21 : memref<!tpu.dma_semaphore, #tpu.memory_space<semaphore_mem>>) {add = true}
        %add3A_357 = arith.constant 1 : i32
        %add3A_358 = arith.addi %mul3A_236, %add3A_357 : i32
        %dma_wait3A_359 = arith.constant 1 : i32
        %dma_wait3A_360 = arith.constant 0 : i32
        %dma_wait3A_361 = tpu.memref_slice %arg10[%select_n3A_218, %add3A_358, %dma_wait3A_360] : memref<2x40x64xi32, #tpu.memory_space<vmem>> -> memref<1x1x64xi32, #tpu.memory_space<vmem>>
        %dma_wait3A_362 = tpu.memref_squeeze %dma_wait3A_361 : memref<1x1x64xi32, #tpu.memory_space<vmem>> -> memref<64xi32, #tpu.memory_space<vmem>>
        %dma_wait3A_363 = arith.constant 0 : i32
        %dma_wait3A_364 = arith.constant 0 : i32
        %dma_wait3A_365 = tpu.memref_slice %arg3[%dma_wait3A_363, %dma_wait3A_364] : memref<10000x128xf32, #tpu.memory_space<hbm>> -> memref<10000x128xf32, #tpu.memory_space<hbm>>
        %dma_wait3A_366 = tpu.memref_slice %arg19[%dma_wait3A_359] : memref<4x!tpu.dma_semaphore, #tpu.memory_space<semaphore_mem>> -> memref<1x!tpu.dma_semaphore, #tpu.memory_space<semaphore_mem>>
        %dma_wait3A_367 = tpu.memref_squeeze %dma_wait3A_366 : memref<1x!tpu.dma_semaphore, #tpu.memory_space<semaphore_mem>> -> memref<!tpu.dma_semaphore, #tpu.memory_space<semaphore_mem>>
        tpu.wait_indirect_dma semaphore(%dma_wait3A_367 : memref<!tpu.dma_semaphore, #tpu.memory_space<semaphore_mem>>) src(%dma_wait3A_365 : memref<10000x128xf32, #tpu.memory_space<hbm>>) dst(%arg12 : memref<64x128xf32, #tpu.memory_space<vmem>>)
        %add3A_368 = arith.constant 1 : i32
        %add3A_369 = arith.addi %mul3A_236, %add3A_368 : i32
        %dma_start3A_370 = arith.constant 1 : i32
        %dma_start3A_371 = arith.constant 0 : i32
        %dma_start3A_372 = tpu.memref_slice %arg9[%select_n3A_218, %add3A_369, %dma_start3A_371] : memref<2x40x64xi32, #tpu.memory_space<vmem>> -> memref<1x1x64xi32, #tpu.memory_space<vmem>>
        %dma_start3A_373 = tpu.memref_squeeze %dma_start3A_372 : memref<1x1x64xi32, #tpu.memory_space<vmem>> -> memref<64xi32, #tpu.memory_space<vmem>>
        %dma_start3A_374 = arith.constant 0 : i32
        %dma_start3A_375 = arith.constant 0 : i32
        %dma_start3A_376 = tpu.memref_slice %arg17[%dma_start3A_374, %dma_start3A_375] : memref<10000x128xf32, #tpu.memory_space<vmem_shared>> -> memref<10000x128xf32, #tpu.memory_space<vmem_shared>>
        %dma_start3A_377 = tpu.memref_slice %arg20[%dma_start3A_370] : memref<4x!tpu.dma_semaphore, #tpu.memory_space<semaphore_mem>> -> memref<1x!tpu.dma_semaphore, #tpu.memory_space<semaphore_mem>>
        %dma_start3A_378 = tpu.memref_squeeze %dma_start3A_377 : memref<1x!tpu.dma_semaphore, #tpu.memory_space<semaphore_mem>> -> memref<!tpu.dma_semaphore, #tpu.memory_space<semaphore_mem>>
        tpu.enqueue_indirect_dma source(%arg12 : memref<64x128xf32, #tpu.memory_space<vmem>>) target(%dma_start3A_376 : memref<10000x128xf32, #tpu.memory_space<vmem_shared>>) offsets(%dma_start3A_373 : memref<64xi32, #tpu.memory_space<vmem>>) semaphore(%dma_start3A_378 : memref<!tpu.dma_semaphore, #tpu.memory_space<semaphore_mem>>) {add = true}
        %add3A_379 = arith.constant 1 : i32
        %add3A_380 = arith.addi %mul3A_236, %add3A_379 : i32
        %dma_start3A_381 = arith.constant 0 : i32
        %dma_start3A_382 = tpu.memref_slice %arg9[%select_n3A_218, %add3A_380, %dma_start3A_381] : memref<2x40x64xi32, #tpu.memory_space<vmem>> -> memref<1x1x64xi32, #tpu.memory_space<vmem>>
        %dma_start3A_383 = tpu.memref_squeeze %dma_start3A_382 : memref<1x1x64xi32, #tpu.memory_space<vmem>> -> memref<64xi32, #tpu.memory_space<vmem>>
        %dma_start3A_384 = arith.constant 0 : i32
        %dma_start3A_385 = arith.constant 0 : i32
        %dma_start3A_386 = tpu.memref_slice %arg18[%dma_start3A_384, %dma_start3A_385] : memref<10000x8xf32, #tpu.memory_space<vmem_shared>> -> memref<10000x8xf32, #tpu.memory_space<vmem_shared>>
        tpu.enqueue_indirect_dma source(%arg16 : memref<64x8xf32, #tpu.memory_space<vmem>>) target(%dma_start3A_386 : memref<10000x8xf32, #tpu.memory_space<vmem_shared>>) offsets(%dma_start3A_383 : memref<64xi32, #tpu.memory_space<vmem>>) semaphore(%arg21 : memref<!tpu.dma_semaphore, #tpu.memory_space<semaphore_mem>>) {add = true}
        %add3A_387 = arith.constant 2 : i32
        %add3A_388 = arith.addi %mul3A_236, %add3A_387 : i32
        %dma_wait3A_389 = arith.constant 2 : i32
        %dma_wait3A_390 = arith.constant 0 : i32
        %dma_wait3A_391 = tpu.memref_slice %arg10[%select_n3A_218, %add3A_388, %dma_wait3A_390] : memref<2x40x64xi32, #tpu.memory_space<vmem>> -> memref<1x1x64xi32, #tpu.memory_space<vmem>>
        %dma_wait3A_392 = tpu.memref_squeeze %dma_wait3A_391 : memref<1x1x64xi32, #tpu.memory_space<vmem>> -> memref<64xi32, #tpu.memory_space<vmem>>
        %dma_wait3A_393 = arith.constant 0 : i32
        %dma_wait3A_394 = arith.constant 0 : i32
        %dma_wait3A_395 = tpu.memref_slice %arg3[%dma_wait3A_393, %dma_wait3A_394] : memref<10000x128xf32, #tpu.memory_space<hbm>> -> memref<10000x128xf32, #tpu.memory_space<hbm>>
        %dma_wait3A_396 = tpu.memref_slice %arg19[%dma_wait3A_389] : memref<4x!tpu.dma_semaphore, #tpu.memory_space<semaphore_mem>> -> memref<1x!tpu.dma_semaphore, #tpu.memory_space<semaphore_mem>>
        %dma_wait3A_397 = tpu.memref_squeeze %dma_wait3A_396 : memref<1x!tpu.dma_semaphore, #tpu.memory_space<semaphore_mem>> -> memref<!tpu.dma_semaphore, #tpu.memory_space<semaphore_mem>>
        tpu.wait_indirect_dma semaphore(%dma_wait3A_397 : memref<!tpu.dma_semaphore, #tpu.memory_space<semaphore_mem>>) src(%dma_wait3A_395 : memref<10000x128xf32, #tpu.memory_space<hbm>>) dst(%arg13 : memref<64x128xf32, #tpu.memory_space<vmem>>)
        %add3A_398 = arith.constant 2 : i32
        %add3A_399 = arith.addi %mul3A_236, %add3A_398 : i32
        %dma_start3A_400 = arith.constant 2 : i32
        %dma_start3A_401 = arith.constant 0 : i32
        %dma_start3A_402 = tpu.memref_slice %arg9[%select_n3A_218, %add3A_399, %dma_start3A_401] : memref<2x40x64xi32, #tpu.memory_space<vmem>> -> memref<1x1x64xi32, #tpu.memory_space<vmem>>
        %dma_start3A_403 = tpu.memref_squeeze %dma_start3A_402 : memref<1x1x64xi32, #tpu.memory_space<vmem>> -> memref<64xi32, #tpu.memory_space<vmem>>
        %dma_start3A_404 = arith.constant 0 : i32
        %dma_start3A_405 = arith.constant 0 : i32
        %dma_start3A_406 = tpu.memref_slice %arg17[%dma_start3A_404, %dma_start3A_405] : memref<10000x128xf32, #tpu.memory_space<vmem_shared>> -> memref<10000x128xf32, #tpu.memory_space<vmem_shared>>
        %dma_start3A_407 = tpu.memref_slice %arg20[%dma_start3A_400] : memref<4x!tpu.dma_semaphore, #tpu.memory_space<semaphore_mem>> -> memref<1x!tpu.dma_semaphore, #tpu.memory_space<semaphore_mem>>
        %dma_start3A_408 = tpu.memref_squeeze %dma_start3A_407 : memref<1x!tpu.dma_semaphore, #tpu.memory_space<semaphore_mem>> -> memref<!tpu.dma_semaphore, #tpu.memory_space<semaphore_mem>>
        tpu.enqueue_indirect_dma source(%arg13 : memref<64x128xf32, #tpu.memory_space<vmem>>) target(%dma_start3A_406 : memref<10000x128xf32, #tpu.memory_space<vmem_shared>>) offsets(%dma_start3A_403 : memref<64xi32, #tpu.memory_space<vmem>>) semaphore(%dma_start3A_408 : memref<!tpu.dma_semaphore, #tpu.memory_space<semaphore_mem>>) {add = true}
        %add3A_409 = arith.constant 2 : i32
        %add3A_410 = arith.addi %mul3A_236, %add3A_409 : i32
        %dma_start3A_411 = arith.constant 0 : i32
        %dma_start3A_412 = tpu.memref_slice %arg9[%select_n3A_218, %add3A_410, %dma_start3A_411] : memref<2x40x64xi32, #tpu.memory_space<vmem>> -> memref<1x1x64xi32, #tpu.memory_space<vmem>>
        %dma_start3A_413 = tpu.memref_squeeze %dma_start3A_412 : memref<1x1x64xi32, #tpu.memory_space<vmem>> -> memref<64xi32, #tpu.memory_space<vmem>>
        %dma_start3A_414 = arith.constant 0 : i32
        %dma_start3A_415 = arith.constant 0 : i32
        %dma_start3A_416 = tpu.memref_slice %arg18[%dma_start3A_414, %dma_start3A_415] : memref<10000x8xf32, #tpu.memory_space<vmem_shared>> -> memref<10000x8xf32, #tpu.memory_space<vmem_shared>>
        tpu.enqueue_indirect_dma source(%arg16 : memref<64x8xf32, #tpu.memory_space<vmem>>) target(%dma_start3A_416 : memref<10000x8xf32, #tpu.memory_space<vmem_shared>>) offsets(%dma_start3A_413 : memref<64xi32, #tpu.memory_space<vmem>>) semaphore(%arg21 : memref<!tpu.dma_semaphore, #tpu.memory_space<semaphore_mem>>) {add = true}
        %add3A_417 = arith.constant 3 : i32
        %add3A_418 = arith.addi %mul3A_236, %add3A_417 : i32
        %dma_wait3A_419 = arith.constant 3 : i32
        %dma_wait3A_420 = arith.constant 0 : i32
        %dma_wait3A_421 = tpu.memref_slice %arg10[%select_n3A_218, %add3A_418, %dma_wait3A_420] : memref<2x40x64xi32, #tpu.memory_space<vmem>> -> memref<1x1x64xi32, #tpu.memory_space<vmem>>
        %dma_wait3A_422 = tpu.memref_squeeze %dma_wait3A_421 : memref<1x1x64xi32, #tpu.memory_space<vmem>> -> memref<64xi32, #tpu.memory_space<vmem>>
        %dma_wait3A_423 = arith.constant 0 : i32
        %dma_wait3A_424 = arith.constant 0 : i32
        %dma_wait3A_425 = tpu.memref_slice %arg3[%dma_wait3A_423, %dma_wait3A_424] : memref<10000x128xf32, #tpu.memory_space<hbm>> -> memref<10000x128xf32, #tpu.memory_space<hbm>>
        %dma_wait3A_426 = tpu.memref_slice %arg19[%dma_wait3A_419] : memref<4x!tpu.dma_semaphore, #tpu.memory_space<semaphore_mem>> -> memref<1x!tpu.dma_semaphore, #tpu.memory_space<semaphore_mem>>
        %dma_wait3A_427 = tpu.memref_squeeze %dma_wait3A_426 : memref<1x!tpu.dma_semaphore, #tpu.memory_space<semaphore_mem>> -> memref<!tpu.dma_semaphore, #tpu.memory_space<semaphore_mem>>
        tpu.wait_indirect_dma semaphore(%dma_wait3A_427 : memref<!tpu.dma_semaphore, #tpu.memory_space<semaphore_mem>>) src(%dma_wait3A_425 : memref<10000x128xf32, #tpu.memory_space<hbm>>) dst(%arg14 : memref<64x128xf32, #tpu.memory_space<vmem>>)
        %add3A_428 = arith.constant 3 : i32
        %add3A_429 = arith.addi %mul3A_236, %add3A_428 : i32
        %dma_start3A_430 = arith.constant 3 : i32
        %dma_start3A_431 = arith.constant 0 : i32
        %dma_start3A_432 = tpu.memref_slice %arg9[%select_n3A_218, %add3A_429, %dma_start3A_431] : memref<2x40x64xi32, #tpu.memory_space<vmem>> -> memref<1x1x64xi32, #tpu.memory_space<vmem>>
        %dma_start3A_433 = tpu.memref_squeeze %dma_start3A_432 : memref<1x1x64xi32, #tpu.memory_space<vmem>> -> memref<64xi32, #tpu.memory_space<vmem>>
        %dma_start3A_434 = arith.constant 0 : i32
        %dma_start3A_435 = arith.constant 0 : i32
        %dma_start3A_436 = tpu.memref_slice %arg17[%dma_start3A_434, %dma_start3A_435] : memref<10000x128xf32, #tpu.memory_space<vmem_shared>> -> memref<10000x128xf32, #tpu.memory_space<vmem_shared>>
        %dma_start3A_437 = tpu.memref_slice %arg20[%dma_start3A_430] : memref<4x!tpu.dma_semaphore, #tpu.memory_space<semaphore_mem>> -> memref<1x!tpu.dma_semaphore, #tpu.memory_space<semaphore_mem>>
        %dma_start3A_438 = tpu.memref_squeeze %dma_start3A_437 : memref<1x!tpu.dma_semaphore, #tpu.memory_space<semaphore_mem>> -> memref<!tpu.dma_semaphore, #tpu.memory_space<semaphore_mem>>
        tpu.enqueue_indirect_dma source(%arg14 : memref<64x128xf32, #tpu.memory_space<vmem>>) target(%dma_start3A_436 : memref<10000x128xf32, #tpu.memory_space<vmem_shared>>) offsets(%dma_start3A_433 : memref<64xi32, #tpu.memory_space<vmem>>) semaphore(%dma_start3A_438 : memref<!tpu.dma_semaphore, #tpu.memory_space<semaphore_mem>>) {add = true}
        %add3A_439 = arith.constant 3 : i32
        %add3A_440 = arith.addi %mul3A_236, %add3A_439 : i32
        %dma_start3A_441 = arith.constant 0 : i32
        %dma_start3A_442 = tpu.memref_slice %arg9[%select_n3A_218, %add3A_440, %dma_start3A_441] : memref<2x40x64xi32, #tpu.memory_space<vmem>> -> memref<1x1x64xi32, #tpu.memory_space<vmem>>
        %dma_start3A_443 = tpu.memref_squeeze %dma_start3A_442 : memref<1x1x64xi32, #tpu.memory_space<vmem>> -> memref<64xi32, #tpu.memory_space<vmem>>
        %dma_start3A_444 = arith.constant 0 : i32
        %dma_start3A_445 = arith.constant 0 : i32
        %dma_start3A_446 = tpu.memref_slice %arg18[%dma_start3A_444, %dma_start3A_445] : memref<10000x8xf32, #tpu.memory_space<vmem_shared>> -> memref<10000x8xf32, #tpu.memory_space<vmem_shared>>
        tpu.enqueue_indirect_dma source(%arg16 : memref<64x8xf32, #tpu.memory_space<vmem>>) target(%dma_start3A_446 : memref<10000x8xf32, #tpu.memory_space<vmem_shared>>) offsets(%dma_start3A_443 : memref<64xi32, #tpu.memory_space<vmem>>) semaphore(%arg21 : memref<!tpu.dma_semaphore, #tpu.memory_space<semaphore_mem>>) {add = true}
        %while3A_447 = arith.constant 0 : i32
        scf.yield %while3A_447 : i32
      }
      %sub3A = arith.constant 1 : i32
      %sub3A_119 = arith.subi %select_n3A_33, %sub3A : i32
      %jit3A_120 = arith.constant 2 : i32
      %eq3A_121 = arith.constant 0 : i32
      %eq3A_122 = arith.cmpi eq, %jit3A_120, %eq3A_121 : i32
      %jit3A_123 = arith.constant 1 : i32
      %select_n3A_124 = arith.select %eq3A_122, %jit3A_123, %jit3A_120 : i32
      %rem3A = arith.remsi %sub3A_119, %select_n3A_124 : i32
      %ne3A = arith.constant 0 : i32
      %ne3A_125 = arith.cmpi ne, %rem3A, %ne3A : i32
      %lt3A = arith.constant 0 : i32
      %lt3A_126 = arith.cmpi slt, %rem3A, %lt3A : i32
      %lt3A_127 = arith.constant 0 : i32
      %lt3A_128 = arith.cmpi slt, %select_n3A_124, %lt3A_127 : i32
      %ne3A_129 = arith.xori %lt3A_126, %lt3A_128 : i1
      %and3A_130 = arith.andi %ne3A_129, %ne3A_125 : i1
      %add3A_131 = arith.addi %rem3A, %select_n3A_124 : i32
      %select_n3A_132 = arith.select %and3A_130, %add3A_131, %rem3A : i32
      %dma_wait3A = arith.constant 36 : i32
      %dma_wait3A_133 = arith.constant 0 : i32
      %dma_wait3A_134 = arith.constant 0 : i32
      %dma_wait3A_135 = tpu.memref_slice %arg9[%select_n3A_132, %dma_wait3A, %dma_wait3A_134] : memref<2x40x64xi32, #tpu.memory_space<vmem>> -> memref<1x1x64xi32, #tpu.memory_space<vmem>>
      %dma_wait3A_136 = tpu.memref_squeeze %dma_wait3A_135 : memref<1x1x64xi32, #tpu.memory_space<vmem>> -> memref<64xi32, #tpu.memory_space<vmem>>
      %dma_wait3A_137 = arith.constant 0 : i32
      %dma_wait3A_138 = arith.constant 0 : i32
      %dma_wait3A_139 = tpu.memref_slice %arg17[%dma_wait3A_137, %dma_wait3A_138] : memref<10000x128xf32, #tpu.memory_space<vmem_shared>> -> memref<10000x128xf32, #tpu.memory_space<vmem_shared>>
      %dma_wait3A_140 = tpu.memref_slice %arg20[%dma_wait3A_133] : memref<4x!tpu.dma_semaphore, #tpu.memory_space<semaphore_mem>> -> memref<1x!tpu.dma_semaphore, #tpu.memory_space<semaphore_mem>>
      %dma_wait3A_141 = tpu.memref_squeeze %dma_wait3A_140 : memref<1x!tpu.dma_semaphore, #tpu.memory_space<semaphore_mem>> -> memref<!tpu.dma_semaphore, #tpu.memory_space<semaphore_mem>>
      tpu.wait_indirect_dma semaphore(%dma_wait3A_141 : memref<!tpu.dma_semaphore, #tpu.memory_space<semaphore_mem>>) src(%arg11 : memref<64x128xf32, #tpu.memory_space<vmem>>) dst(%dma_wait3A_139 : memref<10000x128xf32, #tpu.memory_space<vmem_shared>>)
      %dma_wait3A_142 = arith.constant 37 : i32
      %dma_wait3A_143 = arith.constant 1 : i32
      %dma_wait3A_144 = arith.constant 0 : i32
      %dma_wait3A_145 = tpu.memref_slice %arg9[%select_n3A_132, %dma_wait3A_142, %dma_wait3A_144] : memref<2x40x64xi32, #tpu.memory_space<vmem>> -> memref<1x1x64xi32, #tpu.memory_space<vmem>>
      %dma_wait3A_146 = tpu.memref_squeeze %dma_wait3A_145 : memref<1x1x64xi32, #tpu.memory_space<vmem>> -> memref<64xi32, #tpu.memory_space<vmem>>
      %dma_wait3A_147 = arith.constant 0 : i32
      %dma_wait3A_148 = arith.constant 0 : i32
      %dma_wait3A_149 = tpu.memref_slice %arg17[%dma_wait3A_147, %dma_wait3A_148] : memref<10000x128xf32, #tpu.memory_space<vmem_shared>> -> memref<10000x128xf32, #tpu.memory_space<vmem_shared>>
      %dma_wait3A_150 = tpu.memref_slice %arg20[%dma_wait3A_143] : memref<4x!tpu.dma_semaphore, #tpu.memory_space<semaphore_mem>> -> memref<1x!tpu.dma_semaphore, #tpu.memory_space<semaphore_mem>>
      %dma_wait3A_151 = tpu.memref_squeeze %dma_wait3A_150 : memref<1x!tpu.dma_semaphore, #tpu.memory_space<semaphore_mem>> -> memref<!tpu.dma_semaphore, #tpu.memory_space<semaphore_mem>>
      tpu.wait_indirect_dma semaphore(%dma_wait3A_151 : memref<!tpu.dma_semaphore, #tpu.memory_space<semaphore_mem>>) src(%arg12 : memref<64x128xf32, #tpu.memory_space<vmem>>) dst(%dma_wait3A_149 : memref<10000x128xf32, #tpu.memory_space<vmem_shared>>)
      %dma_wait3A_152 = arith.constant 38 : i32
      %dma_wait3A_153 = arith.constant 2 : i32
      %dma_wait3A_154 = arith.constant 0 : i32
      %dma_wait3A_155 = tpu.memref_slice %arg9[%select_n3A_132, %dma_wait3A_152, %dma_wait3A_154] : memref<2x40x64xi32, #tpu.memory_space<vmem>> -> memref<1x1x64xi32, #tpu.memory_space<vmem>>
      %dma_wait3A_156 = tpu.memref_squeeze %dma_wait3A_155 : memref<1x1x64xi32, #tpu.memory_space<vmem>> -> memref<64xi32, #tpu.memory_space<vmem>>
      %dma_wait3A_157 = arith.constant 0 : i32
      %dma_wait3A_158 = arith.constant 0 : i32
      %dma_wait3A_159 = tpu.memref_slice %arg17[%dma_wait3A_157, %dma_wait3A_158] : memref<10000x128xf32, #tpu.memory_space<vmem_shared>> -> memref<10000x128xf32, #tpu.memory_space<vmem_shared>>
      %dma_wait3A_160 = tpu.memref_slice %arg20[%dma_wait3A_153] : memref<4x!tpu.dma_semaphore, #tpu.memory_space<semaphore_mem>> -> memref<1x!tpu.dma_semaphore, #tpu.memory_space<semaphore_mem>>
      %dma_wait3A_161 = tpu.memref_squeeze %dma_wait3A_160 : memref<1x!tpu.dma_semaphore, #tpu.memory_space<semaphore_mem>> -> memref<!tpu.dma_semaphore, #tpu.memory_space<semaphore_mem>>
      tpu.wait_indirect_dma semaphore(%dma_wait3A_161 : memref<!tpu.dma_semaphore, #tpu.memory_space<semaphore_mem>>) src(%arg13 : memref<64x128xf32, #tpu.memory_space<vmem>>) dst(%dma_wait3A_159 : memref<10000x128xf32, #tpu.memory_space<vmem_shared>>)
      %dma_wait3A_162 = arith.constant 39 : i32
      %dma_wait3A_163 = arith.constant 3 : i32
      %dma_wait3A_164 = arith.constant 0 : i32
      %dma_wait3A_165 = tpu.memref_slice %arg9[%select_n3A_132, %dma_wait3A_162, %dma_wait3A_164] : memref<2x40x64xi32, #tpu.memory_space<vmem>> -> memref<1x1x64xi32, #tpu.memory_space<vmem>>
      %dma_wait3A_166 = tpu.memref_squeeze %dma_wait3A_165 : memref<1x1x64xi32, #tpu.memory_space<vmem>> -> memref<64xi32, #tpu.memory_space<vmem>>
      %dma_wait3A_167 = arith.constant 0 : i32
      %dma_wait3A_168 = arith.constant 0 : i32
      %dma_wait3A_169 = tpu.memref_slice %arg17[%dma_wait3A_167, %dma_wait3A_168] : memref<10000x128xf32, #tpu.memory_space<vmem_shared>> -> memref<10000x128xf32, #tpu.memory_space<vmem_shared>>
      %dma_wait3A_170 = tpu.memref_slice %arg20[%dma_wait3A_163] : memref<4x!tpu.dma_semaphore, #tpu.memory_space<semaphore_mem>> -> memref<1x!tpu.dma_semaphore, #tpu.memory_space<semaphore_mem>>
      %dma_wait3A_171 = tpu.memref_squeeze %dma_wait3A_170 : memref<1x!tpu.dma_semaphore, #tpu.memory_space<semaphore_mem>> -> memref<!tpu.dma_semaphore, #tpu.memory_space<semaphore_mem>>
      tpu.wait_indirect_dma semaphore(%dma_wait3A_171 : memref<!tpu.dma_semaphore, #tpu.memory_space<semaphore_mem>>) src(%arg14 : memref<64x128xf32, #tpu.memory_space<vmem>>) dst(%dma_wait3A_169 : memref<10000x128xf32, #tpu.memory_space<vmem_shared>>)
      %scan3A_172 = arith.constant 0 : i32
      %scan3A_173 = arith.constant 0 : i32
      %scan3A_174 = arith.constant 40 : i32
      %scan3A_175 = arith.addi %scan3A_173, %scan3A_174 : i32
      %scan3A_176 = arith.constant 1 : i32
      %scan3A_177 = scf.for %scan3A_179 = %scan3A_173 to %scan3A_175 step %scan3A_176 iter_args(%scan3A_180 = %scan3A_172) -> (i32)  : i32 {
        %dma_wait3A_181 = arith.constant 0 : i32
        %dma_wait3A_182 = arith.constant 0 : i32
        %dma_wait3A_183 = tpu.memref_slice %arg18[%dma_wait3A_181, %dma_wait3A_182] : memref<10000x8xf32, #tpu.memory_space<vmem_shared>> -> memref<64x8xf32, #tpu.memory_space<vmem_shared>>
        %dma_wait3A_184 = arith.constant 0 : i32
        %dma_wait3A_185 = arith.constant 0 : i32
        %dma_wait3A_186 = tpu.memref_slice %arg18[%dma_wait3A_184, %dma_wait3A_185] : memref<10000x8xf32, #tpu.memory_space<vmem_shared>> -> memref<64x8xf32, #tpu.memory_space<vmem_shared>>
        tpu.wait_dma2 semaphore(%arg21 : memref<!tpu.dma_semaphore, #tpu.memory_space<semaphore_mem>>) src(%arg16 : memref<64x8xf32, #tpu.memory_space<vmem>>) dst(%dma_wait3A_186 : memref<64x8xf32, #tpu.memory_space<vmem_shared>>)
        %scan3A_187 = arith.constant 0 : i32
        scf.yield %scan3A_187 : i32
      }
      %scan3A_178 = arith.constant 40 : i32
    } else {
    }
    %barrier3A_44 = arith.constant 0 : index
    tpu.barrier barrier_id(%barrier3A_44)
    %eq3A_45 = arith.constant 0 : i32
    %eq3A_46 = arith.cmpi eq, %arg0, %eq3A_45 : i32
    %not3A = arith.constant true
    %not3A_47 = arith.xori %eq3A_0, %not3A : i1
    %and3A = arith.andi %eq3A_46, %not3A_47 : i1
    %convert_element_type3A_48 = arith.extui %and3A : i1 to i32
    %cond3A_49 = arith.constant 0 : i32
    %cond3A_50 = arith.cmpi ne, %convert_element_type3A_48, %cond3A_49 : i32
    scf.if %cond3A_50 {
      "tpu.region"() ({
        %run_scoped3A = tpu.sem_alloc : memref<!tpu.dma_semaphore, #tpu.memory_space<semaphore_mem>>
        %dma_start3A = arith.constant 0 : i32
        %dma_start3A_71 = tpu.memref_slice %arg6[%mul3A_17, %dma_start3A] : memref<10000x128xf32, #tpu.memory_space<hbm>> -> memref<640x128xf32, #tpu.memory_space<hbm>>
        %dma_start3A_72 = arith.constant 0 : i32
        %dma_start3A_73 = tpu.memref_slice %arg17[%mul3A_17, %dma_start3A_72] : memref<10000x128xf32, #tpu.memory_space<vmem_shared>> -> memref<640x128xf32, #tpu.memory_space<vmem_shared>>
        tpu.enqueue_dma source(%dma_start3A_73 : memref<640x128xf32, #tpu.memory_space<vmem_shared>>) target(%dma_start3A_71 : memref<640x128xf32, #tpu.memory_space<hbm>>) target_semaphore(%run_scoped3A : memref<!tpu.dma_semaphore, #tpu.memory_space<semaphore_mem>>)
        %dma_wait3A = arith.constant 0 : i32
        %dma_wait3A_74 = tpu.memref_slice %arg6[%mul3A_17, %dma_wait3A] : memref<10000x128xf32, #tpu.memory_space<hbm>> -> memref<640x128xf32, #tpu.memory_space<hbm>>
        %dma_wait3A_75 = arith.constant 0 : i32
        %dma_wait3A_76 = tpu.memref_slice %arg17[%mul3A_17, %dma_wait3A_75] : memref<10000x128xf32, #tpu.memory_space<vmem_shared>> -> memref<640x128xf32, #tpu.memory_space<vmem_shared>>
        tpu.wait_dma2 semaphore(%run_scoped3A : memref<!tpu.dma_semaphore, #tpu.memory_space<semaphore_mem>>) src(%dma_wait3A_76 : memref<640x128xf32, #tpu.memory_space<vmem_shared>>) dst(%dma_wait3A_74 : memref<640x128xf32, #tpu.memory_space<hbm>>)
        tpu.yield
      }) : () -> ()
    } else {
    }
    %eq3A_51 = arith.constant 0 : i32
    %eq3A_52 = arith.cmpi eq, %arg0, %eq3A_51 : i32
    %and3A_53 = arith.andi %eq3A_52, %eq3A_0 : i1
    %convert_element_type3A_54 = arith.extui %and3A_53 : i1 to i32
    %cond3A_55 = arith.constant 0 : i32
    %cond3A_56 = arith.cmpi ne, %convert_element_type3A_54, %cond3A_55 : i32
    scf.if %cond3A_56 {
      "tpu.region"() ({
        %run_scoped3A = tpu.sem_alloc : memref<!tpu.dma_semaphore, #tpu.memory_space<semaphore_mem>>
        %dma_start3A = arith.constant 0 : i32
        %dma_start3A_71 = tpu.memref_slice %arg6[%mul3A_17, %dma_start3A] : memref<10000x128xf32, #tpu.memory_space<hbm>> -> memref<400x128xf32, #tpu.memory_space<hbm>>
        %dma_start3A_72 = arith.constant 0 : i32
        %dma_start3A_73 = tpu.memref_slice %arg17[%mul3A_17, %dma_start3A_72] : memref<10000x128xf32, #tpu.memory_space<vmem_shared>> -> memref<400x128xf32, #tpu.memory_space<vmem_shared>>
        tpu.enqueue_dma source(%dma_start3A_73 : memref<400x128xf32, #tpu.memory_space<vmem_shared>>) target(%dma_start3A_71 : memref<400x128xf32, #tpu.memory_space<hbm>>) target_semaphore(%run_scoped3A : memref<!tpu.dma_semaphore, #tpu.memory_space<semaphore_mem>>)
        %dma_wait3A = arith.constant 0 : i32
        %dma_wait3A_74 = tpu.memref_slice %arg6[%mul3A_17, %dma_wait3A] : memref<10000x128xf32, #tpu.memory_space<hbm>> -> memref<400x128xf32, #tpu.memory_space<hbm>>
        %dma_wait3A_75 = arith.constant 0 : i32
        %dma_wait3A_76 = tpu.memref_slice %arg17[%mul3A_17, %dma_wait3A_75] : memref<10000x128xf32, #tpu.memory_space<vmem_shared>> -> memref<400x128xf32, #tpu.memory_space<vmem_shared>>
        tpu.wait_dma2 semaphore(%run_scoped3A : memref<!tpu.dma_semaphore, #tpu.memory_space<semaphore_mem>>) src(%dma_wait3A_76 : memref<400x128xf32, #tpu.memory_space<vmem_shared>>) dst(%dma_wait3A_74 : memref<400x128xf32, #tpu.memory_space<hbm>>)
        tpu.yield
      }) : () -> ()
    } else {
    }
    %eq3A_57 = arith.constant 1 : i32
    %eq3A_58 = arith.cmpi eq, %arg0, %eq3A_57 : i32
    %not3A_59 = arith.constant true
    %not3A_60 = arith.xori %eq3A_0, %not3A_59 : i1
    %and3A_61 = arith.andi %eq3A_58, %not3A_60 : i1
    %convert_element_type3A_62 = arith.extui %and3A_61 : i1 to i32
    %cond3A_63 = arith.constant 0 : i32
    %cond3A_64 = arith.cmpi ne, %convert_element_type3A_62, %cond3A_63 : i32
    scf.if %cond3A_64 {
      "tpu.region"() ({
        %run_scoped3A = tpu.sem_alloc : memref<!tpu.dma_semaphore, #tpu.memory_space<semaphore_mem>>
        %dma_start3A = arith.constant 0 : i32
        %dma_start3A_71 = tpu.memref_slice %arg7[%mul3A_17, %dma_start3A] : memref<10000x128xf32, #tpu.memory_space<hbm>> -> memref<640x128xf32, #tpu.memory_space<hbm>>
        %dma_start3A_72 = arith.constant 0 : i32
        %dma_start3A_73 = tpu.memref_slice %arg17[%mul3A_17, %dma_start3A_72] : memref<10000x128xf32, #tpu.memory_space<vmem_shared>> -> memref<640x128xf32, #tpu.memory_space<vmem_shared>>
        tpu.enqueue_dma source(%dma_start3A_73 : memref<640x128xf32, #tpu.memory_space<vmem_shared>>) target(%dma_start3A_71 : memref<640x128xf32, #tpu.memory_space<hbm>>) target_semaphore(%run_scoped3A : memref<!tpu.dma_semaphore, #tpu.memory_space<semaphore_mem>>)
        %dma_wait3A = arith.constant 0 : i32
        %dma_wait3A_74 = tpu.memref_slice %arg7[%mul3A_17, %dma_wait3A] : memref<10000x128xf32, #tpu.memory_space<hbm>> -> memref<640x128xf32, #tpu.memory_space<hbm>>
        %dma_wait3A_75 = arith.constant 0 : i32
        %dma_wait3A_76 = tpu.memref_slice %arg17[%mul3A_17, %dma_wait3A_75] : memref<10000x128xf32, #tpu.memory_space<vmem_shared>> -> memref<640x128xf32, #tpu.memory_space<vmem_shared>>
        tpu.wait_dma2 semaphore(%run_scoped3A : memref<!tpu.dma_semaphore, #tpu.memory_space<semaphore_mem>>) src(%dma_wait3A_76 : memref<640x128xf32, #tpu.memory_space<vmem_shared>>) dst(%dma_wait3A_74 : memref<640x128xf32, #tpu.memory_space<hbm>>)
        tpu.yield
      }) : () -> ()
      "tpu.region"() ({
        %run_scoped3A = tpu.sem_alloc : memref<!tpu.dma_semaphore, #tpu.memory_space<semaphore_mem>>
        %dma_start3A = arith.constant 0 : i32
        %dma_start3A_71 = tpu.memref_slice %arg8[%mul3A_17, %dma_start3A] : memref<10000x8xf32, #tpu.memory_space<hbm>> -> memref<640x8xf32, #tpu.memory_space<hbm>>
        %dma_start3A_72 = arith.constant 0 : i32
        %dma_start3A_73 = tpu.memref_slice %arg18[%mul3A_17, %dma_start3A_72] : memref<10000x8xf32, #tpu.memory_space<vmem_shared>> -> memref<640x8xf32, #tpu.memory_space<vmem_shared>>
        tpu.enqueue_dma source(%dma_start3A_73 : memref<640x8xf32, #tpu.memory_space<vmem_shared>>) target(%dma_start3A_71 : memref<640x8xf32, #tpu.memory_space<hbm>>) target_semaphore(%run_scoped3A : memref<!tpu.dma_semaphore, #tpu.memory_space<semaphore_mem>>)
        %dma_wait3A = arith.constant 0 : i32
        %dma_wait3A_74 = tpu.memref_slice %arg8[%mul3A_17, %dma_wait3A] : memref<10000x8xf32, #tpu.memory_space<hbm>> -> memref<640x8xf32, #tpu.memory_space<hbm>>
        %dma_wait3A_75 = arith.constant 0 : i32
        %dma_wait3A_76 = tpu.memref_slice %arg18[%mul3A_17, %dma_wait3A_75] : memref<10000x8xf32, #tpu.memory_space<vmem_shared>> -> memref<640x8xf32, #tpu.memory_space<vmem_shared>>
        tpu.wait_dma2 semaphore(%run_scoped3A : memref<!tpu.dma_semaphore, #tpu.memory_space<semaphore_mem>>) src(%dma_wait3A_76 : memref<640x8xf32, #tpu.memory_space<vmem_shared>>) dst(%dma_wait3A_74 : memref<640x8xf32, #tpu.memory_space<hbm>>)
        tpu.yield
      }) : () -> ()
    } else {
    }
    %eq3A_65 = arith.constant 1 : i32
    %eq3A_66 = arith.cmpi eq, %arg0, %eq3A_65 : i32
    %and3A_67 = arith.andi %eq3A_66, %eq3A_0 : i1
    %convert_element_type3A_68 = arith.extui %and3A_67 : i1 to i32
    %cond3A_69 = arith.constant 0 : i32
    %cond3A_70 = arith.cmpi ne, %convert_element_type3A_68, %cond3A_69 : i32
    scf.if %cond3A_70 {
      "tpu.region"() ({
        %run_scoped3A = tpu.sem_alloc : memref<!tpu.dma_semaphore, #tpu.memory_space<semaphore_mem>>
        %dma_start3A = arith.constant 0 : i32
        %dma_start3A_71 = tpu.memref_slice %arg7[%mul3A_17, %dma_start3A] : memref<10000x128xf32, #tpu.memory_space<hbm>> -> memref<400x128xf32, #tpu.memory_space<hbm>>
        %dma_start3A_72 = arith.constant 0 : i32
        %dma_start3A_73 = tpu.memref_slice %arg17[%mul3A_17, %dma_start3A_72] : memref<10000x128xf32, #tpu.memory_space<vmem_shared>> -> memref<400x128xf32, #tpu.memory_space<vmem_shared>>
        tpu.enqueue_dma source(%dma_start3A_73 : memref<400x128xf32, #tpu.memory_space<vmem_shared>>) target(%dma_start3A_71 : memref<400x128xf32, #tpu.memory_space<hbm>>) target_semaphore(%run_scoped3A : memref<!tpu.dma_semaphore, #tpu.memory_space<semaphore_mem>>)
        %dma_wait3A = arith.constant 0 : i32
        %dma_wait3A_74 = tpu.memref_slice %arg7[%mul3A_17, %dma_wait3A] : memref<10000x128xf32, #tpu.memory_space<hbm>> -> memref<400x128xf32, #tpu.memory_space<hbm>>
        %dma_wait3A_75 = arith.constant 0 : i32
        %dma_wait3A_76 = tpu.memref_slice %arg17[%mul3A_17, %dma_wait3A_75] : memref<10000x128xf32, #tpu.memory_space<vmem_shared>> -> memref<400x128xf32, #tpu.memory_space<vmem_shared>>
        tpu.wait_dma2 semaphore(%run_scoped3A : memref<!tpu.dma_semaphore, #tpu.memory_space<semaphore_mem>>) src(%dma_wait3A_76 : memref<400x128xf32, #tpu.memory_space<vmem_shared>>) dst(%dma_wait3A_74 : memref<400x128xf32, #tpu.memory_space<hbm>>)
        tpu.yield
      }) : () -> ()
      "tpu.region"() ({
        %run_scoped3A = tpu.sem_alloc : memref<!tpu.dma_semaphore, #tpu.memory_space<semaphore_mem>>
        %dma_start3A = arith.constant 0 : i32
        %dma_start3A_71 = tpu.memref_slice %arg8[%mul3A_17, %dma_start3A] : memref<10000x8xf32, #tpu.memory_space<hbm>> -> memref<400x8xf32, #tpu.memory_space<hbm>>
        %dma_start3A_72 = arith.constant 0 : i32
        %dma_start3A_73 = tpu.memref_slice %arg18[%mul3A_17, %dma_start3A_72] : memref<10000x8xf32, #tpu.memory_space<vmem_shared>> -> memref<400x8xf32, #tpu.memory_space<vmem_shared>>
        tpu.enqueue_dma source(%dma_start3A_73 : memref<400x8xf32, #tpu.memory_space<vmem_shared>>) target(%dma_start3A_71 : memref<400x8xf32, #tpu.memory_space<hbm>>) target_semaphore(%run_scoped3A : memref<!tpu.dma_semaphore, #tpu.memory_space<semaphore_mem>>)
        %dma_wait3A = arith.constant 0 : i32
        %dma_wait3A_74 = tpu.memref_slice %arg8[%mul3A_17, %dma_wait3A] : memref<10000x8xf32, #tpu.memory_space<hbm>> -> memref<400x8xf32, #tpu.memory_space<hbm>>
        %dma_wait3A_75 = arith.constant 0 : i32
        %dma_wait3A_76 = tpu.memref_slice %arg18[%mul3A_17, %dma_wait3A_75] : memref<10000x8xf32, #tpu.memory_space<vmem_shared>> -> memref<400x8xf32, #tpu.memory_space<vmem_shared>>
        tpu.wait_dma2 semaphore(%run_scoped3A : memref<!tpu.dma_semaphore, #tpu.memory_space<semaphore_mem>>) src(%dma_wait3A_76 : memref<400x8xf32, #tpu.memory_space<vmem_shared>>) dst(%dma_wait3A_74 : memref<400x8xf32, #tpu.memory_space<hbm>>)
        tpu.yield
      }) : () -> ()
    } else {
    }
    return
  }
}

module attributes {stable_mosaic.version = 14 : i64} {
  func.func @_epi_body(%arg0: i32, %arg1: memref<1x1xf32, #tpu.memory_space<smem>>, %arg2: memref<2000x128xf32, #tpu.memory_space<vmem>>, %arg3: memref<2000x128xf32, #tpu.memory_space<vmem>>, %arg4: memref<2000x8xf32, #tpu.memory_space<vmem>>, %arg5: memref<2000x128xf32, #tpu.memory_space<vmem>>, %arg6: memref<6x128x128xf32, #tpu.memory_space<vmem>>, %arg7: memref<128x128xf32, #tpu.memory_space<vmem>>, %arg8: memref<1x128xf32, #tpu.memory_space<vmem>>, %arg9: memref<2000x128xf32, #tpu.memory_space<vmem>>) attributes {dimension_semantics = [#tpu.dimension_semantics<arbitrary>], iteration_bounds = array<i64: 5>, scalar_prefetch = 0 : i64, scratch_operands = 0 : i64, tpu.core_type = #tpu.core_type<tc>, window_params = [{transform_indices = @transform_0, window_bounds = array<i64: 1, 1>}, {transform_indices = @transform_1, window_bounds = array<i64: 2000, 128>}, {transform_indices = @transform_2, window_bounds = array<i64: 2000, 128>}, {transform_indices = @transform_3, window_bounds = array<i64: 2000, 8>}, {transform_indices = @transform_4, window_bounds = array<i64: 2000, 128>}, {pipeline_mode = #tpu.pipeline_mode<synchronous>, transform_indices = @transform_5, window_bounds = array<i64: 6, 128, 128>}, {pipeline_mode = #tpu.pipeline_mode<synchronous>, transform_indices = @transform_6, window_bounds = array<i64: 128, 128>}, {pipeline_mode = #tpu.pipeline_mode<synchronous>, transform_indices = @transform_7, window_bounds = array<i64: 1, 128>}, {transform_indices = @transform_8, window_bounds = array<i64: 2000, 128>}]} {
    %get3A = arith.constant 0 : index
    %get3A_0 = arith.constant 0 : index
    %get3A_1 = memref.load %arg1[%get3A, %get3A_0] : memref<1x1xf32, #tpu.memory_space<smem>>
    %get3A_2 = arith.constant 0 : index
    %get3A_3 = arith.constant 0 : index
    %get3A_4 = vector.load %arg2[%get3A_2, %get3A_3] : memref<2000x128xf32, #tpu.memory_space<vmem>>, vector<2000x128xf32>
    %get3A_5 = arith.constant 0 : index
    %get3A_6 = arith.constant 0 : index
    %get3A_7 = vector.load %arg3[%get3A_5, %get3A_6] : memref<2000x128xf32, #tpu.memory_space<vmem>>, vector<2000x128xf32>
    %get3A_8 = arith.constant 0 : index
    %get3A_9 = arith.constant 0 : index
    %get3A_10 = vector.load %arg5[%get3A_8, %get3A_9] : memref<2000x128xf32, #tpu.memory_space<vmem>>, vector<2000x128xf32>
    %mul3A = arith.mulf %get3A_4, %get3A_4 : vector<2000x128xf32>
    %sub3A = arith.subf %get3A_7, %mul3A : vector<2000x128xf32>
    %max3A = arith.constant 0.000000e+00 : f32
    %max3A_11 = vector.broadcast %max3A : f32 to vector<2000x128xf32>
    %max3A_12 = arith.maximumf %sub3A, %max3A_11 : vector<2000x128xf32>
    %add3A = arith.constant 1.000000e-07 : f32
    %add3A_13 = vector.broadcast %add3A : f32 to vector<2000x128xf32>
    %add3A_14 = arith.addf %max3A_12, %add3A_13 : vector<2000x128xf32>
    %sqrt3A = math.sqrt %add3A_14 : vector<2000x128xf32>
    %get3A_15 = arith.constant 0 : index
    %get3A_16 = arith.constant 0 : index
    %get3A_17 = vector.load %arg4[%get3A_15, %get3A_16] : memref<2000x8xf32, #tpu.memory_space<vmem>>, vector<2000x1xf32>
    %add3A_18 = arith.constant 1.000000e+00 : f32
    %add3A_19 = vector.broadcast %add3A_18 : f32 to vector<2000x1xf32>
    %add3A_20 = arith.addf %get3A_17, %add3A_19 : vector<2000x1xf32>
    %log3A = math.log %add3A_20 : vector<2000x1xf32>
    %div3A = vector.broadcast %get3A_1 : f32 to vector<2000x1xf32>
    %div3A_21 = arith.divf %log3A, %div3A : vector<2000x1xf32>
    %add3A_22 = arith.constant 1.000000e-07 : f32
    %add3A_23 = vector.broadcast %add3A_22 : f32 to vector<2000x1xf32>
    %add3A_24 = arith.addf %log3A, %add3A_23 : vector<2000x1xf32>
    %div3A_25 = vector.broadcast %get3A_1 : f32 to vector<2000x1xf32>
    %div3A_26 = arith.divf %div3A_25, %add3A_24 : vector<2000x1xf32>
    %get3A_27 = arith.constant 0 : index
    %get3A_28 = arith.constant 0 : index
    %get3A_29 = arith.constant 0 : index
    %get3A_30 = vector.load %arg6[%get3A_27, %get3A_28, %get3A_29] : memref<6x128x128xf32, #tpu.memory_space<vmem>>, vector<1x128x128xf32>
    %get3A_31 = vector.shape_cast %get3A_30 : vector<1x128x128xf32> to vector<128x128xf32>
    %convert_element_type3A = arith.truncf %get3A_4 : vector<2000x128xf32> to vector<2000x128xbf16>
    %convert_element_type3A_32 = arith.truncf %get3A_31 : vector<128x128xf32> to vector<128x128xbf16>
    %dot_general3A = arith.constant dense<0.000000e+00> : vector<2000x128xf32>
    %dot_general3A_33 = tpu.matmul %convert_element_type3A, %convert_element_type3A_32, %dot_general3A {dimension_numbers = #tpu.dot_dimension_numbers<[1], [1], [0], [0], [0, 0, 1, 0], [], []>, transpose_lhs_hint = false} : vector<2000x128xbf16>, vector<128x128xbf16>, vector<2000x128xf32> -> vector<2000x128xf32>
    %get3A_34 = arith.constant 3 : index
    %get3A_35 = arith.constant 0 : index
    %get3A_36 = arith.constant 0 : index
    %get3A_37 = vector.load %arg6[%get3A_34, %get3A_35, %get3A_36] : memref<6x128x128xf32, #tpu.memory_space<vmem>>, vector<1x128x128xf32>
    %get3A_38 = vector.shape_cast %get3A_37 : vector<1x128x128xf32> to vector<128x128xf32>
    %convert_element_type3A_39 = arith.truncf %sqrt3A : vector<2000x128xf32> to vector<2000x128xbf16>
    %convert_element_type3A_40 = arith.truncf %get3A_38 : vector<128x128xf32> to vector<128x128xbf16>
    %dot_general3A_41 = arith.constant dense<0.000000e+00> : vector<2000x128xf32>
    %dot_general3A_42 = tpu.matmul %convert_element_type3A_39, %convert_element_type3A_40, %dot_general3A_41 {dimension_numbers = #tpu.dot_dimension_numbers<[1], [1], [0], [0], [0, 0, 1, 0], [], []>, transpose_lhs_hint = false} : vector<2000x128xbf16>, vector<128x128xbf16>, vector<2000x128xf32> -> vector<2000x128xf32>
    %add3A_43 = arith.addf %dot_general3A_33, %dot_general3A_42 : vector<2000x128xf32>
    %get3A_44 = arith.constant 0 : index
    %get3A_45 = arith.constant 0 : index
    %get3A_46 = vector.load %arg7[%get3A_44, %get3A_45] : memref<128x128xf32, #tpu.memory_space<vmem>>, vector<128x128xf32>
    %convert_element_type3A_47 = arith.truncf %get3A_10 : vector<2000x128xf32> to vector<2000x128xbf16>
    %convert_element_type3A_48 = arith.truncf %get3A_46 : vector<128x128xf32> to vector<128x128xbf16>
    %dot_general3A_49 = arith.constant dense<0.000000e+00> : vector<2000x128xf32>
    %dot_general3A_50 = tpu.matmul %convert_element_type3A_47, %convert_element_type3A_48, %dot_general3A_49 {dimension_numbers = #tpu.dot_dimension_numbers<[1], [1], [0], [0], [0, 0, 1, 0], [], []>, transpose_lhs_hint = false} : vector<2000x128xbf16>, vector<128x128xbf16>, vector<2000x128xf32> -> vector<2000x128xf32>
    %add3A_51 = arith.addf %add3A_43, %dot_general3A_50 : vector<2000x128xf32>
    %get3A_52 = arith.constant 1 : index
    %get3A_53 = arith.constant 0 : index
    %get3A_54 = arith.constant 0 : index
    %get3A_55 = vector.load %arg6[%get3A_52, %get3A_53, %get3A_54] : memref<6x128x128xf32, #tpu.memory_space<vmem>>, vector<1x128x128xf32>
    %get3A_56 = vector.shape_cast %get3A_55 : vector<1x128x128xf32> to vector<128x128xf32>
    %convert_element_type3A_57 = arith.truncf %get3A_4 : vector<2000x128xf32> to vector<2000x128xbf16>
    %convert_element_type3A_58 = arith.truncf %get3A_56 : vector<128x128xf32> to vector<128x128xbf16>
    %dot_general3A_59 = arith.constant dense<0.000000e+00> : vector<2000x128xf32>
    %dot_general3A_60 = tpu.matmul %convert_element_type3A_57, %convert_element_type3A_58, %dot_general3A_59 {dimension_numbers = #tpu.dot_dimension_numbers<[1], [1], [0], [0], [0, 0, 1, 0], [], []>, transpose_lhs_hint = false} : vector<2000x128xbf16>, vector<128x128xbf16>, vector<2000x128xf32> -> vector<2000x128xf32>
    %get3A_61 = arith.constant 4 : index
    %get3A_62 = arith.constant 0 : index
    %get3A_63 = arith.constant 0 : index
    %get3A_64 = vector.load %arg6[%get3A_61, %get3A_62, %get3A_63] : memref<6x128x128xf32, #tpu.memory_space<vmem>>, vector<1x128x128xf32>
    %get3A_65 = vector.shape_cast %get3A_64 : vector<1x128x128xf32> to vector<128x128xf32>
    %convert_element_type3A_66 = arith.truncf %sqrt3A : vector<2000x128xf32> to vector<2000x128xbf16>
    %convert_element_type3A_67 = arith.truncf %get3A_65 : vector<128x128xf32> to vector<128x128xbf16>
    %dot_general3A_68 = arith.constant dense<0.000000e+00> : vector<2000x128xf32>
    %dot_general3A_69 = tpu.matmul %convert_element_type3A_66, %convert_element_type3A_67, %dot_general3A_68 {dimension_numbers = #tpu.dot_dimension_numbers<[1], [1], [0], [0], [0, 0, 1, 0], [], []>, transpose_lhs_hint = false} : vector<2000x128xbf16>, vector<128x128xbf16>, vector<2000x128xf32> -> vector<2000x128xf32>
    %add3A_70 = arith.addf %dot_general3A_60, %dot_general3A_69 : vector<2000x128xf32>
    %get3A_71 = arith.constant 2 : index
    %get3A_72 = arith.constant 0 : index
    %get3A_73 = arith.constant 0 : index
    %get3A_74 = vector.load %arg6[%get3A_71, %get3A_72, %get3A_73] : memref<6x128x128xf32, #tpu.memory_space<vmem>>, vector<1x128x128xf32>
    %get3A_75 = vector.shape_cast %get3A_74 : vector<1x128x128xf32> to vector<128x128xf32>
    %convert_element_type3A_76 = arith.truncf %get3A_4 : vector<2000x128xf32> to vector<2000x128xbf16>
    %convert_element_type3A_77 = arith.truncf %get3A_75 : vector<128x128xf32> to vector<128x128xbf16>
    %dot_general3A_78 = arith.constant dense<0.000000e+00> : vector<2000x128xf32>
    %dot_general3A_79 = tpu.matmul %convert_element_type3A_76, %convert_element_type3A_77, %dot_general3A_78 {dimension_numbers = #tpu.dot_dimension_numbers<[1], [1], [0], [0], [0, 0, 1, 0], [], []>, transpose_lhs_hint = false} : vector<2000x128xbf16>, vector<128x128xbf16>, vector<2000x128xf32> -> vector<2000x128xf32>
    %get3A_80 = arith.constant 5 : index
    %get3A_81 = arith.constant 0 : index
    %get3A_82 = arith.constant 0 : index
    %get3A_83 = vector.load %arg6[%get3A_80, %get3A_81, %get3A_82] : memref<6x128x128xf32, #tpu.memory_space<vmem>>, vector<1x128x128xf32>
    %get3A_84 = vector.shape_cast %get3A_83 : vector<1x128x128xf32> to vector<128x128xf32>
    %convert_element_type3A_85 = arith.truncf %sqrt3A : vector<2000x128xf32> to vector<2000x128xbf16>
    %convert_element_type3A_86 = arith.truncf %get3A_84 : vector<128x128xf32> to vector<128x128xbf16>
    %dot_general3A_87 = arith.constant dense<0.000000e+00> : vector<2000x128xf32>
    %dot_general3A_88 = tpu.matmul %convert_element_type3A_85, %convert_element_type3A_86, %dot_general3A_87 {dimension_numbers = #tpu.dot_dimension_numbers<[1], [1], [0], [0], [0, 0, 1, 0], [], []>, transpose_lhs_hint = false} : vector<2000x128xbf16>, vector<128x128xbf16>, vector<2000x128xf32> -> vector<2000x128xf32>
    %add3A_89 = arith.addf %dot_general3A_79, %dot_general3A_88 : vector<2000x128xf32>
    %mul3A_90 = vector.broadcast %div3A_21 : vector<2000x1xf32> to vector<2000x128xf32>
    %mul3A_91 = arith.mulf %mul3A_90, %add3A_70 : vector<2000x128xf32>
    %add3A_92 = arith.addf %add3A_51, %mul3A_91 : vector<2000x128xf32>
    %mul3A_93 = vector.broadcast %div3A_26 : vector<2000x1xf32> to vector<2000x128xf32>
    %mul3A_94 = arith.mulf %mul3A_93, %add3A_89 : vector<2000x128xf32>
    %add3A_95 = arith.addf %add3A_92, %mul3A_94 : vector<2000x128xf32>
    %get3A_96 = arith.constant 0 : index
    %get3A_97 = arith.constant 0 : index
    %get3A_98 = vector.load %arg8[%get3A_96, %get3A_97] : memref<1x128xf32, #tpu.memory_space<vmem>>, vector<1x128xf32>
    %add3A_99 = vector.broadcast %get3A_98 : vector<1x128xf32> to vector<2000x128xf32>
    %add3A_100 = arith.addf %add3A_95, %add3A_99 : vector<2000x128xf32>
    %swap3A = arith.constant 0 : index
    %swap3A_101 = arith.constant 0 : index
    %swap3A_102 = vector.load %arg9[%swap3A, %swap3A_101] : memref<2000x128xf32, #tpu.memory_space<vmem>>, vector<2000x128xf32>
    tpu.vector_store %arg9[%swap3A, %swap3A_101], %add3A_100 {strides = array<i32>} : memref<2000x128xf32, #tpu.memory_space<vmem>>, vector<2000x128xf32>,
    return
  }
  func.func @transform_0(%arg0: i32) -> (i32, i32) {
    %c0_i32 = arith.constant 0 : i32
    %c0_i32_0 = arith.constant 0 : i32
    %c0_i32_1 = arith.constant 0 : i32
    return %c0_i32, %c0_i32_0 : i32, i32
  }
  func.func @transform_1(%arg0: i32) -> (i32, i32) {
    %c0_i32 = arith.constant 0 : i32
    %c0_i32_0 = arith.constant 0 : i32
    return %arg0, %c0_i32 : i32, i32
  }
  func.func @transform_2(%arg0: i32) -> (i32, i32) {
    %c0_i32 = arith.constant 0 : i32
    %c0_i32_0 = arith.constant 0 : i32
    return %arg0, %c0_i32 : i32, i32
  }
  func.func @transform_3(%arg0: i32) -> (i32, i32) {
    %c0_i32 = arith.constant 0 : i32
    %c0_i32_0 = arith.constant 0 : i32
    return %arg0, %c0_i32 : i32, i32
  }
  func.func @transform_4(%arg0: i32) -> (i32, i32) {
    %c0_i32 = arith.constant 0 : i32
    %c0_i32_0 = arith.constant 0 : i32
    return %arg0, %c0_i32 : i32, i32
  }
  func.func @transform_5(%arg0: i32) -> (i32, i32, i32) {
    %c0_i32 = arith.constant 0 : i32
    %c0_i32_0 = arith.constant 0 : i32
    %c0_i32_1 = arith.constant 0 : i32
    %c0_i32_2 = arith.constant 0 : i32
    return %c0_i32, %c0_i32_0, %c0_i32_1 : i32, i32, i32
  }
  func.func @transform_6(%arg0: i32) -> (i32, i32) {
    %c0_i32 = arith.constant 0 : i32
    %c0_i32_0 = arith.constant 0 : i32
    %c0_i32_1 = arith.constant 0 : i32
    return %c0_i32, %c0_i32_0 : i32, i32
  }
  func.func @transform_7(%arg0: i32) -> (i32, i32) {
    %c0_i32 = arith.constant 0 : i32
    %c0_i32_0 = arith.constant 0 : i32
    %c0_i32_1 = arith.constant 0 : i32
    return %c0_i32, %c0_i32_0 : i32, i32
  }
  func.func @transform_8(%arg0: i32) -> (i32, i32) {
    %c0_i32 = arith.constant 0 : i32
    %c0_i32_0 = arith.constant 0 : i32
    return %arg0, %c0_i32 : i32, i32
  }
}

module attributes {stable_mosaic.version = 14 : i64} {
  func.func @_square_body(%arg0: i32, %arg1: memref<2000x128xf32, #tpu.memory_space<vmem>>, %arg2: memref<2000x128xf32, #tpu.memory_space<vmem>>) attributes {dimension_semantics = [#tpu.dimension_semantics<arbitrary>], iteration_bounds = array<i64: 5>, scalar_prefetch = 0 : i64, scratch_operands = 0 : i64, tpu.core_type = #tpu.core_type<tc>, window_params = [{transform_indices = @transform_0, window_bounds = array<i64: 2000, 128>}, {transform_indices = @transform_1, window_bounds = array<i64: 2000, 128>}]} {
    %get3A = arith.constant 0 : index
    %get3A_0 = arith.constant 0 : index
    %get3A_1 = vector.load %arg1[%get3A, %get3A_0] : memref<2000x128xf32, #tpu.memory_space<vmem>>, vector<2000x128xf32>
    %mul3A = arith.mulf %get3A_1, %get3A_1 : vector<2000x128xf32>
    %swap3A = arith.constant 0 : index
    %swap3A_2 = arith.constant 0 : index
    %swap3A_3 = vector.load %arg2[%swap3A, %swap3A_2] : memref<2000x128xf32, #tpu.memory_space<vmem>>, vector<2000x128xf32>
    tpu.vector_store %arg2[%swap3A, %swap3A_2], %mul3A {strides = array<i32>} : memref<2000x128xf32, #tpu.memory_space<vmem>>, vector<2000x128xf32>,
    return
  }
  func.func @transform_0(%arg0: i32) -> (i32, i32) {
    %c0_i32 = arith.constant 0 : i32
    %c0_i32_0 = arith.constant 0 : i32
    return %arg0, %c0_i32 : i32, i32
  }
  func.func @transform_1(%arg0: i32) -> (i32, i32) {
    %c0_i32 = arith.constant 0 : i32
    %c0_i32_0 = arith.constant 0 : i32
    return %arg0, %c0_i32 : i32, i32
  }
}

</mosaic_0001>

<sc_bundles>
// kernel: kernel.5.cloned.1.call-start
scs
__scs_entry_jumppad:
0x0: {  	(pc) =	sbr.rel $0x88, $3  }
0x1: {  	(tag) =	ssettag $0x0;
	lr =	simm.s32 $0x1  }
0x2: {  	[smem:$0x3F9B] =	sst lr;
	_ =	strace $0xD0000000  }
0x3: {  	_ = 	snop  }
0x4: {  	_ = 	snop  }
0x5: {  	_ = 	snop  }
0x6: {  	_ = 	snop  }
0x7: {  	_ = 	snop  }
__scs_overlays_trampoline_lowered:
0x8: {  	[smem:$0x3FAA] =	sst s0  }
0x9: {  	[smem:$0x3FAB] =	sst s1  }
0xa: {  	[smem:$0x3FAC] =	sst s2  }
0xb: {  	[smem:$0x3FAD] =	sst s3  }
0xc: {  	[smem:$0x3FAE] =	sst s4  }
0xd: {  	[smem:$0x3FAF] =	sst s5  }
0xe: {  	[smem:$0x3FB0] =	sst s6  }
0xf: {  	[smem:$0x3FB1] =	sst s7  }
0x10: {  	[smem:$0x3FB2] =	sst s8  }
0x11: {  	[smem:$0x3FB3] =	sst s9;
	s0 =	simm.s32 @!p0 $0x0  }
0x12: {  	s1 =	sld [smem:$0x3F99];
	s0 =	simm.s32 @p0 $0x1  }
0x13: {  	[smem:$0x3FB4] =	sst s0;
	s0 =	simm.s32 @!p1 $0x0  }
0x14: {  	s2 =	sld [smem:$0x3F98];
	s0 =	simm.s32 @p1 $0x1  }
0x15: {  	[smem:$0x3FB5] =	sst s0;
	s0 =	simm.s32 @!p2 $0x0  }
0x16: {  	s3 =	sld [smem:$0x3FDB];
	s0 =	simm.s32 @p2 $0x1  }
0x17: {  	s4 =	simm.s32 $0x1BF5;
	[smem:$0x3FB7] =	sst s0  }
0x18: {  	s0 =	sld [smem:$0x3F9A];
	_ =	swait.ge [sflag:s4], $0x0  }
0x19: {  	s7 =	sld [smem:$0x3F9B]  }
0x1a: {  	s8 =	sadd.s32 $0xFFFFE003, lr  }
0x1b: {  	s9 =	sadd.s32 $0xFFFFFEF7, lr;
	s5 =	simm.s32 $0xFFFFFFFF;
	p2 =	slt.u32 s8, $0xFFFFF086  }
0x1c: {  	p1 =	slt.u32 s9, $0xF7A;
	s5 =	simm.s32 @!p2 $0x0  }
0x1d: {  	s5 =	simm.s32 @p1 $0x1;
	p0 =	seq.s32 s7, s2  }
0x1e: {  	s7 =	smul.u32 @!p0 $0xF7A, s2;
	p2 =	seq.s32 @!p0 s5, $0x0  }
0x1f: {  	s9 =	smul.u32 $0xF7A, s1;
	s8 =	simm.s32 @!p0 $0x1BF5;
	p2 =	por !p2, p0  }
0x20: {  	[sflag:s8] =	ssyncset.s32 @!p0 $0xFFFFF086;
	s6 =	sadd.s32 @!p0 s3, s7;
	s7 =	simm.s32 @!p0 $0x108  }
0x21: {  	s3 =	sadd.s32 s3, s9;
	s6 =	sadd.s32 @!p0 $0x88, s6;
	s7 =	simm.s32 @p2 $0x1082  }
0x22: {  	[simem:s7], [sflag:s8] =	dma.local @!p0 [hbm:s6], $0xF7A  }
0x23: {  	s9 =	sor.u32 $0xD0000000, s2;
	s6 =	simm.s32 $0x108;
	_ =	swait.ge @!p0 [sflag:s8], $0x0  }
0x24: {  	s3 =	sadd.s32 $0x88, s3;
	s6 =	simm.s32 @!p1 $0x1082;
	[sflag:s4] =	ssyncset.s32 $0xFFFFF086  }
0x25: {  	[simem:s6], [sflag:s4] =	dma.local [hbm:s3], $0xF7A  }
0x26: {  	[smem:$0x3F9B] =	sst s1;
	(tag) =	ssettag s2;
	_ =	strace s9  }
0x27: {  	s1 =	sld [smem:$0x3FAB]  }
0x28: {  	s2 =	sld [smem:$0x3FAC]  }
0x29: {  	s4 =	sld [smem:$0x3FAE]  }
0x2a: {  	p0 =	seq.s32 s5, $0x0;
	s5 =	sld [smem:$0x3FAF]  }
0x2b: {  	s6 =	sld [smem:$0x3FB0]  }
0x2c: {  	s7 =	sld [smem:$0x3FB1]  }
0x2d: {  	s3 =	simm.s32 $0x108;
	s8 =	sld [smem:$0x3FB2]  }
0x2e: {  	s3 =	simm.s32 @!p0 $0x1082;
	s9 =	sld [smem:$0x3FB3]  }
0x2f: {  	lr =	sadd.s32 s0, s3;
	s0 =	sld [smem:$0x3FAA]  }
0x30: {  	s3 =	sld [smem:$0x3FAD]  }
0x31: {  	[smem:$0x3FB6] =	sst s10  }
0x32: {  	s10 =	sld [smem:$0x3FB4];
	_ =	sdelay $0x3  }
0x33: {  	p0 =	seq.s32 s10, $0x1;
	s10 =	sld [smem:$0x3FB6];
	_ =	sdelay $0x3  }
0x34: {  	[smem:$0x3FB6] =	sst s10  }
0x35: {  	s10 =	sld [smem:$0x3FB5];
	_ =	sdelay $0x3  }
0x36: {  	p1 =	seq.s32 s10, $0x1;
	s10 =	sld [smem:$0x3FB6];
	_ =	sdelay $0x3  }
0x37: {  	[smem:$0x3FB6] =	sst s10  }
0x38: {  	s10 =	sld [smem:$0x3FB7]  }
0x39: {  	_ = 	snop;
	(pc) =	sbr.ind lr, $3  }
0x3a: {  	_ = 	snop  }
0x3b: {  	_ = 	snop  }
0x3c: {  	p2 =	seq.s32 s10, $0x1;
	s10 =	sld [smem:$0x3FB6]  }
0x3d: {  	_ =	shalt  }
0x3e: {  	_ =	shalt  }
0x3f: {  	_ =	shalt  }
0x40: {  	_ =	shalt  }
0x41: {  	_ =	shalt  }
0x42: {  	_ =	shalt  }
0x43: {  	_ =	shalt  }
0x44: {  	_ =	shalt  }
0x45: {  	_ =	shalt  }
0x46: {  	_ =	shalt  }
0x47: {  	_ =	shalt  }
0x48: {  	_ =	shalt  }
0x49: {  	_ =	shalt  }
0x4a: {  	_ =	shalt  }
0x4b: {  	_ =	shalt  }
0x4c: {  	_ =	shalt  }
0x4d: {  	_ =	shalt  }
0x4e: {  	_ =	shalt  }
0x4f: {  	_ =	shalt  }
0x50: {  	_ =	shalt  }
0x51: {  	_ =	shalt  }
0x52: {  	_ =	shalt  }
0x53: {  	_ =	shalt  }
0x54: {  	_ =	shalt  }
0x55: {  	_ =	shalt  }
0x56: {  	_ =	shalt  }
0x57: {  	_ =	shalt  }
0x58: {  	_ =	shalt  }
0x59: {  	_ =	shalt  }
0x5a: {  	_ =	shalt  }
0x5b: {  	_ =	shalt  }
0x5c: {  	_ =	shalt  }
0x5d: {  	_ =	shalt  }
0x5e: {  	_ =	shalt  }
0x5f: {  	_ =	shalt  }
0x60: {  	_ =	shalt  }
0x61: {  	_ =	shalt  }
0x62: {  	_ =	shalt  }
0x63: {  	_ =	shalt  }
0x64: {  	_ =	shalt  }
0x65: {  	_ =	shalt  }
0x66: {  	_ =	shalt  }
0x67: {  	_ =	shalt  }
0x68: {  	_ =	shalt  }
0x69: {  	_ =	shalt  }
0x6a: {  	_ =	shalt  }
0x6b: {  	_ =	shalt  }
0x6c: {  	_ =	shalt  }
0x6d: {  	_ =	shalt  }
0x6e: {  	_ =	shalt  }
0x6f: {  	_ =	shalt  }
0x70: {  	_ =	shalt  }
0x71: {  	_ =	shalt  }
0x72: {  	_ =	shalt  }
0x73: {  	_ =	shalt  }
0x74: {  	_ =	shalt  }
0x75: {  	_ =	shalt  }
0x76: {  	_ =	shalt  }
0x77: {  	_ =	shalt  }
0x78: {  	_ =	shalt  }
0x79: {  	_ =	shalt  }
0x7a: {  	_ =	shalt  }
0x7b: {  	_ =	shalt  }
0x7c: {  	_ =	shalt  }
0x7d: {  	_ =	shalt  }
0x7e: {  	_ =	shalt  }
0x7f: {  	_ =	shalt  }
0x80: {  	_ =	shalt  }
0x81: {  	_ =	shalt  }
0x82: {  	_ =	shalt  }
0x83: {  	_ =	shalt  }
0x84: {  	_ =	shalt  }
0x85: {  	_ =	shalt  }
0x86: {  	_ =	shalt  }
0x87: {  	_ =	shalt  }
.Lfunc_end0:
.L_simem_size_0:
called_computation_lowered:
.L_overlay_start_0:
0x88: {  	s2 =	sld [smem:$0x3FD9]  }
0x89: {  	s3 =	sld [smem:$0x3FFE];
	_ =	sdelay $0x1  }
0x8a: {  	s1 =	srdreg.scid  }
0x8b: {  	s0 =	sand.u32 $0x1, s1  }
0x8c: {  	s17 =	sshll.u32 s0, $0xA;
	s2 =	sadd.s32 s3, s2  }
0x8d: {  	s2 =	sadd.s32 s2, s17  }
0x8e: {  	[smem:$0x3FC2] =	sst s2  }
0x8f: {  	_ = 	snop  }
0x90: {  	s2 =	sld [smem:$0x3FC9]  }
0x91: {  	s18 =	sld [smem:$0x3FD0];
	(tm) =	ssettm $0x1  }
0x92: {  	s4 =	sld [smem:$0x3FFB];
	_ =	sdelay $0x3  }
0x93: {  	_ =	strace s4  }
0x94: {  	s4 =	sld [smem:$0x3FFC];
	_ =	sdelay $0x3  }
0x95: {  	_ =	strace s4  }
0x96: {  	s4 =	sld [smem:$0x3FFD];
	_ =	sdelay $0x3  }
0x97: {  	_ =	strace s4  }
0x98: {  	_ =	strace $0x8FFFFFFF  }
0x99: {  	s19 =	sld [smem:$0x3FDB];
	_ =	sdelay $0x1  }
0x9a: {  	s5 =	simm.s32 $_scs_section_size  }
0x9b: {  	s6 =	simm.s32 $_size__tile_overlayer_lowered;
	s7 =	simm.s32 $_tile_overlayer_lowered  }
0x9c: {  	s22 =	simm.s32 $0x1BFF;
	s21 =	sshll.u32 s7, $0x1;
	s4 =	sadd.s32 s5, s19  }
0x9d: {  	s8 =	simm.s32 $0x0;
	s20 =	sshll.u32 s6, $0x1;
	s6 =	sadd.s32 s21, s4  }
0x9e: {  	[timem:s8], [sflag:s22] =	dma.local [hbm:s6], s20  }
0x9f: {  	_ =	swait.ge [sflag:s22], s20  }
0xa0: {  	s5 =	ssub.s32 $0x0, s20;
	[sflag:s22] =	ssyncset.done $0x0  }
0xa1: {  	[sflag:s22] =	ssyncadd.s32 s5;
	_ =	sdelay $0x1  }
0xa2: {  	s23 =	simm.s32 $0x1B8B  }
0xa3: {  	_ =	swait.ge [sflag:s23], $0x1  }
0xa4: {  	[sflag:s23] =	ssyncset.done $0x0  }
0xa5: {  	s25 =	simm.s32 $0x1B8E;
	s24 =	sld [smem:$0x3FFE];
	[sflag:s23] =	ssyncadd.s32 $0xFFFFFFFF  }
0xa6: {  	s26 =	simm.s32 $execute0_lowered;
	[smem:$0x3FD2] =	sst s25  }
0xa7: {  	s6 =	sshll.u32 s26, $0x1;
	_ =	strace $0x80000046;
	[dreg:$0x1] =	wrdreg $0xFFFFFFFF  }
0xa8: {  	s28 =	simm.s32 $_size_execute0_lowered;
	s4 =	sadd.s32 s4, s6;
	[dreg:$0x0] =	wrdreg $0x0  }
0xa9: {  	s6 =	sshll.u32 s28, $0x1;
	[dreg:$0x2] =	wrdreg s4  }
0xaa: {  	[dreg:$0x3] =	wrdreg s6  }
0xab: {  	[dreg:$0x4] =	wrdreg $0xC0  }
0xac: {  	_ =	task [dreg:s8], $0x5FFFF  }
0xad: {  	[dreg:$0x1] =	wrdreg $0xFFFFFFFF  }
0xae: {  	[dreg:$0x0] =	wrdreg $0x60  }
0xaf: {  	[dreg:$0x2] =	wrdreg s2  }
0xb0: {  	[dreg:$0x3] =	wrdreg s18  }
0xb1: {  	[dreg:$0x4] =	wrdreg s24  }
0xb2: {  	[dreg:$0x5] =	wrdreg $0x1E4800  }
0xb3: {  	[dreg:$0x6] =	wrdreg $0xAC000  }
0xb4: {  	[dreg:$0x7] =	wrdreg $0x9  }
0xb5: {  	_ =	task.clear_ibuf [dreg:s8], $0x8FFFF;
	_ =	strace $0x90000046  }
0xb6: {  	s29 =	simm.s32 $0x9;
	_ =	strace $0x80000048  }
0xb7: {  	_ =	swait.ge [sflag:s29], $0x1  }
0xb8: {  	[sflag:s29] =	ssyncadd.s32 $0xFFFFFFFF  }
0xb9: {  	_ =	strace $0x90000048  }
0xba: {  	_ =	sfence  }
0xbb: {  	s30 =	sld [smem:$0x0];
	_ =	sdelay $0x2  }
0xbc: {  	s31 =	sshll.u32 s1, $0xD;
	s1 =	sshrl.u32 s1, $0x2  }
0xbd: {  	s3 =	sand.u32 $0x4000, s31;
	s1 =	sadd.s32 s1, s30  }
0xbe: {  	s0 =	sor.u32 s3, s0;
	s1 =	sshll.u32 s1, $0x11  }
0xbf: {  	s0 =	sor.u32 s1, s0  }
0xc0: {  	s0 =	sadd.s32 $0x8F2B, s0  }
0xc1: {  	[sflag:s0] =	ssyncadd.remote.s32 $0x1  }
0xc2: {  	_ =	sfence.sel $0xFFFF  }
0xc3: {  	[dreg:$0x0] =	wrdreg $0xFFFFFFFF;
	(pc) =	sbr.abs _section_cstart, $3  }
0xc4: {  	[dreg:$0x1] =	wrdreg $0xFFFFFFFF  }
0xc5: {  	_ =	task.clear_ibuf [dreg:s8], $0x2FFFF;
	_ =	strace $0x9FFFFFFF  }
0xc6: {  	(tm) =	ssettm $0x7FFFFFFF  }
0xc7: {  	_ =	shalt  }
tec
execute0_lowered:
.L_overlay_start_1:
0x0: {  	(tag) =	ssettag $0x1  }
0x1: {  	s17 =	rddreg [dreg:$0x0]  }
0x2: {  	s11 =	rddreg [dreg:$0x1]  }
0x3: {  	s0 =	rddreg [dreg:$0x2]  }
0x4: {  	s25 =	rddreg [dreg:$0x3]  }
0x5: {  	s5 =	rddreg [dreg:$0x4];
	s23 =	simm.s32 $0x0  }
0x6: {  	s12 =	stileid.u32;
	s3 =	srdreg.scid;
	s29 =	simm.s32 $0x6  }
0x7: {  	s30 =	simm.s32 $0x4;
	[smem:$0x7FF] =	sst s23;
	s1 =	smul.u32 $0x14000, s12  }
0x8: {  	s2 =	smul.u32 $0x1400, s12;
	s13 =	sadd.s32 $0xB400, s0;
	s14 =	sadd.s32 $0x1600, s0  }
0x9: {  	s3 =	sand.u32 $0x1, s3;
	s21 =	sshll.u32 s12, $0xA;
	s10 =	smul.u32 $0xA00, s12  }
0xa: {  	p3 =	seq.s32 s12, $0xF;
	p0 =	sne.s32 s12, $0xF;
	s15 =	smul.u32 $0x5000, s12  }
0xb: {  	s31 =	sadd.s32 $0x3D200, s0;
	s18 =	smul.u32 $0x50000, s12;
	_ =	strace $0x80000047  }
0xc: {  	s7 =	ssub.s32 $0x2, s3;
	s9 =	sadd.s32 s21, s25;
	[dreg:$0x8] =	wrdreg s14  }
0xd: {  	p4 =	seq.s32 s3, $0x0;
	[dreg:$0x7] =	wrdreg s13;
	p1 =	seq.s32 s3, $0x1  }
0xe: {  	[dreg:$0xe] =	wrdreg s31;
	s31 =	sadd.s32 $0x12C000, s5;
	s4 =	sshrl.u32 s1, $0x3  }
0xf: {  	s6 =	sshrl.u32 s2, $0x3;
	s8 =	sshrl.u32 s7, $0x1;
	s22 =	sadd.s32 s14, s10  }
0x10: {  	s24 =	sadd.s32 s13, s10;
	s26 =	sor.u32 $0x140, s10;
	p2 =	por !p4, !p0  }
0x11: {  	p4 =	por !p4, !p3;
	s1 =	sadd.s32 s1, s5;
	p6 =	por !p0, !p1  }
0x12: {  	s2 =	sadd.s32 s2, s25;
	s20 =	sshrl.u32 s18, $0x2;
	s28 =	sadd.s32 $0x200, s9  }
0x13: {  	[dreg:$0x1d] =	wrdreg s31;
	s18 =	simm.s32 $0xA;
	s4 =	sadd.s32 s4, s0  }
0x14: {  	s6 =	sadd.s32 s6, s0;
	s7 =	ssub.s32 s7, s8;
	[dreg:$0xa] =	wrdreg s22  }
0x15: {  	s8 =	simm.s32 $0x6;
	[dreg:$0xb] =	wrdreg s24;
	s10 =	sadd.s32 s14, s26  }
0x16: {  	p2 =	por !p2, !p2;
	p4 =	por !p4, !p4;
	[dreg:$0x10] =	wrdreg s1  }
0x17: {  	s21 =	sshrl.u32 s2, $0x3;
	s22 =	sadd.s32 $0x138000, s5;
	[dreg:$0xc] =	wrdreg s10  }
0x18: {  	s24 =	sadd.s32 $0x13800, s25;
	s8 =	simm.s32 @!p3 $0xA;
	[dreg:$0x18] =	wrdreg s21  }
0x19: {  	s10 =	sadd.s32 $0x17A00, s4;
	p3 =	por !p3, !p1;
	[dreg:$0x1a] =	wrdreg s22  }
0x1a: {  	s14 =	sadd.s32 $0x3EC00, s4;
	s16 =	sadd.s32 $0x15200, s6;
	[dreg:$0x1b] =	wrdreg s24  }
0x1b: {  	s19 =	smax.u32 s7, $0x1;
	s21 =	simm.s32 $0xA800;
	[dreg:$0x9] =	wrdreg s8  }
0x1c: {  	s4 =	simm.s32 $0x4800;
	s22 =	simm.s32 $0x3;
	[dreg:$0xf] =	wrdreg s10  }
0x1d: {  	s24 =	simm.s32 $0x9;
	s8 =	sadd.s32 s13, s26;
	[dreg:$0x13] =	wrdreg s14  }
0x1e: {  	p5 =	por !p3, !p3;
	s13 =	sadd.s32 $0x64400, s0;
	[dreg:$0x14] =	wrdreg s16  }
0x1f: {  	s0 =	sadd.s32 $0x17780, s0;
	[dreg:$0x15] =	wrdreg s19;
	s26 =	smul.u32 $0x140, s12  }
0x20: {  	s12 =	simm.s32 $0xAA00;
	s16 =	simm.s32 $0x2800;
	[dreg:$0xd] =	wrdreg s8  }
0x21: {  	s19 =	simm.s32 $0x5;
	s14 =	simm.s32 $0x2;
	[dreg:$0x11] =	wrdreg s13  }
0x22: {  	s8 =	simm.s32 @!p4 $0x0;
	[dreg:$0x12] =	wrdreg s0;
	s0 =	sshrl.u32 s15, $0x2  }
0x23: {  	s15 =	simm.s32 $0x7;
	s13 =	simm.s32 $0x1;
	s8 =	simm.s32 @p4 $0x1  }
0x24: {  	p4 =	por !p6, !p6;
	s0 =	sadd.s32 s0, s25;
	[dreg:$0x1c] =	wrdreg s26  }
.Ltmp0:
0x25: {  	[smem:$0x7FC] =	sst s8;
	s1 =	simm.s32 @!p4 $0x0;
	(pc) =	sbr.rel .LBB2_1-.Ltmp0, $4  }
0x26: {  	p6 =	sne.s32 s3, $0x0;
	[dreg:$0x16] =	wrdreg s0;
	s1 =	simm.s32 @p4 $0x1  }
0x27: {  	s0 =	sadd.s32 s20, s5;
	[smem:$0x7FD] =	sst s1;
	s1 =	sadd.s32 $0x12C00, s25  }
0x28: {  	s26 =	simm.s32 $0x40;
	[dreg:$0x17] =	wrdreg s0;
	s0 =	sshrl.u32 @p5 s1, $0x3  }
0x29: {  	v0 =	vimm.f32 $0.0e+00;
	v1 =	vimm.f32 $1.000000000e+00;
	s20 =	simm.s32 $0xB;
	s8 =	simm.s32 $0x6800;
	[dreg:$0x19] =	wrdreg s0  }
.LBB2_38:
0x2a: {  	s0 =	rddreg [dreg:$0x1d]  }
0x2b: {  	s1 =	rddreg [dreg:$0xe];
	s2 =	simm.s32 $0x1FCB;
	s0 =	sshrl.u32 s0, $0x3  }
0x2c: {  	[hbm:s1], [sflag:s2] =	dma.local [spmem:s0], $0x1900  }
0x2d: {  	_ =	swait.ge [sflag:s20], $0x1900  }
0x2e: {  	[sflag:s20] =	ssyncset.done $0x0  }
0x2f: {  	[sflag:s20] =	ssyncadd.s32 $0xFFFFE700  }
.LBB2_39:
0x30: {  	s0 =	rddreg [dreg:$0x1d]  }
0x31: {  	s1 =	simm.s32 @p5 $0x1FCB;
	s2 =	rddreg [dreg:$0x11];
	s0 =	sshrl.u32 @p5 s0, $0x3  }
0x32: {  	[hbm:s2], [sflag:s1] =	dma.local @p5 [spmem:s0], $0x1900  }
0x33: {  	s0 =	simm.s32 @p5 $0xB  }
0x34: {  	_ =	swait.ge @p5 [sflag:s0], $0x1900  }
0x35: {  	[sflag:s0] =	ssyncset.done @p5 $0x0;
	s2 =	rddreg [dreg:$0x12]  }
0x36: {  	s4 =	rddreg [dreg:$0x19];
	[sflag:s0] =	ssyncadd.s32 @p5 $0xFFFFE700  }
0x37: {  	[hbm:s2], [sflag:s1] =	dma.local @p5 [spmem:s4], $0x190  }
0x38: {  	_ =	swait.ge @p5 [sflag:s0], $0x190  }
0x39: {  	[sflag:s0] =	ssyncset.done @p5 $0x0  }
0x3a: {  	s4 =	simm.s32 $0x4800;
	[sflag:s0] =	ssyncadd.s32 @p5 $0xFFFFFE70  }
.LBB2_40:
0x3b: {  	s23 =	sadd.s32 $0x1, s23;
	s0 =	rddreg [dreg:$0x15]  }
0x3c: {  	p3 =	sne.s32 s23, s0  }
.Ltmp1:
0x3d: {  	_ = 	snop;
	(pc) =	sbr.rel @!p3 .LBB2_41-.Ltmp1, $1  }
0x3e: {  	_ =	sdelay $0x3  }
.LBB2_1:
0x3f: {  	s0 =	simm.s32 $0x0  }
.LBB2_2:
0x40: {  	p3 =	sne.s32 s0, $0x7FC0  }
.Ltmp2:
0x41: {  	_ = 	snop;
	(pc) =	sbr.rel @p3 .LBB2_2-.Ltmp2, $4  }
0x42: {  	_ = 	snop  }
0x43: {  	s1 =	sshra.s32 s0, $0x2  }
0x44: {  	[tilespmem:s1+$0x2800] =	vst v0  }
0x45: {  	s0 =	sadd.s32 $0x40, s0;
	[tilespmem:s1+$0x4800] =	vst v1  }
0x46: {  	s0 =	simm.s32 $0x2800;
	s1 =	sadd.s32 $0x0, s9  }
0x47: {  	[spmem:s1] =	stream.linear.scatter [tilespmem:s0], [sflag:$0xB], $0x8, $0x38;
	[tilespmem:$0x1F808] =	vst v63  }
0x48: {  	s1 =	simm.s32 $0x20  }
.LBB2_4:
0x49: {  	p3 =	sne.s32 s1, $0x7E0  }
.Ltmp3:
0x4a: {  	_ = 	snop;
	(pc) =	sbr.rel @p3 .LBB2_4-.Ltmp3, $4  }
0x4b: {  	_ = 	snop  }
0x4c: {  	s2 =	sshra.s32 s1, $0x2;
	s1 =	sadd.s32 $0x20, s1  }
0x4d: {  	s0 =	sadd.s32 $0x80, s0;
	s2 =	sadd.s32 s2, s9  }
0x4e: {  	[spmem:s2] =	stream.linear.scatter [tilespmem:s0], [sflag:$0xB], $0x8, $0x38;
	[tilespmem:$0x1F808] =	vst v63  }
0x4f: {  	_ =	swait.ge [sflag:s20], $0x200  }
0x50: {  	[sflag:s20] =	ssyncset.done $0x0  }
0x51: {  	s0 =	simm.s32 $0x4800;
	s1 =	sadd.s32 $0x0, s28;
	[sflag:s20] =	ssyncadd.s32 $0xFFFFFE00  }
0x52: {  	[spmem:s1] =	stream.linear.scatter [tilespmem:s0], [sflag:$0xB], $0x8, $0x38;
	[tilespmem:$0x1F808] =	vst v63  }
0x53: {  	s1 =	simm.s32 $0x20  }
.LBB2_6:
0x54: {  	p3 =	sne.s32 s1, $0x7E0  }
.Ltmp4:
0x55: {  	_ = 	snop;
	(pc) =	sbr.rel @p3 .LBB2_6-.Ltmp4, $4  }
0x56: {  	_ = 	snop  }
0x57: {  	s2 =	sshra.s32 s1, $0x2;
	s1 =	sadd.s32 $0x20, s1  }
0x58: {  	s0 =	sadd.s32 $0x80, s0;
	s2 =	sadd.s32 s2, s28  }
0x59: {  	[spmem:s2] =	stream.linear.scatter [tilespmem:s0], [sflag:$0xB], $0x8, $0x38;
	[tilespmem:$0x1F808] =	vst v63  }
0x5a: {  	_ =	swait.ge [sflag:s20], $0x200  }
0x5b: {  	[sflag:s20] =	ssyncset.done $0x0  }
0x5c: {  	[sflag:s20] =	ssyncadd.s32 $0xFFFFFE00  }
0x5d: {  	[tilespmem:s21], [sflag:$0xB] =	stream.linear.gather [spmem:s9], $0x200, $0x38;
	[tilespmem:$0x1F808] =	vst v63  }
0x5e: {  	_ =	swait.ge [sflag:s20], $0x200  }
0x5f: {  	[sflag:s20] =	ssyncset.done $0x0  }
0x60: {  	[sflag:s20] =	ssyncadd.s32 $0xFFFFFE00  }
0x61: {  	[tilespmem:s12], [sflag:$0xB] =	stream.linear.gather [spmem:s28], $0x200, $0x38;
	[tilespmem:$0x1F808] =	vst v63  }
0x62: {  	_ =	swait.ge [sflag:s20], $0x200  }
0x63: {  	[sflag:s20] =	ssyncset.done $0x0  }
0x64: {  	s2 =	rddreg [dreg:$0x17];
	[sflag:s20] =	ssyncadd.s32 $0xFFFFFE00  }
0x65: {  	[spmem:s2] =	stream.linear.scatter [tilespmem:s16], [sflag:$0xB], $0x2000, $0x38;
	[tilespmem:$0x1F808] =	vst v63  }
0x66: {  	_ =	swait.ge [sflag:s20], $0x2000  }
0x67: {  	s0 =	rddreg [dreg:$0x9]  }
0x68: {  	p3 =	sne.s32 s0, $0x1  }
.Ltmp5:
0x69: {  	[sflag:s20] =	ssyncset.done $0x0;
	(pc) =	sbr.rel @!p3 .LBB2_9-.Ltmp5, $4  }
0x6a: {  	s1 =	rddreg [dreg:$0x16];
	[sflag:s20] =	ssyncadd.s32 $0xFFFFE000  }
0x6b: {  	[spmem:s1] =	stream.linear.scatter [tilespmem:s21], [sflag:$0xB], $0x200, $0x38;
	[tilespmem:$0x1F808] =	vst v63  }
0x6c: {  	_ =	swait.ge [sflag:s20], $0x200  }
0x6d: {  	s0 =	sadd.s32 $0xFFFFFFFF, s0;
	[sflag:s20] =	ssyncset.done $0x0  }
.LBB2_8:
0x6e: {  	[sflag:s20] =	ssyncadd.s32 $0xFFFFFE00;
	s1 =	sadd.s32 $0x200, s1;
	s2 =	sadd.s32 $0x2000, s2  }
0x6f: {  	[spmem:s2] =	stream.linear.scatter [tilespmem:s16], [sflag:$0xB], $0x2000, $0x38;
	[tilespmem:$0x1F808] =	vst v63  }
0x70: {  	p3 =	sne.s32 s0, $0x1;
	s0 =	sadd.s32 $0xFFFFFFFF, s0;
	_ =	swait.ge [sflag:s20], $0x2000  }
.Ltmp6:
0x71: {  	[sflag:s20] =	ssyncset.done $0x0;
	(pc) =	sbr.rel @p3 .LBB2_8-.Ltmp6, $4  }
0x72: {  	[sflag:s20] =	ssyncadd.s32 $0xFFFFE000  }
0x73: {  	[spmem:s1] =	stream.linear.scatter [tilespmem:s21], [sflag:$0xB], $0x200, $0x38;
	[tilespmem:$0x1F808] =	vst v63  }
0x74: {  	_ =	swait.ge [sflag:s20], $0x200  }
0x75: {  	[sflag:s20] =	ssyncset.done $0x0  }
.LBB2_9:
0x76: {  	[sflag:s20] =	ssyncadd.s32 $0xFFFFFE00;
	s0 =	simm.s32 @!p0 $0x2800;
	s1 =	rddreg [dreg:$0x1a]  }
0x77: {  	[spmem:s1] =	stream.linear.scatter @!p0 [tilespmem:s0], [sflag:$0xB], $0x800, $0x38;
	[tilespmem:$0x1F808] =	vst v63  }
0x78: {  	s0 =	simm.s32 @!p0 $0xB  }
0x79: {  	_ =	swait.ge @!p0 [sflag:s0], $0x800  }
0x7a: {  	[sflag:s0] =	ssyncset.done @!p0 $0x0  }
0x7b: {  	s1 =	simm.s32 @!p0 $0xA800;
	s2 =	rddreg [dreg:$0x1b];
	[sflag:s0] =	ssyncadd.s32 @!p0 $0xFFFFF800  }
0x7c: {  	[spmem:s2] =	stream.linear.scatter @!p0 [tilespmem:s1], [sflag:$0xB], $0x80, $0x38;
	[tilespmem:$0x1F808] =	vst v63  }
.Ltmp7:
0x7d: {  	_ =	swait.ge @!p0 [sflag:s0], $0x80;
	(pc) =	sbr.rel @p6 .LBB2_18-.Ltmp7, $4  }
0x7e: {  	[sflag:s0] =	ssyncset.done @!p0 $0x0  }
0x7f: {  	[sflag:s0] =	ssyncadd.s32 @!p0 $0xFFFFFF80  }
0x80: {  	s31 =	simm.s32 @!p0 $0x5;
	[bflag:$0x0] =	sbarrier.arrive $0xFFFF  }
0x81: {  	s31 =	simm.s32 @p0 $0x8  }
0x82: {  	s10 =	simm.s32 $0x0;
	s0 =	rddreg [dreg:$0xa];
	s1 =	simm.s32 $0x1400  }
0x83: {  	[tilespmem:s1], [sflag:$0xB] =	stream.linear.gather [hbm4b:s0+s10], $0xA00, $0x38;
	[tilespmem:$0x1F808] =	vst v63  }
0x84: {  	_ =	swait.ge [sflag:s20], $0xA00  }
0x85: {  	[sflag:s20] =	ssyncset.done $0x0  }
0x86: {  	s2 =	rddreg [dreg:$0xb];
	[sflag:s20] =	ssyncadd.s32 $0xFFFFF600  }
0x87: {  	[tilespmem:s10], [sflag:$0xB] =	stream.linear.gather [hbm4b:s2+s10], $0xA00, $0x38;
	[tilespmem:$0x1F808] =	vst v63  }
0x88: {  	_ =	swait.ge [sflag:s20], $0xA00  }
0x89: {  	s6 =	simm.s32 $0x1E00;
	[sflag:s20] =	ssyncset.done $0x0  }
.Ltmp8:
0x8a: {  	s3 =	rddreg [dreg:$0xc];
	[sflag:s20] =	ssyncadd.s32 $0xFFFFF600;
	(pc) =	sbr.rel .LBB2_11-.Ltmp8, $4  }
0x8b: {  	[tilespmem:s6], [sflag:$0xA] =	stream.linear.gather [hbm4b:s3+s10], $0xA00, $0x38;
	[tilespmem:$0x1F808] =	vst v63  }
0x8c: {  	s12 =	smov.u32 s23;
	s23 =	simm.s32 $0xA00;
	s7 =	rddreg [dreg:$0xd]  }
0x8d: {  	[tilespmem:s23], [sflag:$0xA] =	stream.linear.gather [hbm4b:s7+s10], $0xA00, $0x38;
	[tilespmem:$0x1F808] =	vst v63  }
0x8e: {  	s6 =	simm.s32 $0x0;
	s23 =	smul.u32 $0xA00, s31  }
.LBB2_12:
0x8f: {  	_ =	swait.ge [sflag:s18], $0xA00  }
0x90: {  	[sflag:s18] =	ssyncset.done $0x0  }
0x91: {  	[sflag:s18] =	ssyncadd.s32 $0xFFFFF600  }
0x92: {  	_ =	swait.ge [sflag:s18], $0xA00  }
0x93: {  	[sflag:s18] =	ssyncset.done $0x0  }
0x94: {  	[sflag:s18] =	ssyncadd.s32 $0xFFFFF600  }
.LBB2_13:
0x95: {  	s2 =	ssub.s32 s7, s2;
	_ =	swait.ge [sflag:s19], $0x2000  }
0x96: {  	[sflag:s19] =	ssyncset.done $0x0;
	s7 =	sadd.s32 s2, s10  }
0x97: {  	[sflag:s19] =	ssyncadd.s32 $0xFFFFE000;
	s2 =	sadd.s32 $0x1400, s7  }
0x98: {  	[tilespmem:s16], [sflag:$0x1] =	stream.indirect.gather [hbm4b:s17+s26], $0x80, s2, s26, $0xb8;
	[tilespmem:$0x1F808] =	vst v63  }
0x99: {  	_ =	swait.ge [sflag:s29], $0x2000  }
0x9a: {  	[sflag:s29] =	ssyncset.done $0x0  }
0x9b: {  	s1 =	sadd.s32 @p3 $0x1, s1;
	s3 =	sadd.s32 $0x1440, s7;
	[sflag:s29] =	ssyncadd.s32 $0xFFFFE000  }
0x9c: {  	[tilespmem:s4], [sflag:$0x2] =	stream.indirect.gather [hbm4b:s17+s26], $0x80, s3, s26, $0xb8;
	[tilespmem:$0x1F808] =	vst v63  }
0x9d: {  	p4 =	sge.u32 @p3 s1, s31;
	_ =	swait.ge [sflag:s15], $0x2000  }
0x9e: {  	p3 =	por p4, !p3;
	[sflag:s15] =	ssyncset.done $0x0  }
0x9f: {  	s3 =	sadd.s32 $0x1480, s7;
	s4 =	simm.s32 $0x8;
	[sflag:s15] =	ssyncadd.s32 $0xFFFFE000  }
0xa0: {  	[tilespmem:s8], [sflag:$0x3] =	stream.indirect.gather [hbm4b:s17+s26], $0x80, s3, s26, $0xb8;
	[tilespmem:$0x1F808] =	vst v63  }
0xa1: {  	s1 =	smul.u32 @!p3 $0x28, s1;
	s0 =	sxor.u32 @!p3 $0x1, s0;
	_ =	swait.ge [sflag:s4], $0x2000  }
0xa2: {  	s8 =	sadd.s32 $0x14C0, s7;
	[sflag:s4] =	ssyncset.done $0x0;
	s2 =	rddreg [dreg:$0x1c]  }
0xa3: {  	s3 =	simm.s32 $0x8800;
	[sflag:s4] =	ssyncadd.s32 $0xFFFFE000;
	s1 =	sadd.s32 @!p3 s2, s1  }
0xa4: {  	[tilespmem:s3], [sflag:$0x4] =	stream.indirect.gather [hbm4b:s17+s26], $0x80, s8, s26, $0xb8;
	[tilespmem:$0x1F808] =	vst v63  }
0xa5: {  	s0 =	smul.u32 @!p3 $0xA00, s0;
	s1 =	sshll.u32 @!p3 s1, $0x3  }
0xa6: {  	s4 =	rddreg [dreg:$0x8];
	s1 =	sand.u32 @!p3 $0x1FFFFFC0, s1  }
0xa7: {  	s2 =	sadd.s32 @!p3 $0x1400, s0;
	s8 =	simm.s32 @!p3 $0x0;
	s4 =	sadd.s32 @!p3 s4, s1  }
0xa8: {  	[tilespmem:s2], [sflag:$0xA] =	stream.linear.gather @!p3 [hbm4b:s4+s8], $0xA00, $0x38;
	[tilespmem:$0x1F808] =	vst v63  }
0xa9: {  	s2 =	rddreg [dreg:$0x7]  }
0xaa: {  	s4 =	simm.s32 $0x4800;
	s1 =	sadd.s32 @!p3 s2, s1;
	s2 =	sadd.s32 $0x80, s7  }
0xab: {  	[tilespmem:s0], [sflag:$0xA] =	stream.linear.gather @!p3 [hbm4b:s1+s8], $0xA00, $0x38;
	[tilespmem:$0x1F808] =	vst v63  }
0xac: {  	s8 =	simm.s32 $0x6800;
	s1 =	sadd.s32 $0x40, s7;
	s0 =	sadd.s32 $0xC0, s7  }
.LBB2_16:
0xad: {  	_ =	swait.ge [sflag:s13], $0x2000  }
0xae: {  	[sflag:s13] =	ssyncset.done $0x0  }
0xaf: {  	[sflag:s13] =	ssyncadd.s32 $0xFFFFE000  }
0xb0: {  	[spmem:s5] =	stream.indirect.scatter.add.f32 [tilespmem:s16], [sflag:$0x5], $0x80, s7, s26, $0xb8;
	[tilespmem:$0x1F808] =	vst v63  }
0xb1: {  	_ =	swait.ge [sflag:s14], $0x2000  }
0xb2: {  	[sflag:s14] =	ssyncset.done $0x0  }
0xb3: {  	[sflag:s14] =	ssyncadd.s32 $0xFFFFE000  }
0xb4: {  	[spmem:s5] =	stream.indirect.scatter.add.f32 [tilespmem:s4], [sflag:$0x6], $0x80, s1, s26, $0xb8;
	[tilespmem:$0x1F808] =	vst v63  }
0xb5: {  	_ =	swait.ge [sflag:s22], $0x2000  }
0xb6: {  	s10 =	sadd.s32 $0x100, s10;
	[sflag:s22] =	ssyncset.done $0x0  }
0xb7: {  	p3 =	sne.s32 s23, s10;
	[sflag:s22] =	ssyncadd.s32 $0xFFFFE000  }
0xb8: {  	[spmem:s5] =	stream.indirect.scatter.add.f32 [tilespmem:s8], [sflag:$0x7], $0x80, s2, s26, $0xb8;
	[tilespmem:$0x1F808] =	vst v63  }
.Ltmp9:
0xb9: {  	_ = 	snop;
	(pc) =	sbr.rel @!p3 .LBB2_17-.Ltmp9, $4  }
0xba: {  	_ =	swait.ge [sflag:s30], $0x2000  }
0xbb: {  	[sflag:s30] =	ssyncset.done $0x0  }
0xbc: {  	s6 =	sadd.s32 $0x1, s6;
	[sflag:s30] =	ssyncadd.s32 $0xFFFFE000  }
0xbd: {  	[spmem:s5] =	stream.indirect.scatter.add.f32 [tilespmem:s3], [sflag:$0x8], $0x80, s0, s26, $0xb8;
	[tilespmem:$0x1F808] =	vst v63  }
.LBB2_11:
0xbe: {  	s0 =	smulhi.u32 $0xCCCCCCCD, s6;
	_ =	sdelay $0x1  }
0xbf: {  	s1 =	sshrl.u32 s0, $0x3  }
0xc0: {  	s2 =	smul.u32 $0xA00, s1;
	_ =	sdelay $0x1  }
0xc1: {  	p4 =	sgt.u32 s6, $0x9;
	p3 =	seq.s32 s2, s10  }
0xc2: {  	p3 =	por !p4, !p3  }
0xc3: {  	p3 =	por !p3, !p3  }
.Ltmp10:
0xc4: {  	_ = 	snop;
	(pc) =	sbr.rel @p3 .LBB2_12-.Ltmp10, $3  }
0xc5: {  	_ =	sdelay $0x1  }
0xc6: {  	s0 =	sand.u32 $0x1, s1  }
0xc7: {  	s7 =	smul.u32 $0xA00, s0  }
0xc8: {  	p4 =	sne.s32 s10, $0x0  }
.Ltmp11:
0xc9: {  	_ = 	snop;
	(pc) =	sbr.rel @p4 .LBB2_13-.Ltmp11, $1  }
0xca: {  	_ =	sdelay $0x3  }
0xcb: {  	s0 =	sadd.s32 $0x1400, s7;
	s1 =	simm.s32 $0x40  }
0xcc: {  	[tilespmem:s16], [sflag:$0x1] =	stream.indirect.gather [hbm4b:s17+s1], $0x80, s0, s1, $0xb8;
	[tilespmem:$0x1F808] =	vst v63  }
0xcd: {  	s2 =	simm.s32 $0x1440  }
0xce: {  	[tilespmem:s4], [sflag:$0x2] =	stream.indirect.gather [hbm4b:s17+s1], $0x80, s2, s1, $0xb8;
	[tilespmem:$0x1F808] =	vst v63  }
.Ltmp12:
0xcf: {  	s3 =	simm.s32 $0x1480;
	(pc) =	sbr.rel .LBB2_16-.Ltmp12, $4  }
0xd0: {  	[tilespmem:s8], [sflag:$0x3] =	stream.indirect.gather [hbm4b:s17+s1], $0x80, s3, s1, $0xb8;
	[tilespmem:$0x1F808] =	vst v63  }
0xd1: {  	s2 =	simm.s32 $0x14C0;
	s3 =	simm.s32 $0x8800  }
0xd2: {  	[tilespmem:s3], [sflag:$0x4] =	stream.indirect.gather [hbm4b:s17+s1], $0x80, s2, s1, $0xb8;
	[tilespmem:$0x1F808] =	vst v63  }
0xd3: {  	s0 =	simm.s32 $0xC0;
	s2 =	simm.s32 $0x80  }
.LBB2_17:
0xd4: {  	_ =	swait.ge [sflag:s19], $0x2000  }
0xd5: {  	[sflag:s19] =	ssyncset.done $0x0  }
0xd6: {  	[sflag:s19] =	ssyncadd.s32 $0xFFFFE000  }
0xd7: {  	_ =	swait.ge [sflag:s29], $0x2000  }
0xd8: {  	[sflag:s29] =	ssyncset.done $0x0  }
0xd9: {  	[sflag:s29] =	ssyncadd.s32 $0xFFFFE000  }
0xda: {  	_ =	swait.ge [sflag:s15], $0x2000  }
0xdb: {  	[sflag:s15] =	ssyncset.done $0x0  }
0xdc: {  	s0 =	simm.s32 $0x8;
	[sflag:s15] =	ssyncadd.s32 $0xFFFFE000  }
0xdd: {  	_ =	swait.ge [sflag:s0], $0x2000  }
0xde: {  	[sflag:s0] =	ssyncset.done $0x0  }
0xdf: {  	s23 =	smov.u32 s12;
	s12 =	simm.s32 $0xAA00;
	[sflag:s0] =	ssyncadd.s32 $0xFFFFE000  }
.LBB2_18:
.Ltmp13:
0xe0: {  	(pc) =	sbr.rel @!p1 .LBB2_33-.Ltmp13, $1  }
0xe1: {  	_ =	sdelay $0x3  }
0xe2: {  	[dreg:$0x6] =	wrdreg s23  }
0xe3: {  	s10 =	simm.s32 $0x0;
	s0 =	rddreg [dreg:$0xa];
	s1 =	simm.s32 $0x1400  }
0xe4: {  	[tilespmem:s1], [sflag:$0xB] =	stream.linear.gather [hbm4b:s0+s10], $0xA00, $0x38;
	[tilespmem:$0x1F808] =	vst v63  }
0xe5: {  	_ =	swait.ge [sflag:s20], $0xA00  }
0xe6: {  	[sflag:s20] =	ssyncset.done $0x0  }
0xe7: {  	s3 =	rddreg [dreg:$0xb];
	[sflag:s20] =	ssyncadd.s32 $0xFFFFF600  }
0xe8: {  	[tilespmem:s10], [sflag:$0xB] =	stream.linear.gather [hbm4b:s3+s10], $0xA00, $0x38;
	[tilespmem:$0x1F808] =	vst v63  }
0xe9: {  	_ =	swait.ge [sflag:s20], $0xA00  }
0xea: {  	s7 =	simm.s32 $0x1E00;
	[sflag:s20] =	ssyncset.done $0x0  }
.Ltmp14:
0xeb: {  	s6 =	rddreg [dreg:$0xc];
	[sflag:s20] =	ssyncadd.s32 $0xFFFFF600;
	(pc) =	sbr.rel .LBB2_20-.Ltmp14, $4  }
0xec: {  	[tilespmem:s7], [sflag:$0xA] =	stream.linear.gather [hbm4b:s6+s10], $0xA00, $0x38;
	[tilespmem:$0x1F808] =	vst v63  }
0xed: {  	s23 =	simm.s32 $0xA00;
	s8 =	rddreg [dreg:$0xd]  }
0xee: {  	[tilespmem:s23], [sflag:$0xA] =	stream.linear.gather [hbm4b:s8+s10], $0xA00, $0x38;
	[tilespmem:$0x1F808] =	vst v63  }
0xef: {  	s23 =	smul.u32 $0xA, s31  }
.LBB2_23:
0xf0: {  	s4 =	simm.s32 $0x4800;
	s8 =	simm.s32 $0x6800;
	s3 =	simm.s32 $0x8800  }
.LBB2_29:
0xf1: {  	_ =	swait.ge [sflag:s13], $0x2000  }
0xf2: {  	[sflag:s13] =	ssyncset.done $0x0  }
0xf3: {  	[sflag:s13] =	ssyncadd.s32 $0xFFFFE000  }
0xf4: {  	[spmem:s5] =	stream.indirect.scatter.add.f32 [tilespmem:s16], [sflag:$0x5], $0x80, s6, s26, $0xb8;
	[tilespmem:$0x1F808] =	vst v63  }
0xf5: {  	_ = 	snop  }
0xf6: {  	[spmem:s25] =	stream.indirect.scatter.add.f32 [tilespmem:s12], [sflag:$0x9], $0x8, s6, s26, $0xb8;
	[tilespmem:$0x1F808] =	vst v63  }
0xf7: {  	_ =	swait.ge [sflag:s14], $0x2000  }
0xf8: {  	[sflag:s14] =	ssyncset.done $0x0  }
0xf9: {  	[sflag:s14] =	ssyncadd.s32 $0xFFFFE000  }
0xfa: {  	[spmem:s5] =	stream.indirect.scatter.add.f32 [tilespmem:s4], [sflag:$0x6], $0x80, s1, s26, $0xb8;
	[tilespmem:$0x1F808] =	vst v63  }
0xfb: {  	_ = 	snop  }
0xfc: {  	[spmem:s25] =	stream.indirect.scatter.add.f32 [tilespmem:s12], [sflag:$0x9], $0x8, s1, s26, $0xb8;
	[tilespmem:$0x1F808] =	vst v63  }
0xfd: {  	_ =	swait.ge [sflag:s22], $0x2000  }
0xfe: {  	[sflag:s22] =	ssyncset.done $0x0  }
0xff: {  	[sflag:s22] =	ssyncadd.s32 $0xFFFFE000  }
0x100: {  	[spmem:s5] =	stream.indirect.scatter.add.f32 [tilespmem:s8], [sflag:$0x7], $0x80, s2, s26, $0xb8;
	[tilespmem:$0x1F808] =	vst v63  }
0x101: {  	s10 =	sadd.s32 $0x1, s10  }
0x102: {  	[spmem:s25] =	stream.indirect.scatter.add.f32 [tilespmem:s12], [sflag:$0x9], $0x8, s2, s26, $0xb8;
	[tilespmem:$0x1F808] =	vst v63  }
0x103: {  	p3 =	sne.s32 s10, s23;
	_ =	swait.ge [sflag:s30], $0x2000  }
.Ltmp15:
0x104: {  	[sflag:s30] =	ssyncset.done $0x0;
	(pc) =	sbr.rel @!p3 .LBB2_30-.Ltmp15, $4  }
0x105: {  	[sflag:s30] =	ssyncadd.s32 $0xFFFFE000  }
0x106: {  	[spmem:s5] =	stream.indirect.scatter.add.f32 [tilespmem:s3], [sflag:$0x8], $0x80, s0, s26, $0xb8;
	[tilespmem:$0x1F808] =	vst v63  }
0x107: {  	_ = 	snop  }
0x108: {  	[spmem:s25] =	stream.indirect.scatter.add.f32 [tilespmem:s12], [sflag:$0x9], $0x8, s0, s26, $0xb8;
	[tilespmem:$0x1F808] =	vst v63  }
.LBB2_20:
0x109: {  	s0 =	smulhi.u32 $0xCCCCCCCD, s10;
	_ =	sdelay $0x1  }
0x10a: {  	s7 =	sshrl.u32 s0, $0x3  }
0x10b: {  	s0 =	smul.u32 $0xA, s7;
	_ =	sdelay $0x1  }
0x10c: {  	s0 =	ssub.s32 s10, s0  }
0x10d: {  	p4 =	sgt.u32 s10, $0x9;
	p3 =	seq.s32 s0, $0x0  }
0x10e: {  	p3 =	por !p4, !p3  }
0x10f: {  	p3 =	por !p3, !p3  }
.Ltmp16:
0x110: {  	_ = 	snop;
	(pc) =	sbr.rel @!p3 .LBB2_24-.Ltmp16, $2  }
0x111: {  	_ =	sdelay $0x2  }
0x112: {  	s3 =	simm.s32 $0x8800;
	s2 =	simm.s32 $0x6800;
	s8 =	sand.u32 $0x1, s7  }
0x113: {  	_ =	swait.ge [sflag:s18], $0xA00  }
.Ltmp17:
0x114: {  	[sflag:s18] =	ssyncset.done $0x0;
	(pc) =	sbr.rel .LBB2_22-.Ltmp17, $4  }
0x115: {  	[sflag:s18] =	ssyncadd.s32 $0xFFFFF600  }
0x116: {  	_ =	swait.ge [sflag:s18], $0xA00  }
0x117: {  	[sflag:s18] =	ssyncset.done $0x0  }
0x118: {  	[sflag:s18] =	ssyncadd.s32 $0xFFFFF600  }
.LBB2_24:
0x119: {  	p4 =	sne.s32 s10, $0x0  }
.Ltmp18:
0x11a: {  	_ = 	snop;
	(pc) =	sbr.rel @!p4 .LBB2_25-.Ltmp18, $1  }
0x11b: {  	_ =	sdelay $0x3  }
.LBB2_22:
0x11c: {  	s1 =	smul.u32 $0xA00, s8  }
0x11d: {  	s0 =	sshll.u32 s0, $0x8;
	_ =	swait.ge [sflag:s19], $0x2000  }
0x11e: {  	[sflag:s19] =	ssyncset.done $0x0;
	s6 =	sadd.s32 s0, s1  }
0x11f: {  	[sflag:s19] =	ssyncadd.s32 $0xFFFFE000;
	s0 =	sadd.s32 $0x1400, s6  }
0x120: {  	[tilespmem:s16], [sflag:$0x1] =	stream.indirect.gather [hbm4b:s11+s26], $0x80, s0, s26, $0xb8;
	[tilespmem:$0x1F808] =	vst v63  }
0x121: {  	_ =	swait.ge [sflag:s29], $0x2000  }
0x122: {  	[sflag:s29] =	ssyncset.done $0x0  }
0x123: {  	s1 =	sadd.s32 $0x1440, s6;
	[sflag:s29] =	ssyncadd.s32 $0xFFFFE000  }
0x124: {  	[tilespmem:s4], [sflag:$0x2] =	stream.indirect.gather [hbm4b:s11+s26], $0x80, s1, s26, $0xb8;
	[tilespmem:$0x1F808] =	vst v63  }
0x125: {  	_ =	swait.ge [sflag:s15], $0x2000  }
0x126: {  	[sflag:s15] =	ssyncset.done $0x0  }
0x127: {  	s1 =	sadd.s32 $0x1480, s6;
	[sflag:s15] =	ssyncadd.s32 $0xFFFFE000  }
0x128: {  	[tilespmem:s2], [sflag:$0x3] =	stream.indirect.gather [hbm4b:s11+s26], $0x80, s1, s26, $0xb8;
	[tilespmem:$0x1F808] =	vst v63  }
0x129: {  	s2 =	simm.s32 $0x8  }
.Ltmp19:
0x12a: {  	_ =	swait.ge [sflag:s2], $0x2000;
	(pc) =	sbr.rel @!p3 .LBB2_23-.Ltmp19, $4  }
0x12b: {  	[sflag:s2] =	ssyncset.done $0x0  }
0x12c: {  	s0 =	sadd.s32 $0xC0, s6;
	s4 =	sadd.s32 $0x14C0, s6;
	[sflag:s2] =	ssyncadd.s32 $0xFFFFE000  }
0x12d: {  	[tilespmem:s3], [sflag:$0x4] =	stream.indirect.gather [hbm4b:s11+s26], $0x80, s4, s26, $0xb8;
	[tilespmem:$0x1F808] =	vst v63  }
0x12e: {  	s1 =	sadd.s32 $0x40, s6;
	s2 =	sadd.s32 $0x80, s6;
	s4 =	simm.s32 $0x28  }
0x12f: {  	s29 =	smov.u32 s25;
	s12 =	smov.u32 s11;
	_ =	swait.ge [sflag:s24], $0x200  }
0x130: {  	s11 =	smov.u32 s17;
	s4 =	sadd.s32 $0xFFFFFFFF, s4;
	[sflag:s24] =	ssyncset.done $0x0  }
.LBB2_27:
0x131: {  	p3 =	sne.s32 s4, $0x1;
	s4 =	sadd.s32 $0xFFFFFFFF, s4;
	[sflag:s24] =	ssyncadd.s32 $0xFFFFFE00  }
.Ltmp20:
0x132: {  	(pc) =	sbr.rel @p3 .LBB2_27-.Ltmp20, $3  }
0x133: {  	_ =	sdelay $0x1  }
0x134: {  	_ =	swait.ge [sflag:s24], $0x200  }
0x135: {  	[sflag:s24] =	ssyncset.done $0x0  }
0x136: {  	s4 =	sadd.s32 $0x1, s7  }
0x137: {  	p3 =	sge.u32 s4, s31  }
0x138: {  	s4 =	smul.u32 @!p3 $0x28, s4  }
0x139: {  	s7 =	sxor.u32 @!p3 $0x1, s8;
	s8 =	rddreg [dreg:$0x1c]  }
0x13a: {  	s4 =	sadd.s32 @!p3 s8, s4  }
0x13b: {  	s7 =	smul.u32 @!p3 $0xA00, s7;
	s4 =	sshll.u32 @!p3 s4, $0x3  }
0x13c: {  	[sflag:s24] =	ssyncadd.s32 $0xFFFFFE00;
	s17 =	rddreg [dreg:$0x8];
	s4 =	sand.u32 @!p3 $0x1FFFFFC0, s4  }
0x13d: {  	s8 =	sadd.s32 @!p3 $0x1400, s7;
	s25 =	sadd.s32 @!p3 s17, s4;
	s17 =	simm.s32 @!p3 $0x0  }
0x13e: {  	[tilespmem:s8], [sflag:$0xA] =	stream.linear.gather @!p3 [hbm4b:s25+s17], $0xA00, $0x38;
	[tilespmem:$0x1F808] =	vst v63  }
.Ltmp21:
0x13f: {  	s8 =	rddreg [dreg:$0x7];
	(pc) =	sbr.rel .LBB2_29-.Ltmp21, $4  }
0x140: {  	s3 =	simm.s32 $0x8800;
	s25 =	smov.u32 s29;
	s4 =	sadd.s32 @!p3 s8, s4  }
0x141: {  	[tilespmem:s7], [sflag:$0xA] =	stream.linear.gather @!p3 [hbm4b:s4+s17], $0xA00, $0x38;
	[tilespmem:$0x1F808] =	vst v63  }
0x142: {  	s29 =	simm.s32 $0x6;
	s8 =	simm.s32 $0x6800;
	s17 =	smov.u32 s11  }
0x143: {  	s11 =	smov.u32 s12;
	s12 =	simm.s32 $0xAA00;
	s4 =	simm.s32 $0x4800  }
.LBB2_25:
0x144: {  	s6 =	smul.u32 $0xA00, s8;
	_ =	sdelay $0x1  }
0x145: {  	s1 =	simm.s32 $0x40;
	s0 =	sadd.s32 $0x1400, s6  }
0x146: {  	[tilespmem:s16], [sflag:$0x1] =	stream.indirect.gather [hbm4b:s11+s1], $0x80, s0, s1, $0xb8;
	[tilespmem:$0x1F808] =	vst v63  }
0x147: {  	s2 =	simm.s32 $0x1440  }
0x148: {  	[tilespmem:s4], [sflag:$0x2] =	stream.indirect.gather [hbm4b:s11+s1], $0x80, s2, s1, $0xb8;
	[tilespmem:$0x1F808] =	vst v63  }
.Ltmp22:
0x149: {  	_ = 	snop;
	(pc) =	sbr.rel .LBB2_29-.Ltmp22, $4  }
0x14a: {  	s8 =	simm.s32 $0x6800;
	s3 =	simm.s32 $0x1480;
	s7 =	simm.s32 $0x14C0  }
0x14b: {  	[tilespmem:s8], [sflag:$0x3] =	stream.indirect.gather [hbm4b:s11+s1], $0x80, s3, s1, $0xb8;
	[tilespmem:$0x1F808] =	vst v63  }
0x14c: {  	s0 =	simm.s32 $0xC0;
	s2 =	simm.s32 $0x80;
	s3 =	simm.s32 $0x8800  }
0x14d: {  	[tilespmem:s3], [sflag:$0x4] =	stream.indirect.gather [hbm4b:s11+s1], $0x80, s7, s1, $0xb8;
	[tilespmem:$0x1F808] =	vst v63  }
.LBB2_30:
0x14e: {  	_ =	swait.ge [sflag:s19], $0x2000  }
0x14f: {  	[sflag:s19] =	ssyncset.done $0x0  }
0x150: {  	[sflag:s19] =	ssyncadd.s32 $0xFFFFE000  }
0x151: {  	_ =	swait.ge [sflag:s29], $0x2000  }
0x152: {  	[sflag:s29] =	ssyncset.done $0x0  }
0x153: {  	[sflag:s29] =	ssyncadd.s32 $0xFFFFE000  }
0x154: {  	_ =	swait.ge [sflag:s15], $0x2000  }
0x155: {  	[sflag:s15] =	ssyncset.done $0x0  }
0x156: {  	s0 =	simm.s32 $0x8;
	[sflag:s15] =	ssyncadd.s32 $0xFFFFE000  }
0x157: {  	_ =	swait.ge [sflag:s0], $0x2000  }
0x158: {  	[sflag:s0] =	ssyncset.done $0x0  }
0x159: {  	[sflag:s0] =	ssyncadd.s32 $0xFFFFE000  }
0x15a: {  	_ =	swait.ge [sflag:s24], $0x200  }
0x15b: {  	s0 =	simm.s32 $0x27;
	[sflag:s24] =	ssyncset.done $0x0  }
.LBB2_31:
0x15c: {  	p3 =	sne.s32 s0, $0x1;
	s0 =	sadd.s32 $0xFFFFFFFF, s0;
	[sflag:s24] =	ssyncadd.s32 $0xFFFFFE00  }
.Ltmp23:
0x15d: {  	(pc) =	sbr.rel @p3 .LBB2_31-.Ltmp23, $3  }
0x15e: {  	_ =	sdelay $0x1  }
0x15f: {  	_ =	swait.ge [sflag:s24], $0x200  }
0x160: {  	[sflag:s24] =	ssyncset.done $0x0  }
0x161: {  	[sflag:s24] =	ssyncadd.s32 $0xFFFFFE00;
	s23 =	rddreg [dreg:$0x6]  }
.LBB2_33:
.Ltmp24:
0x162: {  	(pc) =	sbr.rel @!p2 .LBB2_37-.Ltmp24, $2  }
0x163: {  	_ =	sdelay $0x1  }
0x164: {  	[bflag:$0x0] =	sbarrier.arrive $0xFFFF;
	_ =	sdelay $0x1  }
0x165: {  	s0 =	stileid.u32;
	s1 =	rddreg [dreg:$0x10]  }
0x166: {  	s2 =	rddreg [dreg:$0xf];
	s0 =	sshll.u32 s0, $0x6  }
.Ltmp25:
0x167: {  	s1 =	sshrl.u32 s1, $0x3;
	s0 =	sor.u32 $0x1C0B, s0;
	(pc) =	sbr.rel .LBB2_35-.Ltmp25, $4  }
0x168: {  	[hbm:s2], [sflag:s0] =	dma.local [spmem:s1], $0x2800  }
0x169: {  	_ =	swait.ge [sflag:s20], $0x2800  }
0x16a: {  	[sflag:s20] =	ssyncset.done $0x0  }
0x16b: {  	[sflag:s20] =	ssyncadd.s32 $0xFFFFD800  }
.LBB2_37:
0x16c: {  	s0 =	sld [smem:$0x7FC];
	_ =	sdelay $0x2  }
0x16d: {  	p3 =	seq.s32 s0, $0x1  }
.Ltmp26:
0x16e: {  	_ = 	snop;
	(pc) =	sbr.rel @p3 .LBB2_38-.Ltmp26, $1  }
0x16f: {  	_ =	sdelay $0x3  }
.LBB2_35:
0x170: {  	s0 =	sld [smem:$0x7FD];
	_ =	sdelay $0x2  }
0x171: {  	p3 =	seq.s32 s0, $0x1  }
.Ltmp27:
0x172: {  	_ = 	snop;
	(pc) =	sbr.rel @!p3 .LBB2_39-.Ltmp27, $1  }
0x173: {  	_ =	sdelay $0x3  }
0x174: {  	s0 =	stileid.u32  }
0x175: {  	s1 =	rddreg [dreg:$0x10];
	s0 =	sshll.u32 s0, $0x6  }
0x176: {  	s2 =	rddreg [dreg:$0x13];
	s1 =	sshrl.u32 s1, $0x3;
	s0 =	sor.u32 $0x1C0B, s0  }
0x177: {  	[hbm:s2], [sflag:s0] =	dma.local [spmem:s1], $0x2800  }
0x178: {  	_ =	swait.ge [sflag:s20], $0x2800  }
0x179: {  	[sflag:s20] =	ssyncset.done $0x0;
	s10 =	rddreg [dreg:$0x14]  }
.Ltmp28:
0x17a: {  	s31 =	rddreg [dreg:$0x18];
	[sflag:s20] =	ssyncadd.s32 $0xFFFFD800;
	(pc) =	sbr.rel .LBB2_40-.Ltmp28, $4  }
0x17b: {  	[hbm:s10], [sflag:s0] =	dma.local [spmem:s31], $0x280  }
0x17c: {  	_ =	swait.ge [sflag:s20], $0x280  }
0x17d: {  	[sflag:s20] =	ssyncset.done $0x0  }
0x17e: {  	[sflag:s20] =	ssyncadd.s32 $0xFFFFFD80  }
.LBB2_41:
0x17f: {  	_ =	sfence.sel $0x180000  }
0x180: {  	[bflag:$0x0] =	sbarrier.arrive $0xFFFF  }
0x181: {  	_ =	strace $0x90000047  }
0x182: {  	s0 =	stileid.u32;
	[bflag:$0x2] =	sbarrier.arrive $0xFFFF  }
0x183: {  	p0 =	sne.s32 s0, $0x0;
	s0 =	rddreg [dreg:$0x5]  }
0x184: {  	s0 =	sadd.s32 @!p0 $0x100000, s0  }
0x185: {  	[sflag:s0] =	ssyncadd.tile.s32 @!p0 $0x1;
	_ =	shalt  }
.Lfunc_end2:
_tile_overlayer_lowered:
.L_overlay_start_2:
0x186: {  	(tag) =	ssettag $0x2  }
0x187: {  	s0 =	rddreg [dreg:$0x0];
	s2 =	stileid.u32  }
0x188: {  	s1 =	rddreg [dreg:$0x1];
	p0 =	sne.s32 s2, $0x0  }
0x189: {  	s3 =	rddreg [dreg:$0x2];
	[bflag:$0x3] =	sbarrier.arrive $0xFFFF;
	s2 =	simm.s32 @!p0 $0x1C0B  }
0x18a: {  	[timem:s3], [sflag:s2] =	dma.local @!p0 [hbm:s0], s1  }
0x18b: {  	s0 =	simm.s32 @!p0 $0xB  }
0x18c: {  	_ =	swait.ge @!p0 [sflag:s0], s1  }
0x18d: {  	s1 =	ssub.s32 @!p0 $0x0, s1;
	[sflag:s0] =	ssyncset.done @!p0 $0x0  }
0x18e: {  	[sflag:s0] =	ssyncadd.s32 @!p0 s1  }
0x18f: {  	[bflag:$0x3] =	sbarrier.arrive $0xFFFF  }
0x190: {  	_ =	shalt  }

</sc_bundles>
